<compile_context>
chip_gen: v7x
topology: tpu7x:2x2x1
jax: 0.10.2.dev20260603
libtpu: 0.0.44.dev20260713+nightly
codegen_flags: <defaults>
</compile_context>

<pallas_src>
import functools

import jax
import jax.numpy as jnp
from jax import lax
from jax.experimental import pallas as pl
from jax.experimental.pallas import tpu as pltpu
from jax.experimental.pallas import tpu_sc as plsc

N = 10000
E = 320000
D = 128
NC = 2
NS = 16
NW = NC * NS
CHUNK = 128
CPW = 80
EPW = CPW * CHUNK
E_PAD = EPW * NW
N_ACC = 10240
RPS = N_ACC // NS
DUMMY = N + 8


SB = 8
NSB = CPW // SB


def _sc_agg_body(compute_deg, g_hbm, h_hbm, z_hbm, zd_hbm, *rest):
    if compute_deg:
        (agg_out, deg_out, idx_s, idx_d, buf_a, buf_b, deg_v, acc_sh,
         sem_a, sem_b, sem_i, sem_sa, sem_sb) = rest
    else:
        (agg_out, idx_s, idx_d, buf_a, buf_b, acc_sh,
         sem_a, sem_b, sem_i, sem_sa, sem_sb) = rest
        deg_out = deg_v = None

    cid = lax.axis_index("c")
    sid = lax.axis_index("s")
    w = cid * NS + sid
    bufs = (buf_a, buf_b)
    sems = (sem_a, sem_b)
    ssems = (sem_sa, sem_sb)

    ones16 = jnp.ones((16,), jnp.float32)

    def deg_update(p, j):
        if compute_deg:
            for k in range(CHUNK // 16):
                idx16 = idx_d[p, j, pl.ds(k * 16, 16)]
                plsc.addupdate_scatter(deg_v, [idx16], ones16)

    def idx_load(s_clamped, half, sem):
        pltpu.async_copy(g_hbm.at[0, w, s_clamped], idx_s.at[half], sem)
        pltpu.async_copy(g_hbm.at[1, w, s_clamped], idx_d.at[half], sem)

    def idx_wait(s_clamped, half, sem):
        pltpu.make_async_copy(g_hbm.at[0, w, s_clamped], idx_s.at[half],
                              sem).wait()
        pltpu.make_async_copy(g_hbm.at[1, w, s_clamped], idx_d.at[half],
                              sem).wait()

    idx_load(0, 0, sem_b)
    idx_load(1, 1, sem_i)
    if compute_deg:
        pltpu.async_copy(zd_hbm, deg_v, sem_a)
    pltpu.sync_copy(z_hbm, buf_a)
    for r in range(RPS // CHUNK):
        pltpu.sync_copy(buf_a, acc_sh.at[pl.ds(sid * RPS + r * CHUNK, CHUNK)])
    if compute_deg:
        pltpu.make_async_copy(zd_hbm, deg_v, sem_a).wait()
    idx_wait(0, 0, sem_b)

    plsc.subcore_barrier()

    pltpu.async_copy(h_hbm.at[idx_s.at[0, 0]], buf_a, sem_a)

    def sb_body(s, carry):
        p = lax.rem(s, 2)
        pn = lax.rem(s + 1, 2)
        for j in range(SB):
            if j == SB - 2:
                idx_wait(jnp.minimum(s + 1, NSB - 1), pn, sem_i)
            pltpu.make_async_copy(
                h_hbm.at[idx_s.at[p, j]], bufs[j % 2], sems[j % 2]).wait()
            if j == 0:
                @pl.when(s > 0)
                def _wait_prev():
                    pltpu.make_async_copy(
                        bufs[1], acc_sh.at[idx_d.at[p, 0]], ssems[1]).wait()
            else:
                pltpu.make_async_copy(
                    bufs[(j + 1) % 2], acc_sh.at[idx_d.at[p, j]],
                    ssems[(j + 1) % 2]).wait()
            if j < SB - 1:
                nxt_idx = idx_s.at[p, j + 1]
            else:
                nxt_idx = idx_s.at[pn, 0]
            pltpu.async_copy(h_hbm.at[nxt_idx], bufs[(j + 1) % 2],
                             sems[(j + 1) % 2])
            pltpu.async_copy(bufs[j % 2], acc_sh.at[idx_d.at[p, j]],
                             ssems[j % 2], add=True)
            deg_update(p, j)
        idx_load(jnp.minimum(s + 2, NSB - 1), p, sem_i)
        return carry

    lax.fori_loop(0, NSB, sb_body, 0)
    pltpu.make_async_copy(bufs[(CPW - 1) % 2],
                          acc_sh.at[idx_d.at[(NSB - 1) % 2, SB - 1]],
                          ssems[(CPW - 1) % 2]).wait()
    idx_wait(NSB - 1, (NSB - 1) % 2, sem_i)
    pltpu.make_async_copy(h_hbm.at[idx_s.at[0, 0]], buf_a, sem_a).wait()

    plsc.subcore_barrier()

    pltpu.sync_copy(acc_sh.at[pl.ds(sid * RPS, RPS)],
                    agg_out.at[cid, pl.ds(sid * RPS, RPS)])
    if compute_deg:
        pltpu.sync_copy(deg_v, deg_out.at[w])


def _make_sc_agg(compute_deg):
    out_type = [jax.ShapeDtypeStruct((NC, N_ACC, D), jnp.float32)]
    scratch = [
        pltpu.VMEM((2, SB, CHUNK), jnp.int32),
        pltpu.VMEM((2, SB, CHUNK), jnp.int32),
        pltpu.VMEM((CHUNK, D), jnp.float32),
        pltpu.VMEM((CHUNK, D), jnp.float32),
    ]
    if compute_deg:
        out_type.append(jax.ShapeDtypeStruct((NW, N_ACC), jnp.float32))
        scratch.append(pltpu.VMEM((N_ACC,), jnp.float32))
    scratch.append(pltpu.VMEM_SHARED((N_ACC, D), jnp.float32))
    scratch.append(pltpu.SemaphoreType.DMA)
    scratch.append(pltpu.SemaphoreType.DMA)
    scratch.append(pltpu.SemaphoreType.DMA)
    scratch.append(pltpu.SemaphoreType.DMA)
    scratch.append(pltpu.SemaphoreType.DMA)

    return pl.kernel(
        functools.partial(_sc_agg_body, compute_deg),
        out_type=out_type,
        mesh=plsc.VectorSubcoreMesh(core_axis_name="c", subcore_axis_name="s"),
        scratch_types=scratch,
        compiler_params=pltpu.CompilerParams(needs_layout_passes=False),
    )


_sc_agg_deg = _make_sc_agg(True)
_sc_agg = _make_sc_agg(False)


_R = 400


def _dense_body(h_ref, a_ref, d_ref, ws_ref, wn_ref, b_ref, o_ref):
    a = a_ref[0] + a_ref[1]
    deg = jnp.sum(d_ref[...], axis=1)
    inv = 1.0 / jnp.maximum(deg, 1.0)
    hn = a * inv[:, None]
    acc = jnp.dot(h_ref[...], ws_ref[...], preferred_element_type=jnp.float32)
    acc = acc + jnp.dot(hn, wn_ref[...], preferred_element_type=jnp.float32)
    o_ref[...] = jnp.maximum(acc + b_ref[0:1, :], 0.0)


def _dense(h, agg, deg_t, W_self, W_neigh, b2d):
    return pl.pallas_call(
        _dense_body,
        grid=(N // _R,),
        in_specs=[
            pl.BlockSpec((_R, D), lambda i: (i, 0)),
            pl.BlockSpec((NC, _R, D), lambda i: (0, i, 0)),
            pl.BlockSpec((_R, NW), lambda i: (i, 0)),
            pl.BlockSpec((D, D), lambda i: (0, 0)),
            pl.BlockSpec((D, D), lambda i: (0, 0)),
            pl.BlockSpec((8, D), lambda i: (0, 0)),
        ],
        out_specs=pl.BlockSpec((_R, D), lambda i: (i, 0)),
        out_shape=jax.ShapeDtypeStruct((N, D), jnp.float32),
    )(h, agg, deg_t, W_self, W_neigh, b2d)


@jax.jit
def kernel(g, inputs, W_self1, W_neigh1, b1, W_self2, W_neigh2, b2):
    pad = E_PAD - E
    pad_src = (jnp.arange(pad, dtype=jnp.int32) * 131) % N
    pad_dst = DUMMY + (jnp.arange(pad, dtype=jnp.int32) % 32)
    g_p = jnp.concatenate(
        [g, jnp.stack([pad_src, pad_dst])], axis=1).reshape(
        2, NW, NSB, SB, CHUNK)
    z = jnp.zeros((CHUNK, D), jnp.float32)
    zd = jnp.zeros((N_ACC,), jnp.float32)
    b1_2 = jnp.broadcast_to(b1, (8, D))
    b2_2 = jnp.broadcast_to(b2, (8, D))

    agg1, deg_parts = _sc_agg_deg(g_p, inputs, z, zd)
    deg_t = deg_parts.T
    h1 = _dense(inputs, agg1, deg_t, W_self1, W_neigh1, b1_2)
    (agg2,) = _sc_agg(g_p, h1, z, zd)
    h2 = _dense(h1, agg2, deg_t, W_self2, W_neigh2, b2_2)
    return h2

# --- scband reference (transcript-rebuilt; emitter-appended) ---
"""Pipeline reference for scband-sage-7851200217530 (READ-ONLY COPY).

The authoritative reference and input builder live on the scoring server;
editing this copy changes nothing except your own understanding.
"""

import jax, jax.numpy as jnp
import numpy as np

N = 10000
E = 320000
D = 128


def setup_inputs(seed: int = 0) -> dict:
    key = jax.random.key(seed)
    ks = jax.random.split(key, 9)
    g = jax.random.randint(ks[0], (2, E), 0, N, dtype=jnp.int32)
    inputs = jax.random.normal(ks[1], (N, D), dtype=jnp.float32)
    s = 1.0 / np.sqrt(D)
    W_self1 = jax.random.uniform(ks[2], (D, D), jnp.float32, -s, s)
    W_neigh1 = jax.random.uniform(ks[3], (D, D), jnp.float32, -s, s)
    b1 = jax.random.uniform(ks[4], (D,), jnp.float32, -s, s)
    W_self2 = jax.random.uniform(ks[5], (D, D), jnp.float32, -s, s)
    W_neigh2 = jax.random.uniform(ks[6], (D, D), jnp.float32, -s, s)
    b2 = jax.random.uniform(ks[7], (D,), jnp.float32, -s, s)
    return {"g": g, "inputs": inputs, "W_self1": W_self1, "W_neigh1": W_neigh1,
            "b1": b1, "W_self2": W_self2, "W_neigh2": W_neigh2, "b2": b2}


def _sage_layer(h, src, dst, W_self, W_neigh, b):
    # DGL SAGEConv with aggregator_type='mean':
    # h_neigh = mean over in-neighbor features; rst = fc_self(h) + fc_neigh(h_neigh)
    msg = jnp.take(h, src, axis=0)                      # gather over edges
    agg = jax.ops.segment_sum(msg, dst, num_segments=N)  # scatter-add by dst
    deg = jax.ops.segment_sum(jnp.ones((src.shape[0],), h.dtype), dst, num_segments=N)
    h_neigh = agg / jnp.clip(deg, 1.0, None)[:, None]
    rst = h @ W_self + b + h_neigh @ W_neigh
    return jax.nn.relu(rst)  # activation=relu; norm=None -> identity; dropout p=0.0


def reference(g, inputs, W_self1, W_neigh1, b1, W_self2, W_neigh2, b2):
    src = g[0]
    dst = g[1]
    h = inputs
    h = _sage_layer(h, src, dst, W_self1, W_neigh1, b1)
    h = _sage_layer(h, src, dst, W_self2, W_neigh2, b2)
    return h

if __name__ == "__main__":
    import jax
    _d = setup_inputs()
    print(jax.jit(kernel)(*tuple(_d.values())))

</pallas_src>

<mosaic_0001>
#map = affine_map<(d0, d1) -> (0, 0, 0, 0, 0)>
#map1 = affine_map<(d0, d1) -> (0, 0)>
#map2 = affine_map<(d0, d1) -> (0)>
#map3 = affine_map<(d0, d1) -> (0, 0, 0)>
module attributes {stable_mosaic.version = 14 : i64} {
  func.func @_sc_agg_body(%arg0: i32, %arg1: i32, %arg2: memref<2x32x10x8x128xi32, #tpu.memory_space<hbm>>, %arg3: memref<10000x128xf32, #tpu.memory_space<hbm>>, %arg4: memref<128x128xf32, #tpu.memory_space<hbm>>, %arg5: memref<10240xf32, #tpu.memory_space<hbm>>, %arg6: memref<2x10240x128xf32, #tpu.memory_space<hbm>>, %arg7: memref<2x8x128xi32, #tpu.memory_space<vmem>>, %arg8: memref<2x8x128xi32, #tpu.memory_space<vmem>>, %arg9: memref<128x128xf32, #tpu.memory_space<vmem>>, %arg10: memref<128x128xf32, #tpu.memory_space<vmem>>, %arg11: memref<10240x128xf32, #tpu.memory_space<vmem_shared>>, %arg12: memref<!tpu.dma_semaphore, #tpu.memory_space<semaphore_mem>>, %arg13: memref<!tpu.dma_semaphore, #tpu.memory_space<semaphore_mem>>, %arg14: memref<!tpu.dma_semaphore, #tpu.memory_space<semaphore_mem>>, %arg15: memref<!tpu.dma_semaphore, #tpu.memory_space<semaphore_mem>>, %arg16: memref<!tpu.dma_semaphore, #tpu.memory_space<semaphore_mem>>) attributes {dimension_semantics = [#tpu.dimension_semantics<core_parallel>, #tpu.dimension_semantics<subcore_parallel>], iteration_bounds = array<i64: 2, 16>, scalar_prefetch = 0 : i64, scratch_operands = 10 : i64, tpu.core_type = #tpu.core_type<sc_vector_subcore>, window_params = [{transform_indices = #map}, {transform_indices = #map1}, {transform_indices = #map1}, {transform_indices = #map2}, {transform_indices = #map3}]} {
    %mul3A = arith.constant 16 : i32
    %mul3A_0 = arith.muli %arg0, %mul3A : i32
    %add3A = arith.addi %mul3A_0, %arg1 : i32
    %broadcast_in_dim3A = arith.constant 1.000000e+00 : f32
    %broadcast_in_dim3A_1 = vector.broadcast %broadcast_in_dim3A : f32 to vector<16xf32>
    %dma_start3A = arith.constant 0 : i32
    %dma_start3A_2 = arith.constant 0 : i32
    %dma_start3A_3 = arith.constant 0 : i32
    %dma_start3A_4 = arith.constant 0 : i32
    %dma_start3A_5 = arith.constant 0 : i32
    %dma_start3A_6 = tpu.memref_slice %arg7[%dma_start3A_3, %dma_start3A_4, %dma_start3A_5] : memref<2x8x128xi32, #tpu.memory_space<vmem>> -> memref<1x8x128xi32, #tpu.memory_space<vmem>>
    %dma_start3A_7 = tpu.memref_squeeze %dma_start3A_6 : memref<1x8x128xi32, #tpu.memory_space<vmem>> -> memref<8x128xi32, #tpu.memory_space<vmem>>
    %dma_start3A_8 = arith.constant 0 : i32
    %dma_start3A_9 = arith.constant 0 : i32
    %dma_start3A_10 = tpu.memref_slice %arg2[%dma_start3A, %add3A, %dma_start3A_2, %dma_start3A_8, %dma_start3A_9] : memref<2x32x10x8x128xi32, #tpu.memory_space<hbm>> -> memref<1x1x1x8x128xi32, #tpu.memory_space<hbm>>
    %dma_start3A_11 = tpu.memref_squeeze %dma_start3A_10 : memref<1x1x1x8x128xi32, #tpu.memory_space<hbm>> -> memref<8x128xi32, #tpu.memory_space<hbm>>
    %dma_start3A_12 = arith.constant 0 : i32
    %dma_start3A_13 = arith.constant 0 : i32
    %dma_start3A_14 = tpu.memref_slice %arg7[%dma_start3A_3, %dma_start3A_12, %dma_start3A_13] : memref<2x8x128xi32, #tpu.memory_space<vmem>> -> memref<1x8x128xi32, #tpu.memory_space<vmem>>
    %dma_start3A_15 = tpu.memref_squeeze %dma_start3A_14 : memref<1x8x128xi32, #tpu.memory_space<vmem>> -> memref<8x128xi32, #tpu.memory_space<vmem>>
    %dma_start3A_16 = arith.constant 0 : i32
    %dma_start3A_17 = arith.constant 0 : i32
    %dma_start3A_18 = tpu.memref_slice %arg2[%dma_start3A, %add3A, %dma_start3A_2, %dma_start3A_16, %dma_start3A_17] : memref<2x32x10x8x128xi32, #tpu.memory_space<hbm>> -> memref<1x1x1x8x128xi32, #tpu.memory_space<hbm>>
    %dma_start3A_19 = tpu.memref_squeeze %dma_start3A_18 : memref<1x1x1x8x128xi32, #tpu.memory_space<hbm>> -> memref<8x128xi32, #tpu.memory_space<hbm>>
    tpu.enqueue_dma source(%dma_start3A_19 : memref<8x128xi32, #tpu.memory_space<hbm>>) target(%dma_start3A_15 : memref<8x128xi32, #tpu.memory_space<vmem>>) target_semaphore(%arg13 : memref<!tpu.dma_semaphore, #tpu.memory_space<semaphore_mem>>)
    %dma_start3A_20 = arith.constant 1 : i32
    %dma_start3A_21 = arith.constant 0 : i32
    %dma_start3A_22 = arith.constant 0 : i32
    %dma_start3A_23 = arith.constant 0 : i32
    %dma_start3A_24 = arith.constant 0 : i32
    %dma_start3A_25 = tpu.memref_slice %arg8[%dma_start3A_22, %dma_start3A_23, %dma_start3A_24] : memref<2x8x128xi32, #tpu.memory_space<vmem>> -> memref<1x8x128xi32, #tpu.memory_space<vmem>>
    %dma_start3A_26 = tpu.memref_squeeze %dma_start3A_25 : memref<1x8x128xi32, #tpu.memory_space<vmem>> -> memref<8x128xi32, #tpu.memory_space<vmem>>
    %dma_start3A_27 = arith.constant 0 : i32
    %dma_start3A_28 = arith.constant 0 : i32
    %dma_start3A_29 = tpu.memref_slice %arg2[%dma_start3A_20, %add3A, %dma_start3A_21, %dma_start3A_27, %dma_start3A_28] : memref<2x32x10x8x128xi32, #tpu.memory_space<hbm>> -> memref<1x1x1x8x128xi32, #tpu.memory_space<hbm>>
    %dma_start3A_30 = tpu.memref_squeeze %dma_start3A_29 : memref<1x1x1x8x128xi32, #tpu.memory_space<hbm>> -> memref<8x128xi32, #tpu.memory_space<hbm>>
    %dma_start3A_31 = arith.constant 0 : i32
    %dma_start3A_32 = arith.constant 0 : i32
    %dma_start3A_33 = tpu.memref_slice %arg8[%dma_start3A_22, %dma_start3A_31, %dma_start3A_32] : memref<2x8x128xi32, #tpu.memory_space<vmem>> -> memref<1x8x128xi32, #tpu.memory_space<vmem>>
    %dma_start3A_34 = tpu.memref_squeeze %dma_start3A_33 : memref<1x8x128xi32, #tpu.memory_space<vmem>> -> memref<8x128xi32, #tpu.memory_space<vmem>>
    %dma_start3A_35 = arith.constant 0 : i32
    %dma_start3A_36 = arith.constant 0 : i32
    %dma_start3A_37 = tpu.memref_slice %arg2[%dma_start3A_20, %add3A, %dma_start3A_21, %dma_start3A_35, %dma_start3A_36] : memref<2x32x10x8x128xi32, #tpu.memory_space<hbm>> -> memref<1x1x1x8x128xi32, #tpu.memory_space<hbm>>
    %dma_start3A_38 = tpu.memref_squeeze %dma_start3A_37 : memref<1x1x1x8x128xi32, #tpu.memory_space<hbm>> -> memref<8x128xi32, #tpu.memory_space<hbm>>
    tpu.enqueue_dma source(%dma_start3A_38 : memref<8x128xi32, #tpu.memory_space<hbm>>) target(%dma_start3A_34 : memref<8x128xi32, #tpu.memory_space<vmem>>) target_semaphore(%arg13 : memref<!tpu.dma_semaphore, #tpu.memory_space<semaphore_mem>>)
    %dma_start3A_39 = arith.constant 0 : i32
    %dma_start3A_40 = arith.constant 1 : i32
    %dma_start3A_41 = arith.constant 1 : i32
    %dma_start3A_42 = arith.constant 0 : i32
    %dma_start3A_43 = arith.constant 0 : i32
    %dma_start3A_44 = tpu.memref_slice %arg7[%dma_start3A_41, %dma_start3A_42, %dma_start3A_43] : memref<2x8x128xi32, #tpu.memory_space<vmem>> -> memref<1x8x128xi32, #tpu.memory_space<vmem>>
    %dma_start3A_45 = tpu.memref_squeeze %dma_start3A_44 : memref<1x8x128xi32, #tpu.memory_space<vmem>> -> memref<8x128xi32, #tpu.memory_space<vmem>>
    %dma_start3A_46 = arith.constant 0 : i32
    %dma_start3A_47 = arith.constant 0 : i32
    %dma_start3A_48 = tpu.memref_slice %arg2[%dma_start3A_39, %add3A, %dma_start3A_40, %dma_start3A_46, %dma_start3A_47] : memref<2x32x10x8x128xi32, #tpu.memory_space<hbm>> -> memref<1x1x1x8x128xi32, #tpu.memory_space<hbm>>
    %dma_start3A_49 = tpu.memref_squeeze %dma_start3A_48 : memref<1x1x1x8x128xi32, #tpu.memory_space<hbm>> -> memref<8x128xi32, #tpu.memory_space<hbm>>
    %dma_start3A_50 = arith.constant 0 : i32
    %dma_start3A_51 = arith.constant 0 : i32
    %dma_start3A_52 = tpu.memref_slice %arg7[%dma_start3A_41, %dma_start3A_50, %dma_start3A_51] : memref<2x8x128xi32, #tpu.memory_space<vmem>> -> memref<1x8x128xi32, #tpu.memory_space<vmem>>
    %dma_start3A_53 = tpu.memref_squeeze %dma_start3A_52 : memref<1x8x128xi32, #tpu.memory_space<vmem>> -> memref<8x128xi32, #tpu.memory_space<vmem>>
    %dma_start3A_54 = arith.constant 0 : i32
    %dma_start3A_55 = arith.constant 0 : i32
    %dma_start3A_56 = tpu.memref_slice %arg2[%dma_start3A_39, %add3A, %dma_start3A_40, %dma_start3A_54, %dma_start3A_55] : memref<2x32x10x8x128xi32, #tpu.memory_space<hbm>> -> memref<1x1x1x8x128xi32, #tpu.memory_space<hbm>>
    %dma_start3A_57 = tpu.memref_squeeze %dma_start3A_56 : memref<1x1x1x8x128xi32, #tpu.memory_space<hbm>> -> memref<8x128xi32, #tpu.memory_space<hbm>>
    tpu.enqueue_dma source(%dma_start3A_57 : memref<8x128xi32, #tpu.memory_space<hbm>>) target(%dma_start3A_53 : memref<8x128xi32, #tpu.memory_space<vmem>>) target_semaphore(%arg14 : memref<!tpu.dma_semaphore, #tpu.memory_space<semaphore_mem>>)
    %dma_start3A_58 = arith.constant 1 : i32
    %dma_start3A_59 = arith.constant 1 : i32
    %dma_start3A_60 = arith.constant 1 : i32
    %dma_start3A_61 = arith.constant 0 : i32
    %dma_start3A_62 = arith.constant 0 : i32
    %dma_start3A_63 = tpu.memref_slice %arg8[%dma_start3A_60, %dma_start3A_61, %dma_start3A_62] : memref<2x8x128xi32, #tpu.memory_space<vmem>> -> memref<1x8x128xi32, #tpu.memory_space<vmem>>
    %dma_start3A_64 = tpu.memref_squeeze %dma_start3A_63 : memref<1x8x128xi32, #tpu.memory_space<vmem>> -> memref<8x128xi32, #tpu.memory_space<vmem>>
    %dma_start3A_65 = arith.constant 0 : i32
    %dma_start3A_66 = arith.constant 0 : i32
    %dma_start3A_67 = tpu.memref_slice %arg2[%dma_start3A_58, %add3A, %dma_start3A_59, %dma_start3A_65, %dma_start3A_66] : memref<2x32x10x8x128xi32, #tpu.memory_space<hbm>> -> memref<1x1x1x8x128xi32, #tpu.memory_space<hbm>>
    %dma_start3A_68 = tpu.memref_squeeze %dma_start3A_67 : memref<1x1x1x8x128xi32, #tpu.memory_space<hbm>> -> memref<8x128xi32, #tpu.memory_space<hbm>>
    %dma_start3A_69 = arith.constant 0 : i32
    %dma_start3A_70 = arith.constant 0 : i32
    %dma_start3A_71 = tpu.memref_slice %arg8[%dma_start3A_60, %dma_start3A_69, %dma_start3A_70] : memref<2x8x128xi32, #tpu.memory_space<vmem>> -> memref<1x8x128xi32, #tpu.memory_space<vmem>>
    %dma_start3A_72 = tpu.memref_squeeze %dma_start3A_71 : memref<1x8x128xi32, #tpu.memory_space<vmem>> -> memref<8x128xi32, #tpu.memory_space<vmem>>
    %dma_start3A_73 = arith.constant 0 : i32
    %dma_start3A_74 = arith.constant 0 : i32
    %dma_start3A_75 = tpu.memref_slice %arg2[%dma_start3A_58, %add3A, %dma_start3A_59, %dma_start3A_73, %dma_start3A_74] : memref<2x32x10x8x128xi32, #tpu.memory_space<hbm>> -> memref<1x1x1x8x128xi32, #tpu.memory_space<hbm>>
    %dma_start3A_76 = tpu.memref_squeeze %dma_start3A_75 : memref<1x1x1x8x128xi32, #tpu.memory_space<hbm>> -> memref<8x128xi32, #tpu.memory_space<hbm>>
    tpu.enqueue_dma source(%dma_start3A_76 : memref<8x128xi32, #tpu.memory_space<hbm>>) target(%dma_start3A_72 : memref<8x128xi32, #tpu.memory_space<vmem>>) target_semaphore(%arg14 : memref<!tpu.dma_semaphore, #tpu.memory_space<semaphore_mem>>)
    "tpu.region"() ({
      %run_scoped3A = tpu.sem_alloc : memref<!tpu.dma_semaphore, #tpu.memory_space<semaphore_mem>>
      tpu.enqueue_dma source(%arg4 : memref<128x128xf32, #tpu.memory_space<hbm>>) target(%arg9 : memref<128x128xf32, #tpu.memory_space<vmem>>) target_semaphore(%run_scoped3A : memref<!tpu.dma_semaphore, #tpu.memory_space<semaphore_mem>>)
      tpu.wait_dma2 semaphore(%run_scoped3A : memref<!tpu.dma_semaphore, #tpu.memory_space<semaphore_mem>>) src(%arg4 : memref<128x128xf32, #tpu.memory_space<hbm>>) dst(%arg9 : memref<128x128xf32, #tpu.memory_space<vmem>>)
      tpu.yield
    }) : () -> ()
    %mul3A_77 = arith.constant 640 : i32
    %mul3A_78 = arith.muli %arg1, %mul3A_77 : i32
    %add3A_79 = arith.constant 0 : i32
    %add3A_80 = arith.addi %mul3A_78, %add3A_79 : i32
    "tpu.region"() ({
      %run_scoped3A = tpu.sem_alloc : memref<!tpu.dma_semaphore, #tpu.memory_space<semaphore_mem>>
      %dma_start3A_206 = arith.constant 0 : i32
      %dma_start3A_207 = tpu.memref_slice %arg11[%add3A_80, %dma_start3A_206] : memref<10240x128xf32, #tpu.memory_space<vmem_shared>> -> memref<128x128xf32, #tpu.memory_space<vmem_shared>>
      %dma_start3A_208 = arith.constant 0 : i32
      %dma_start3A_209 = tpu.memref_slice %arg11[%add3A_80, %dma_start3A_208] : memref<10240x128xf32, #tpu.memory_space<vmem_shared>> -> memref<128x128xf32, #tpu.memory_space<vmem_shared>>
      tpu.enqueue_dma source(%arg9 : memref<128x128xf32, #tpu.memory_space<vmem>>) target(%dma_start3A_209 : memref<128x128xf32, #tpu.memory_space<vmem_shared>>) target_semaphore(%run_scoped3A : memref<!tpu.dma_semaphore, #tpu.memory_space<semaphore_mem>>)
      %dma_wait3A_210 = arith.constant 0 : i32
      %dma_wait3A_211 = tpu.memref_slice %arg11[%add3A_80, %dma_wait3A_210] : memref<10240x128xf32, #tpu.memory_space<vmem_shared>> -> memref<128x128xf32, #tpu.memory_space<vmem_shared>>
      %dma_wait3A_212 = arith.constant 0 : i32
      %dma_wait3A_213 = tpu.memref_slice %arg11[%add3A_80, %dma_wait3A_212] : memref<10240x128xf32, #tpu.memory_space<vmem_shared>> -> memref<128x128xf32, #tpu.memory_space<vmem_shared>>
      tpu.wait_dma2 semaphore(%run_scoped3A : memref<!tpu.dma_semaphore, #tpu.memory_space<semaphore_mem>>) src(%arg9 : memref<128x128xf32, #tpu.memory_space<vmem>>) dst(%dma_wait3A_213 : memref<128x128xf32, #tpu.memory_space<vmem_shared>>)
      tpu.yield
    }) : () -> ()
    %mul3A_81 = arith.constant 640 : i32
    %mul3A_82 = arith.muli %arg1, %mul3A_81 : i32
    %add3A_83 = arith.constant 128 : i32
    %add3A_84 = arith.addi %mul3A_82, %add3A_83 : i32
    "tpu.region"() ({
      %run_scoped3A = tpu.sem_alloc : memref<!tpu.dma_semaphore, #tpu.memory_space<semaphore_mem>>
      %dma_start3A_206 = arith.constant 0 : i32
      %dma_start3A_207 = tpu.memref_slice %arg11[%add3A_84, %dma_start3A_206] : memref<10240x128xf32, #tpu.memory_space<vmem_shared>> -> memref<128x128xf32, #tpu.memory_space<vmem_shared>>
      %dma_start3A_208 = arith.constant 0 : i32
      %dma_start3A_209 = tpu.memref_slice %arg11[%add3A_84, %dma_start3A_208] : memref<10240x128xf32, #tpu.memory_space<vmem_shared>> -> memref<128x128xf32, #tpu.memory_space<vmem_shared>>
      tpu.enqueue_dma source(%arg9 : memref<128x128xf32, #tpu.memory_space<vmem>>) target(%dma_start3A_209 : memref<128x128xf32, #tpu.memory_space<vmem_shared>>) target_semaphore(%run_scoped3A : memref<!tpu.dma_semaphore, #tpu.memory_space<semaphore_mem>>)
      %dma_wait3A_210 = arith.constant 0 : i32
      %dma_wait3A_211 = tpu.memref_slice %arg11[%add3A_84, %dma_wait3A_210] : memref<10240x128xf32, #tpu.memory_space<vmem_shared>> -> memref<128x128xf32, #tpu.memory_space<vmem_shared>>
      %dma_wait3A_212 = arith.constant 0 : i32
      %dma_wait3A_213 = tpu.memref_slice %arg11[%add3A_84, %dma_wait3A_212] : memref<10240x128xf32, #tpu.memory_space<vmem_shared>> -> memref<128x128xf32, #tpu.memory_space<vmem_shared>>
      tpu.wait_dma2 semaphore(%run_scoped3A : memref<!tpu.dma_semaphore, #tpu.memory_space<semaphore_mem>>) src(%arg9 : memref<128x128xf32, #tpu.memory_space<vmem>>) dst(%dma_wait3A_213 : memref<128x128xf32, #tpu.memory_space<vmem_shared>>)
      tpu.yield
    }) : () -> ()
    %mul3A_85 = arith.constant 640 : i32
    %mul3A_86 = arith.muli %arg1, %mul3A_85 : i32
    %add3A_87 = arith.constant 256 : i32
    %add3A_88 = arith.addi %mul3A_86, %add3A_87 : i32
    "tpu.region"() ({
      %run_scoped3A = tpu.sem_alloc : memref<!tpu.dma_semaphore, #tpu.memory_space<semaphore_mem>>
      %dma_start3A_206 = arith.constant 0 : i32
      %dma_start3A_207 = tpu.memref_slice %arg11[%add3A_88, %dma_start3A_206] : memref<10240x128xf32, #tpu.memory_space<vmem_shared>> -> memref<128x128xf32, #tpu.memory_space<vmem_shared>>
      %dma_start3A_208 = arith.constant 0 : i32
      %dma_start3A_209 = tpu.memref_slice %arg11[%add3A_88, %dma_start3A_208] : memref<10240x128xf32, #tpu.memory_space<vmem_shared>> -> memref<128x128xf32, #tpu.memory_space<vmem_shared>>
      tpu.enqueue_dma source(%arg9 : memref<128x128xf32, #tpu.memory_space<vmem>>) target(%dma_start3A_209 : memref<128x128xf32, #tpu.memory_space<vmem_shared>>) target_semaphore(%run_scoped3A : memref<!tpu.dma_semaphore, #tpu.memory_space<semaphore_mem>>)
      %dma_wait3A_210 = arith.constant 0 : i32
      %dma_wait3A_211 = tpu.memref_slice %arg11[%add3A_88, %dma_wait3A_210] : memref<10240x128xf32, #tpu.memory_space<vmem_shared>> -> memref<128x128xf32, #tpu.memory_space<vmem_shared>>
      %dma_wait3A_212 = arith.constant 0 : i32
      %dma_wait3A_213 = tpu.memref_slice %arg11[%add3A_88, %dma_wait3A_212] : memref<10240x128xf32, #tpu.memory_space<vmem_shared>> -> memref<128x128xf32, #tpu.memory_space<vmem_shared>>
      tpu.wait_dma2 semaphore(%run_scoped3A : memref<!tpu.dma_semaphore, #tpu.memory_space<semaphore_mem>>) src(%arg9 : memref<128x128xf32, #tpu.memory_space<vmem>>) dst(%dma_wait3A_213 : memref<128x128xf32, #tpu.memory_space<vmem_shared>>)
      tpu.yield
    }) : () -> ()
    %mul3A_89 = arith.constant 640 : i32
    %mul3A_90 = arith.muli %arg1, %mul3A_89 : i32
    %add3A_91 = arith.constant 384 : i32
    %add3A_92 = arith.addi %mul3A_90, %add3A_91 : i32
    "tpu.region"() ({
      %run_scoped3A = tpu.sem_alloc : memref<!tpu.dma_semaphore, #tpu.memory_space<semaphore_mem>>
      %dma_start3A_206 = arith.constant 0 : i32
      %dma_start3A_207 = tpu.memref_slice %arg11[%add3A_92, %dma_start3A_206] : memref<10240x128xf32, #tpu.memory_space<vmem_shared>> -> memref<128x128xf32, #tpu.memory_space<vmem_shared>>
      %dma_start3A_208 = arith.constant 0 : i32
      %dma_start3A_209 = tpu.memref_slice %arg11[%add3A_92, %dma_start3A_208] : memref<10240x128xf32, #tpu.memory_space<vmem_shared>> -> memref<128x128xf32, #tpu.memory_space<vmem_shared>>
      tpu.enqueue_dma source(%arg9 : memref<128x128xf32, #tpu.memory_space<vmem>>) target(%dma_start3A_209 : memref<128x128xf32, #tpu.memory_space<vmem_shared>>) target_semaphore(%run_scoped3A : memref<!tpu.dma_semaphore, #tpu.memory_space<semaphore_mem>>)
      %dma_wait3A_210 = arith.constant 0 : i32
      %dma_wait3A_211 = tpu.memref_slice %arg11[%add3A_92, %dma_wait3A_210] : memref<10240x128xf32, #tpu.memory_space<vmem_shared>> -> memref<128x128xf32, #tpu.memory_space<vmem_shared>>
      %dma_wait3A_212 = arith.constant 0 : i32
      %dma_wait3A_213 = tpu.memref_slice %arg11[%add3A_92, %dma_wait3A_212] : memref<10240x128xf32, #tpu.memory_space<vmem_shared>> -> memref<128x128xf32, #tpu.memory_space<vmem_shared>>
      tpu.wait_dma2 semaphore(%run_scoped3A : memref<!tpu.dma_semaphore, #tpu.memory_space<semaphore_mem>>) src(%arg9 : memref<128x128xf32, #tpu.memory_space<vmem>>) dst(%dma_wait3A_213 : memref<128x128xf32, #tpu.memory_space<vmem_shared>>)
      tpu.yield
    }) : () -> ()
    %mul3A_93 = arith.constant 640 : i32
    %mul3A_94 = arith.muli %arg1, %mul3A_93 : i32
    %add3A_95 = arith.constant 512 : i32
    %add3A_96 = arith.addi %mul3A_94, %add3A_95 : i32
    "tpu.region"() ({
      %run_scoped3A = tpu.sem_alloc : memref<!tpu.dma_semaphore, #tpu.memory_space<semaphore_mem>>
      %dma_start3A_206 = arith.constant 0 : i32
      %dma_start3A_207 = tpu.memref_slice %arg11[%add3A_96, %dma_start3A_206] : memref<10240x128xf32, #tpu.memory_space<vmem_shared>> -> memref<128x128xf32, #tpu.memory_space<vmem_shared>>
      %dma_start3A_208 = arith.constant 0 : i32
      %dma_start3A_209 = tpu.memref_slice %arg11[%add3A_96, %dma_start3A_208] : memref<10240x128xf32, #tpu.memory_space<vmem_shared>> -> memref<128x128xf32, #tpu.memory_space<vmem_shared>>
      tpu.enqueue_dma source(%arg9 : memref<128x128xf32, #tpu.memory_space<vmem>>) target(%dma_start3A_209 : memref<128x128xf32, #tpu.memory_space<vmem_shared>>) target_semaphore(%run_scoped3A : memref<!tpu.dma_semaphore, #tpu.memory_space<semaphore_mem>>)
      %dma_wait3A_210 = arith.constant 0 : i32
      %dma_wait3A_211 = tpu.memref_slice %arg11[%add3A_96, %dma_wait3A_210] : memref<10240x128xf32, #tpu.memory_space<vmem_shared>> -> memref<128x128xf32, #tpu.memory_space<vmem_shared>>
      %dma_wait3A_212 = arith.constant 0 : i32
      %dma_wait3A_213 = tpu.memref_slice %arg11[%add3A_96, %dma_wait3A_212] : memref<10240x128xf32, #tpu.memory_space<vmem_shared>> -> memref<128x128xf32, #tpu.memory_space<vmem_shared>>
      tpu.wait_dma2 semaphore(%run_scoped3A : memref<!tpu.dma_semaphore, #tpu.memory_space<semaphore_mem>>) src(%arg9 : memref<128x128xf32, #tpu.memory_space<vmem>>) dst(%dma_wait3A_213 : memref<128x128xf32, #tpu.memory_space<vmem_shared>>)
      tpu.yield
    }) : () -> ()
    %dma_wait3A = arith.constant 0 : i32
    %dma_wait3A_97 = arith.constant 0 : i32
    %dma_wait3A_98 = arith.constant 0 : i32
    %dma_wait3A_99 = arith.constant 0 : i32
    %dma_wait3A_100 = arith.constant 0 : i32
    %dma_wait3A_101 = tpu.memref_slice %arg7[%dma_wait3A_98, %dma_wait3A_99, %dma_wait3A_100] : memref<2x8x128xi32, #tpu.memory_space<vmem>> -> memref<1x8x128xi32, #tpu.memory_space<vmem>>
    %dma_wait3A_102 = tpu.memref_squeeze %dma_wait3A_101 : memref<1x8x128xi32, #tpu.memory_space<vmem>> -> memref<8x128xi32, #tpu.memory_space<vmem>>
    %dma_wait3A_103 = arith.constant 0 : i32
    %dma_wait3A_104 = arith.constant 0 : i32
    %dma_wait3A_105 = tpu.memref_slice %arg2[%dma_wait3A, %add3A, %dma_wait3A_97, %dma_wait3A_103, %dma_wait3A_104] : memref<2x32x10x8x128xi32, #tpu.memory_space<hbm>> -> memref<1x1x1x8x128xi32, #tpu.memory_space<hbm>>
    %dma_wait3A_106 = tpu.memref_squeeze %dma_wait3A_105 : memref<1x1x1x8x128xi32, #tpu.memory_space<hbm>> -> memref<8x128xi32, #tpu.memory_space<hbm>>
    %dma_wait3A_107 = arith.constant 0 : i32
    %dma_wait3A_108 = arith.constant 0 : i32
    %dma_wait3A_109 = tpu.memref_slice %arg7[%dma_wait3A_98, %dma_wait3A_107, %dma_wait3A_108] : memref<2x8x128xi32, #tpu.memory_space<vmem>> -> memref<1x8x128xi32, #tpu.memory_space<vmem>>
    %dma_wait3A_110 = tpu.memref_squeeze %dma_wait3A_109 : memref<1x8x128xi32, #tpu.memory_space<vmem>> -> memref<8x128xi32, #tpu.memory_space<vmem>>
    %dma_wait3A_111 = arith.constant 0 : i32
    %dma_wait3A_112 = arith.constant 0 : i32
    %dma_wait3A_113 = tpu.memref_slice %arg2[%dma_wait3A, %add3A, %dma_wait3A_97, %dma_wait3A_111, %dma_wait3A_112] : memref<2x32x10x8x128xi32, #tpu.memory_space<hbm>> -> memref<1x1x1x8x128xi32, #tpu.memory_space<hbm>>
    %dma_wait3A_114 = tpu.memref_squeeze %dma_wait3A_113 : memref<1x1x1x8x128xi32, #tpu.memory_space<hbm>> -> memref<8x128xi32, #tpu.memory_space<hbm>>
    tpu.wait_dma2 semaphore(%arg13 : memref<!tpu.dma_semaphore, #tpu.memory_space<semaphore_mem>>) src(%dma_wait3A_114 : memref<8x128xi32, #tpu.memory_space<hbm>>) dst(%dma_wait3A_110 : memref<8x128xi32, #tpu.memory_space<vmem>>)
    %dma_wait3A_115 = arith.constant 1 : i32
    %dma_wait3A_116 = arith.constant 0 : i32
    %dma_wait3A_117 = arith.constant 0 : i32
    %dma_wait3A_118 = arith.constant 0 : i32
    %dma_wait3A_119 = arith.constant 0 : i32
    %dma_wait3A_120 = tpu.memref_slice %arg8[%dma_wait3A_117, %dma_wait3A_118, %dma_wait3A_119] : memref<2x8x128xi32, #tpu.memory_space<vmem>> -> memref<1x8x128xi32, #tpu.memory_space<vmem>>
    %dma_wait3A_121 = tpu.memref_squeeze %dma_wait3A_120 : memref<1x8x128xi32, #tpu.memory_space<vmem>> -> memref<8x128xi32, #tpu.memory_space<vmem>>
    %dma_wait3A_122 = arith.constant 0 : i32
    %dma_wait3A_123 = arith.constant 0 : i32
    %dma_wait3A_124 = tpu.memref_slice %arg2[%dma_wait3A_115, %add3A, %dma_wait3A_116, %dma_wait3A_122, %dma_wait3A_123] : memref<2x32x10x8x128xi32, #tpu.memory_space<hbm>> -> memref<1x1x1x8x128xi32, #tpu.memory_space<hbm>>
    %dma_wait3A_125 = tpu.memref_squeeze %dma_wait3A_124 : memref<1x1x1x8x128xi32, #tpu.memory_space<hbm>> -> memref<8x128xi32, #tpu.memory_space<hbm>>
    %dma_wait3A_126 = arith.constant 0 : i32
    %dma_wait3A_127 = arith.constant 0 : i32
    %dma_wait3A_128 = tpu.memref_slice %arg8[%dma_wait3A_117, %dma_wait3A_126, %dma_wait3A_127] : memref<2x8x128xi32, #tpu.memory_space<vmem>> -> memref<1x8x128xi32, #tpu.memory_space<vmem>>
    %dma_wait3A_129 = tpu.memref_squeeze %dma_wait3A_128 : memref<1x8x128xi32, #tpu.memory_space<vmem>> -> memref<8x128xi32, #tpu.memory_space<vmem>>
    %dma_wait3A_130 = arith.constant 0 : i32
    %dma_wait3A_131 = arith.constant 0 : i32
    %dma_wait3A_132 = tpu.memref_slice %arg2[%dma_wait3A_115, %add3A, %dma_wait3A_116, %dma_wait3A_130, %dma_wait3A_131] : memref<2x32x10x8x128xi32, #tpu.memory_space<hbm>> -> memref<1x1x1x8x128xi32, #tpu.memory_space<hbm>>
    %dma_wait3A_133 = tpu.memref_squeeze %dma_wait3A_132 : memref<1x1x1x8x128xi32, #tpu.memory_space<hbm>> -> memref<8x128xi32, #tpu.memory_space<hbm>>
    tpu.wait_dma2 semaphore(%arg13 : memref<!tpu.dma_semaphore, #tpu.memory_space<semaphore_mem>>) src(%dma_wait3A_133 : memref<8x128xi32, #tpu.memory_space<hbm>>) dst(%dma_wait3A_129 : memref<8x128xi32, #tpu.memory_space<vmem>>)
    %barrier3A = arith.constant 0 : index
    tpu.barrier barrier_id(%barrier3A)
    %dma_start3A_134 = arith.constant 0 : i32
    %dma_start3A_135 = arith.constant 0 : i32
    %dma_start3A_136 = arith.constant 0 : i32
    %dma_start3A_137 = tpu.memref_slice %arg7[%dma_start3A_134, %dma_start3A_135, %dma_start3A_136] : memref<2x8x128xi32, #tpu.memory_space<vmem>> -> memref<1x1x128xi32, #tpu.memory_space<vmem>>
    %dma_start3A_138 = tpu.memref_squeeze %dma_start3A_137 : memref<1x1x128xi32, #tpu.memory_space<vmem>> -> memref<128xi32, #tpu.memory_space<vmem>>
    %dma_start3A_139 = arith.constant 0 : i32
    %dma_start3A_140 = arith.constant 0 : i32
    %dma_start3A_141 = tpu.memref_slice %arg3[%dma_start3A_139, %dma_start3A_140] : memref<10000x128xf32, #tpu.memory_space<hbm>> -> memref<10000x128xf32, #tpu.memory_space<hbm>>
    tpu.enqueue_indirect_dma source(%dma_start3A_141 : memref<10000x128xf32, #tpu.memory_space<hbm>>) target(%arg9 : memref<128x128xf32, #tpu.memory_space<vmem>>) offsets(%dma_start3A_138 : memref<128xi32, #tpu.memory_space<vmem>>) semaphore(%arg12 : memref<!tpu.dma_semaphore, #tpu.memory_space<semaphore_mem>>)
    %scan3A = arith.constant 0 : i32
    %scan3A_142 = arith.constant 0 : i32
    %scan3A_143 = arith.constant 10 : i32
    %scan3A_144 = arith.addi %scan3A_142, %scan3A_143 : i32
    %scan3A_145 = arith.constant 1 : i32
    scf.for %scan3A_206 = %scan3A_142 to %scan3A_144 step %scan3A_145  : i32 {
      %rem3A = arith.constant 2 : i32
      %rem3A_207 = arith.remsi %scan3A_206, %rem3A : i32
      %add3A_208 = arith.constant 1 : i32
      %add3A_209 = arith.addi %scan3A_206, %add3A_208 : i32
      %rem3A_210 = arith.constant 2 : i32
      %rem3A_211 = arith.remsi %add3A_209, %rem3A_210 : i32
      %dma_wait3A_212 = arith.constant 0 : i32
      %dma_wait3A_213 = arith.constant 0 : i32
      %dma_wait3A_214 = tpu.memref_slice %arg7[%rem3A_207, %dma_wait3A_212, %dma_wait3A_213] : memref<2x8x128xi32, #tpu.memory_space<vmem>> -> memref<1x1x128xi32, #tpu.memory_space<vmem>>
      %dma_wait3A_215 = tpu.memref_squeeze %dma_wait3A_214 : memref<1x1x128xi32, #tpu.memory_space<vmem>> -> memref<128xi32, #tpu.memory_space<vmem>>
      %dma_wait3A_216 = arith.constant 0 : i32
      %dma_wait3A_217 = arith.constant 0 : i32
      %dma_wait3A_218 = tpu.memref_slice %arg3[%dma_wait3A_216, %dma_wait3A_217] : memref<10000x128xf32, #tpu.memory_space<hbm>> -> memref<10000x128xf32, #tpu.memory_space<hbm>>
      tpu.wait_indirect_dma semaphore(%arg12 : memref<!tpu.dma_semaphore, #tpu.memory_space<semaphore_mem>>) src(%dma_wait3A_218 : memref<10000x128xf32, #tpu.memory_space<hbm>>) dst(%arg9 : memref<128x128xf32, #tpu.memory_space<vmem>>)
      %gt3A = arith.constant 0 : i32
      %gt3A_219 = arith.cmpi sgt, %scan3A_206, %gt3A : i32
      %convert_element_type3A = arith.extui %gt3A_219 : i1 to i32
      %cond3A = arith.constant 0 : i32
      %cond3A_220 = arith.cmpi ne, %convert_element_type3A, %cond3A : i32
      scf.if %cond3A_220 {
        %dma_wait3A_506 = arith.constant 0 : i32
        %dma_wait3A_507 = arith.constant 0 : i32
        %dma_wait3A_508 = tpu.memref_slice %arg8[%rem3A_207, %dma_wait3A_506, %dma_wait3A_507] : memref<2x8x128xi32, #tpu.memory_space<vmem>> -> memref<1x1x128xi32, #tpu.memory_space<vmem>>
        %dma_wait3A_509 = tpu.memref_squeeze %dma_wait3A_508 : memref<1x1x128xi32, #tpu.memory_space<vmem>> -> memref<128xi32, #tpu.memory_space<vmem>>
        %dma_wait3A_510 = arith.constant 0 : i32
        %dma_wait3A_511 = arith.constant 0 : i32
        %dma_wait3A_512 = tpu.memref_slice %arg11[%dma_wait3A_510, %dma_wait3A_511] : memref<10240x128xf32, #tpu.memory_space<vmem_shared>> -> memref<10240x128xf32, #tpu.memory_space<vmem_shared>>
        tpu.wait_indirect_dma semaphore(%arg16 : memref<!tpu.dma_semaphore, #tpu.memory_space<semaphore_mem>>) src(%arg10 : memref<128x128xf32, #tpu.memory_space<vmem>>) dst(%dma_wait3A_512 : memref<10240x128xf32, #tpu.memory_space<vmem_shared>>)
      } else {
      }
      %dma_start3A_221 = arith.constant 1 : i32
      %dma_start3A_222 = arith.constant 0 : i32
      %dma_start3A_223 = tpu.memref_slice %arg7[%rem3A_207, %dma_start3A_221, %dma_start3A_222] : memref<2x8x128xi32, #tpu.memory_space<vmem>> -> memref<1x1x128xi32, #tpu.memory_space<vmem>>
      %dma_start3A_224 = tpu.memref_squeeze %dma_start3A_223 : memref<1x1x128xi32, #tpu.memory_space<vmem>> -> memref<128xi32, #tpu.memory_space<vmem>>
      %dma_start3A_225 = arith.constant 0 : i32
      %dma_start3A_226 = arith.constant 0 : i32
      %dma_start3A_227 = tpu.memref_slice %arg3[%dma_start3A_225, %dma_start3A_226] : memref<10000x128xf32, #tpu.memory_space<hbm>> -> memref<10000x128xf32, #tpu.memory_space<hbm>>
      tpu.enqueue_indirect_dma source(%dma_start3A_227 : memref<10000x128xf32, #tpu.memory_space<hbm>>) target(%arg10 : memref<128x128xf32, #tpu.memory_space<vmem>>) offsets(%dma_start3A_224 : memref<128xi32, #tpu.memory_space<vmem>>) semaphore(%arg13 : memref<!tpu.dma_semaphore, #tpu.memory_space<semaphore_mem>>)
      %dma_start3A_228 = arith.constant 0 : i32
      %dma_start3A_229 = arith.constant 0 : i32
      %dma_start3A_230 = tpu.memref_slice %arg8[%rem3A_207, %dma_start3A_228, %dma_start3A_229] : memref<2x8x128xi32, #tpu.memory_space<vmem>> -> memref<1x1x128xi32, #tpu.memory_space<vmem>>
      %dma_start3A_231 = tpu.memref_squeeze %dma_start3A_230 : memref<1x1x128xi32, #tpu.memory_space<vmem>> -> memref<128xi32, #tpu.memory_space<vmem>>
      %dma_start3A_232 = arith.constant 0 : i32
      %dma_start3A_233 = arith.constant 0 : i32
      %dma_start3A_234 = tpu.memref_slice %arg11[%dma_start3A_232, %dma_start3A_233] : memref<10240x128xf32, #tpu.memory_space<vmem_shared>> -> memref<10240x128xf32, #tpu.memory_space<vmem_shared>>
      tpu.enqueue_indirect_dma source(%arg9 : memref<128x128xf32, #tpu.memory_space<vmem>>) target(%dma_start3A_234 : memref<10240x128xf32, #tpu.memory_space<vmem_shared>>) offsets(%dma_start3A_231 : memref<128xi32, #tpu.memory_space<vmem>>) semaphore(%arg15 : memref<!tpu.dma_semaphore, #tpu.memory_space<semaphore_mem>>) {add = true}
      %dma_wait3A_235 = arith.constant 1 : i32
      %dma_wait3A_236 = arith.constant 0 : i32
      %dma_wait3A_237 = tpu.memref_slice %arg7[%rem3A_207, %dma_wait3A_235, %dma_wait3A_236] : memref<2x8x128xi32, #tpu.memory_space<vmem>> -> memref<1x1x128xi32, #tpu.memory_space<vmem>>
      %dma_wait3A_238 = tpu.memref_squeeze %dma_wait3A_237 : memref<1x1x128xi32, #tpu.memory_space<vmem>> -> memref<128xi32, #tpu.memory_space<vmem>>
      %dma_wait3A_239 = arith.constant 0 : i32
      %dma_wait3A_240 = arith.constant 0 : i32
      %dma_wait3A_241 = tpu.memref_slice %arg3[%dma_wait3A_239, %dma_wait3A_240] : memref<10000x128xf32, #tpu.memory_space<hbm>> -> memref<10000x128xf32, #tpu.memory_space<hbm>>
      tpu.wait_indirect_dma semaphore(%arg13 : memref<!tpu.dma_semaphore, #tpu.memory_space<semaphore_mem>>) src(%dma_wait3A_241 : memref<10000x128xf32, #tpu.memory_space<hbm>>) dst(%arg10 : memref<128x128xf32, #tpu.memory_space<vmem>>)
      %dma_wait3A_242 = arith.constant 1 : i32
      %dma_wait3A_243 = arith.constant 0 : i32
      %dma_wait3A_244 = tpu.memref_slice %arg8[%rem3A_207, %dma_wait3A_242, %dma_wait3A_243] : memref<2x8x128xi32, #tpu.memory_space<vmem>> -> memref<1x1x128xi32, #tpu.memory_space<vmem>>
      %dma_wait3A_245 = tpu.memref_squeeze %dma_wait3A_244 : memref<1x1x128xi32, #tpu.memory_space<vmem>> -> memref<128xi32, #tpu.memory_space<vmem>>
      %dma_wait3A_246 = arith.constant 0 : i32
      %dma_wait3A_247 = arith.constant 0 : i32
      %dma_wait3A_248 = tpu.memref_slice %arg11[%dma_wait3A_246, %dma_wait3A_247] : memref<10240x128xf32, #tpu.memory_space<vmem_shared>> -> memref<10240x128xf32, #tpu.memory_space<vmem_shared>>
      tpu.wait_indirect_dma semaphore(%arg15 : memref<!tpu.dma_semaphore, #tpu.memory_space<semaphore_mem>>) src(%arg9 : memref<128x128xf32, #tpu.memory_space<vmem>>) dst(%dma_wait3A_248 : memref<10240x128xf32, #tpu.memory_space<vmem_shared>>)
      %dma_start3A_249 = arith.constant 2 : i32
      %dma_start3A_250 = arith.constant 0 : i32
      %dma_start3A_251 = tpu.memref_slice %arg7[%rem3A_207, %dma_start3A_249, %dma_start3A_250] : memref<2x8x128xi32, #tpu.memory_space<vmem>> -> memref<1x1x128xi32, #tpu.memory_space<vmem>>
      %dma_start3A_252 = tpu.memref_squeeze %dma_start3A_251 : memref<1x1x128xi32, #tpu.memory_space<vmem>> -> memref<128xi32, #tpu.memory_space<vmem>>
      %dma_start3A_253 = arith.constant 0 : i32
      %dma_start3A_254 = arith.constant 0 : i32
      %dma_start3A_255 = tpu.memref_slice %arg3[%dma_start3A_253, %dma_start3A_254] : memref<10000x128xf32, #tpu.memory_space<hbm>> -> memref<10000x128xf32, #tpu.memory_space<hbm>>
      tpu.enqueue_indirect_dma source(%dma_start3A_255 : memref<10000x128xf32, #tpu.memory_space<hbm>>) target(%arg9 : memref<128x128xf32, #tpu.memory_space<vmem>>) offsets(%dma_start3A_252 : memref<128xi32, #tpu.memory_space<vmem>>) semaphore(%arg12 : memref<!tpu.dma_semaphore, #tpu.memory_space<semaphore_mem>>)
      %dma_start3A_256 = arith.constant 1 : i32
      %dma_start3A_257 = arith.constant 0 : i32
      %dma_start3A_258 = tpu.memref_slice %arg8[%rem3A_207, %dma_start3A_256, %dma_start3A_257] : memref<2x8x128xi32, #tpu.memory_space<vmem>> -> memref<1x1x128xi32, #tpu.memory_space<vmem>>
      %dma_start3A_259 = tpu.memref_squeeze %dma_start3A_258 : memref<1x1x128xi32, #tpu.memory_space<vmem>> -> memref<128xi32, #tpu.memory_space<vmem>>
      %dma_start3A_260 = arith.constant 0 : i32
      %dma_start3A_261 = arith.constant 0 : i32
      %dma_start3A_262 = tpu.memref_slice %arg11[%dma_start3A_260, %dma_start3A_261] : memref<10240x128xf32, #tpu.memory_space<vmem_shared>> -> memref<10240x128xf32, #tpu.memory_space<vmem_shared>>
      tpu.enqueue_indirect_dma source(%arg10 : memref<128x128xf32, #tpu.memory_space<vmem>>) target(%dma_start3A_262 : memref<10240x128xf32, #tpu.memory_space<vmem_shared>>) offsets(%dma_start3A_259 : memref<128xi32, #tpu.memory_space<vmem>>) semaphore(%arg16 : memref<!tpu.dma_semaphore, #tpu.memory_space<semaphore_mem>>) {add = true}
      %dma_wait3A_263 = arith.constant 2 : i32
      %dma_wait3A_264 = arith.constant 0 : i32
      %dma_wait3A_265 = tpu.memref_slice %arg7[%rem3A_207, %dma_wait3A_263, %dma_wait3A_264] : memref<2x8x128xi32, #tpu.memory_space<vmem>> -> memref<1x1x128xi32, #tpu.memory_space<vmem>>
      %dma_wait3A_266 = tpu.memref_squeeze %dma_wait3A_265 : memref<1x1x128xi32, #tpu.memory_space<vmem>> -> memref<128xi32, #tpu.memory_space<vmem>>
      %dma_wait3A_267 = arith.constant 0 : i32
      %dma_wait3A_268 = arith.constant 0 : i32
      %dma_wait3A_269 = tpu.memref_slice %arg3[%dma_wait3A_267, %dma_wait3A_268] : memref<10000x128xf32, #tpu.memory_space<hbm>> -> memref<10000x128xf32, #tpu.memory_space<hbm>>
      tpu.wait_indirect_dma semaphore(%arg12 : memref<!tpu.dma_semaphore, #tpu.memory_space<semaphore_mem>>) src(%dma_wait3A_269 : memref<10000x128xf32, #tpu.memory_space<hbm>>) dst(%arg9 : memref<128x128xf32, #tpu.memory_space<vmem>>)
      %dma_wait3A_270 = arith.constant 2 : i32
      %dma_wait3A_271 = arith.constant 0 : i32
      %dma_wait3A_272 = tpu.memref_slice %arg8[%rem3A_207, %dma_wait3A_270, %dma_wait3A_271] : memref<2x8x128xi32, #tpu.memory_space<vmem>> -> memref<1x1x128xi32, #tpu.memory_space<vmem>>
      %dma_wait3A_273 = tpu.memref_squeeze %dma_wait3A_272 : memref<1x1x128xi32, #tpu.memory_space<vmem>> -> memref<128xi32, #tpu.memory_space<vmem>>
      %dma_wait3A_274 = arith.constant 0 : i32
      %dma_wait3A_275 = arith.constant 0 : i32
      %dma_wait3A_276 = tpu.memref_slice %arg11[%dma_wait3A_274, %dma_wait3A_275] : memref<10240x128xf32, #tpu.memory_space<vmem_shared>> -> memref<10240x128xf32, #tpu.memory_space<vmem_shared>>
      tpu.wait_indirect_dma semaphore(%arg16 : memref<!tpu.dma_semaphore, #tpu.memory_space<semaphore_mem>>) src(%arg10 : memref<128x128xf32, #tpu.memory_space<vmem>>) dst(%dma_wait3A_276 : memref<10240x128xf32, #tpu.memory_space<vmem_shared>>)
      %dma_start3A_277 = arith.constant 3 : i32
      %dma_start3A_278 = arith.constant 0 : i32
      %dma_start3A_279 = tpu.memref_slice %arg7[%rem3A_207, %dma_start3A_277, %dma_start3A_278] : memref<2x8x128xi32, #tpu.memory_space<vmem>> -> memref<1x1x128xi32, #tpu.memory_space<vmem>>
      %dma_start3A_280 = tpu.memref_squeeze %dma_start3A_279 : memref<1x1x128xi32, #tpu.memory_space<vmem>> -> memref<128xi32, #tpu.memory_space<vmem>>
      %dma_start3A_281 = arith.constant 0 : i32
      %dma_start3A_282 = arith.constant 0 : i32
      %dma_start3A_283 = tpu.memref_slice %arg3[%dma_start3A_281, %dma_start3A_282] : memref<10000x128xf32, #tpu.memory_space<hbm>> -> memref<10000x128xf32, #tpu.memory_space<hbm>>
      tpu.enqueue_indirect_dma source(%dma_start3A_283 : memref<10000x128xf32, #tpu.memory_space<hbm>>) target(%arg10 : memref<128x128xf32, #tpu.memory_space<vmem>>) offsets(%dma_start3A_280 : memref<128xi32, #tpu.memory_space<vmem>>) semaphore(%arg13 : memref<!tpu.dma_semaphore, #tpu.memory_space<semaphore_mem>>)
      %dma_start3A_284 = arith.constant 2 : i32
      %dma_start3A_285 = arith.constant 0 : i32
      %dma_start3A_286 = tpu.memref_slice %arg8[%rem3A_207, %dma_start3A_284, %dma_start3A_285] : memref<2x8x128xi32, #tpu.memory_space<vmem>> -> memref<1x1x128xi32, #tpu.memory_space<vmem>>
      %dma_start3A_287 = tpu.memref_squeeze %dma_start3A_286 : memref<1x1x128xi32, #tpu.memory_space<vmem>> -> memref<128xi32, #tpu.memory_space<vmem>>
      %dma_start3A_288 = arith.constant 0 : i32
      %dma_start3A_289 = arith.constant 0 : i32
      %dma_start3A_290 = tpu.memref_slice %arg11[%dma_start3A_288, %dma_start3A_289] : memref<10240x128xf32, #tpu.memory_space<vmem_shared>> -> memref<10240x128xf32, #tpu.memory_space<vmem_shared>>
      tpu.enqueue_indirect_dma source(%arg9 : memref<128x128xf32, #tpu.memory_space<vmem>>) target(%dma_start3A_290 : memref<10240x128xf32, #tpu.memory_space<vmem_shared>>) offsets(%dma_start3A_287 : memref<128xi32, #tpu.memory_space<vmem>>) semaphore(%arg15 : memref<!tpu.dma_semaphore, #tpu.memory_space<semaphore_mem>>) {add = true}
      %dma_wait3A_291 = arith.constant 3 : i32
      %dma_wait3A_292 = arith.constant 0 : i32
      %dma_wait3A_293 = tpu.memref_slice %arg7[%rem3A_207, %dma_wait3A_291, %dma_wait3A_292] : memref<2x8x128xi32, #tpu.memory_space<vmem>> -> memref<1x1x128xi32, #tpu.memory_space<vmem>>
      %dma_wait3A_294 = tpu.memref_squeeze %dma_wait3A_293 : memref<1x1x128xi32, #tpu.memory_space<vmem>> -> memref<128xi32, #tpu.memory_space<vmem>>
      %dma_wait3A_295 = arith.constant 0 : i32
      %dma_wait3A_296 = arith.constant 0 : i32
      %dma_wait3A_297 = tpu.memref_slice %arg3[%dma_wait3A_295, %dma_wait3A_296] : memref<10000x128xf32, #tpu.memory_space<hbm>> -> memref<10000x128xf32, #tpu.memory_space<hbm>>
      tpu.wait_indirect_dma semaphore(%arg13 : memref<!tpu.dma_semaphore, #tpu.memory_space<semaphore_mem>>) src(%dma_wait3A_297 : memref<10000x128xf32, #tpu.memory_space<hbm>>) dst(%arg10 : memref<128x128xf32, #tpu.memory_space<vmem>>)
      %dma_wait3A_298 = arith.constant 3 : i32
      %dma_wait3A_299 = arith.constant 0 : i32
      %dma_wait3A_300 = tpu.memref_slice %arg8[%rem3A_207, %dma_wait3A_298, %dma_wait3A_299] : memref<2x8x128xi32, #tpu.memory_space<vmem>> -> memref<1x1x128xi32, #tpu.memory_space<vmem>>
      %dma_wait3A_301 = tpu.memref_squeeze %dma_wait3A_300 : memref<1x1x128xi32, #tpu.memory_space<vmem>> -> memref<128xi32, #tpu.memory_space<vmem>>
      %dma_wait3A_302 = arith.constant 0 : i32
      %dma_wait3A_303 = arith.constant 0 : i32
      %dma_wait3A_304 = tpu.memref_slice %arg11[%dma_wait3A_302, %dma_wait3A_303] : memref<10240x128xf32, #tpu.memory_space<vmem_shared>> -> memref<10240x128xf32, #tpu.memory_space<vmem_shared>>
      tpu.wait_indirect_dma semaphore(%arg15 : memref<!tpu.dma_semaphore, #tpu.memory_space<semaphore_mem>>) src(%arg9 : memref<128x128xf32, #tpu.memory_space<vmem>>) dst(%dma_wait3A_304 : memref<10240x128xf32, #tpu.memory_space<vmem_shared>>)
      %dma_start3A_305 = arith.constant 4 : i32
      %dma_start3A_306 = arith.constant 0 : i32
      %dma_start3A_307 = tpu.memref_slice %arg7[%rem3A_207, %dma_start3A_305, %dma_start3A_306] : memref<2x8x128xi32, #tpu.memory_space<vmem>> -> memref<1x1x128xi32, #tpu.memory_space<vmem>>
      %dma_start3A_308 = tpu.memref_squeeze %dma_start3A_307 : memref<1x1x128xi32, #tpu.memory_space<vmem>> -> memref<128xi32, #tpu.memory_space<vmem>>
      %dma_start3A_309 = arith.constant 0 : i32
      %dma_start3A_310 = arith.constant 0 : i32
      %dma_start3A_311 = tpu.memref_slice %arg3[%dma_start3A_309, %dma_start3A_310] : memref<10000x128xf32, #tpu.memory_space<hbm>> -> memref<10000x128xf32, #tpu.memory_space<hbm>>
      tpu.enqueue_indirect_dma source(%dma_start3A_311 : memref<10000x128xf32, #tpu.memory_space<hbm>>) target(%arg9 : memref<128x128xf32, #tpu.memory_space<vmem>>) offsets(%dma_start3A_308 : memref<128xi32, #tpu.memory_space<vmem>>) semaphore(%arg12 : memref<!tpu.dma_semaphore, #tpu.memory_space<semaphore_mem>>)
      %dma_start3A_312 = arith.constant 3 : i32
      %dma_start3A_313 = arith.constant 0 : i32
      %dma_start3A_314 = tpu.memref_slice %arg8[%rem3A_207, %dma_start3A_312, %dma_start3A_313] : memref<2x8x128xi32, #tpu.memory_space<vmem>> -> memref<1x1x128xi32, #tpu.memory_space<vmem>>
      %dma_start3A_315 = tpu.memref_squeeze %dma_start3A_314 : memref<1x1x128xi32, #tpu.memory_space<vmem>> -> memref<128xi32, #tpu.memory_space<vmem>>
      %dma_start3A_316 = arith.constant 0 : i32
      %dma_start3A_317 = arith.constant 0 : i32
      %dma_start3A_318 = tpu.memref_slice %arg11[%dma_start3A_316, %dma_start3A_317] : memref<10240x128xf32, #tpu.memory_space<vmem_shared>> -> memref<10240x128xf32, #tpu.memory_space<vmem_shared>>
      tpu.enqueue_indirect_dma source(%arg10 : memref<128x128xf32, #tpu.memory_space<vmem>>) target(%dma_start3A_318 : memref<10240x128xf32, #tpu.memory_space<vmem_shared>>) offsets(%dma_start3A_315 : memref<128xi32, #tpu.memory_space<vmem>>) semaphore(%arg16 : memref<!tpu.dma_semaphore, #tpu.memory_space<semaphore_mem>>) {add = true}
      %dma_wait3A_319 = arith.constant 4 : i32
      %dma_wait3A_320 = arith.constant 0 : i32
      %dma_wait3A_321 = tpu.memref_slice %arg7[%rem3A_207, %dma_wait3A_319, %dma_wait3A_320] : memref<2x8x128xi32, #tpu.memory_space<vmem>> -> memref<1x1x128xi32, #tpu.memory_space<vmem>>
      %dma_wait3A_322 = tpu.memref_squeeze %dma_wait3A_321 : memref<1x1x128xi32, #tpu.memory_space<vmem>> -> memref<128xi32, #tpu.memory_space<vmem>>
      %dma_wait3A_323 = arith.constant 0 : i32
      %dma_wait3A_324 = arith.constant 0 : i32
      %dma_wait3A_325 = tpu.memref_slice %arg3[%dma_wait3A_323, %dma_wait3A_324] : memref<10000x128xf32, #tpu.memory_space<hbm>> -> memref<10000x128xf32, #tpu.memory_space<hbm>>
      tpu.wait_indirect_dma semaphore(%arg12 : memref<!tpu.dma_semaphore, #tpu.memory_space<semaphore_mem>>) src(%dma_wait3A_325 : memref<10000x128xf32, #tpu.memory_space<hbm>>) dst(%arg9 : memref<128x128xf32, #tpu.memory_space<vmem>>)
      %dma_wait3A_326 = arith.constant 4 : i32
      %dma_wait3A_327 = arith.constant 0 : i32
      %dma_wait3A_328 = tpu.memref_slice %arg8[%rem3A_207, %dma_wait3A_326, %dma_wait3A_327] : memref<2x8x128xi32, #tpu.memory_space<vmem>> -> memref<1x1x128xi32, #tpu.memory_space<vmem>>
      %dma_wait3A_329 = tpu.memref_squeeze %dma_wait3A_328 : memref<1x1x128xi32, #tpu.memory_space<vmem>> -> memref<128xi32, #tpu.memory_space<vmem>>
      %dma_wait3A_330 = arith.constant 0 : i32
      %dma_wait3A_331 = arith.constant 0 : i32
      %dma_wait3A_332 = tpu.memref_slice %arg11[%dma_wait3A_330, %dma_wait3A_331] : memref<10240x128xf32, #tpu.memory_space<vmem_shared>> -> memref<10240x128xf32, #tpu.memory_space<vmem_shared>>
      tpu.wait_indirect_dma semaphore(%arg16 : memref<!tpu.dma_semaphore, #tpu.memory_space<semaphore_mem>>) src(%arg10 : memref<128x128xf32, #tpu.memory_space<vmem>>) dst(%dma_wait3A_332 : memref<10240x128xf32, #tpu.memory_space<vmem_shared>>)
      %dma_start3A_333 = arith.constant 5 : i32
      %dma_start3A_334 = arith.constant 0 : i32
      %dma_start3A_335 = tpu.memref_slice %arg7[%rem3A_207, %dma_start3A_333, %dma_start3A_334] : memref<2x8x128xi32, #tpu.memory_space<vmem>> -> memref<1x1x128xi32, #tpu.memory_space<vmem>>
      %dma_start3A_336 = tpu.memref_squeeze %dma_start3A_335 : memref<1x1x128xi32, #tpu.memory_space<vmem>> -> memref<128xi32, #tpu.memory_space<vmem>>
      %dma_start3A_337 = arith.constant 0 : i32
      %dma_start3A_338 = arith.constant 0 : i32
      %dma_start3A_339 = tpu.memref_slice %arg3[%dma_start3A_337, %dma_start3A_338] : memref<10000x128xf32, #tpu.memory_space<hbm>> -> memref<10000x128xf32, #tpu.memory_space<hbm>>
      tpu.enqueue_indirect_dma source(%dma_start3A_339 : memref<10000x128xf32, #tpu.memory_space<hbm>>) target(%arg10 : memref<128x128xf32, #tpu.memory_space<vmem>>) offsets(%dma_start3A_336 : memref<128xi32, #tpu.memory_space<vmem>>) semaphore(%arg13 : memref<!tpu.dma_semaphore, #tpu.memory_space<semaphore_mem>>)
      %dma_start3A_340 = arith.constant 4 : i32
      %dma_start3A_341 = arith.constant 0 : i32
      %dma_start3A_342 = tpu.memref_slice %arg8[%rem3A_207, %dma_start3A_340, %dma_start3A_341] : memref<2x8x128xi32, #tpu.memory_space<vmem>> -> memref<1x1x128xi32, #tpu.memory_space<vmem>>
      %dma_start3A_343 = tpu.memref_squeeze %dma_start3A_342 : memref<1x1x128xi32, #tpu.memory_space<vmem>> -> memref<128xi32, #tpu.memory_space<vmem>>
      %dma_start3A_344 = arith.constant 0 : i32
      %dma_start3A_345 = arith.constant 0 : i32
      %dma_start3A_346 = tpu.memref_slice %arg11[%dma_start3A_344, %dma_start3A_345] : memref<10240x128xf32, #tpu.memory_space<vmem_shared>> -> memref<10240x128xf32, #tpu.memory_space<vmem_shared>>
      tpu.enqueue_indirect_dma source(%arg9 : memref<128x128xf32, #tpu.memory_space<vmem>>) target(%dma_start3A_346 : memref<10240x128xf32, #tpu.memory_space<vmem_shared>>) offsets(%dma_start3A_343 : memref<128xi32, #tpu.memory_space<vmem>>) semaphore(%arg15 : memref<!tpu.dma_semaphore, #tpu.memory_space<semaphore_mem>>) {add = true}
      %dma_wait3A_347 = arith.constant 5 : i32
      %dma_wait3A_348 = arith.constant 0 : i32
      %dma_wait3A_349 = tpu.memref_slice %arg7[%rem3A_207, %dma_wait3A_347, %dma_wait3A_348] : memref<2x8x128xi32, #tpu.memory_space<vmem>> -> memref<1x1x128xi32, #tpu.memory_space<vmem>>
      %dma_wait3A_350 = tpu.memref_squeeze %dma_wait3A_349 : memref<1x1x128xi32, #tpu.memory_space<vmem>> -> memref<128xi32, #tpu.memory_space<vmem>>
      %dma_wait3A_351 = arith.constant 0 : i32
      %dma_wait3A_352 = arith.constant 0 : i32
      %dma_wait3A_353 = tpu.memref_slice %arg3[%dma_wait3A_351, %dma_wait3A_352] : memref<10000x128xf32, #tpu.memory_space<hbm>> -> memref<10000x128xf32, #tpu.memory_space<hbm>>
      tpu.wait_indirect_dma semaphore(%arg13 : memref<!tpu.dma_semaphore, #tpu.memory_space<semaphore_mem>>) src(%dma_wait3A_353 : memref<10000x128xf32, #tpu.memory_space<hbm>>) dst(%arg10 : memref<128x128xf32, #tpu.memory_space<vmem>>)
      %dma_wait3A_354 = arith.constant 5 : i32
      %dma_wait3A_355 = arith.constant 0 : i32
      %dma_wait3A_356 = tpu.memref_slice %arg8[%rem3A_207, %dma_wait3A_354, %dma_wait3A_355] : memref<2x8x128xi32, #tpu.memory_space<vmem>> -> memref<1x1x128xi32, #tpu.memory_space<vmem>>
      %dma_wait3A_357 = tpu.memref_squeeze %dma_wait3A_356 : memref<1x1x128xi32, #tpu.memory_space<vmem>> -> memref<128xi32, #tpu.memory_space<vmem>>
      %dma_wait3A_358 = arith.constant 0 : i32
      %dma_wait3A_359 = arith.constant 0 : i32
      %dma_wait3A_360 = tpu.memref_slice %arg11[%dma_wait3A_358, %dma_wait3A_359] : memref<10240x128xf32, #tpu.memory_space<vmem_shared>> -> memref<10240x128xf32, #tpu.memory_space<vmem_shared>>
      tpu.wait_indirect_dma semaphore(%arg15 : memref<!tpu.dma_semaphore, #tpu.memory_space<semaphore_mem>>) src(%arg9 : memref<128x128xf32, #tpu.memory_space<vmem>>) dst(%dma_wait3A_360 : memref<10240x128xf32, #tpu.memory_space<vmem_shared>>)
      %dma_start3A_361 = arith.constant 6 : i32
      %dma_start3A_362 = arith.constant 0 : i32
      %dma_start3A_363 = tpu.memref_slice %arg7[%rem3A_207, %dma_start3A_361, %dma_start3A_362] : memref<2x8x128xi32, #tpu.memory_space<vmem>> -> memref<1x1x128xi32, #tpu.memory_space<vmem>>
      %dma_start3A_364 = tpu.memref_squeeze %dma_start3A_363 : memref<1x1x128xi32, #tpu.memory_space<vmem>> -> memref<128xi32, #tpu.memory_space<vmem>>
      %dma_start3A_365 = arith.constant 0 : i32
      %dma_start3A_366 = arith.constant 0 : i32
      %dma_start3A_367 = tpu.memref_slice %arg3[%dma_start3A_365, %dma_start3A_366] : memref<10000x128xf32, #tpu.memory_space<hbm>> -> memref<10000x128xf32, #tpu.memory_space<hbm>>
      tpu.enqueue_indirect_dma source(%dma_start3A_367 : memref<10000x128xf32, #tpu.memory_space<hbm>>) target(%arg9 : memref<128x128xf32, #tpu.memory_space<vmem>>) offsets(%dma_start3A_364 : memref<128xi32, #tpu.memory_space<vmem>>) semaphore(%arg12 : memref<!tpu.dma_semaphore, #tpu.memory_space<semaphore_mem>>)
      %dma_start3A_368 = arith.constant 5 : i32
      %dma_start3A_369 = arith.constant 0 : i32
      %dma_start3A_370 = tpu.memref_slice %arg8[%rem3A_207, %dma_start3A_368, %dma_start3A_369] : memref<2x8x128xi32, #tpu.memory_space<vmem>> -> memref<1x1x128xi32, #tpu.memory_space<vmem>>
      %dma_start3A_371 = tpu.memref_squeeze %dma_start3A_370 : memref<1x1x128xi32, #tpu.memory_space<vmem>> -> memref<128xi32, #tpu.memory_space<vmem>>
      %dma_start3A_372 = arith.constant 0 : i32
      %dma_start3A_373 = arith.constant 0 : i32
      %dma_start3A_374 = tpu.memref_slice %arg11[%dma_start3A_372, %dma_start3A_373] : memref<10240x128xf32, #tpu.memory_space<vmem_shared>> -> memref<10240x128xf32, #tpu.memory_space<vmem_shared>>
      tpu.enqueue_indirect_dma source(%arg10 : memref<128x128xf32, #tpu.memory_space<vmem>>) target(%dma_start3A_374 : memref<10240x128xf32, #tpu.memory_space<vmem_shared>>) offsets(%dma_start3A_371 : memref<128xi32, #tpu.memory_space<vmem>>) semaphore(%arg16 : memref<!tpu.dma_semaphore, #tpu.memory_space<semaphore_mem>>) {add = true}
      %add3A_375 = arith.constant 1 : i32
      %add3A_376 = arith.addi %scan3A_206, %add3A_375 : i32
      %min3A = arith.constant 9 : i32
      %min3A_377 = arith.minsi %add3A_376, %min3A : i32
      %dma_wait3A_378 = arith.constant 0 : i32
      %dma_wait3A_379 = arith.constant 0 : i32
      %dma_wait3A_380 = arith.constant 0 : i32
      %dma_wait3A_381 = tpu.memref_slice %arg7[%rem3A_211, %dma_wait3A_379, %dma_wait3A_380] : memref<2x8x128xi32, #tpu.memory_space<vmem>> -> memref<1x8x128xi32, #tpu.memory_space<vmem>>
      %dma_wait3A_382 = tpu.memref_squeeze %dma_wait3A_381 : memref<1x8x128xi32, #tpu.memory_space<vmem>> -> memref<8x128xi32, #tpu.memory_space<vmem>>
      %dma_wait3A_383 = arith.constant 0 : i32
      %dma_wait3A_384 = arith.constant 0 : i32
      %dma_wait3A_385 = tpu.memref_slice %arg2[%dma_wait3A_378, %add3A, %min3A_377, %dma_wait3A_383, %dma_wait3A_384] : memref<2x32x10x8x128xi32, #tpu.memory_space<hbm>> -> memref<1x1x1x8x128xi32, #tpu.memory_space<hbm>>
      %dma_wait3A_386 = tpu.memref_squeeze %dma_wait3A_385 : memref<1x1x1x8x128xi32, #tpu.memory_space<hbm>> -> memref<8x128xi32, #tpu.memory_space<hbm>>
      %dma_wait3A_387 = arith.constant 0 : i32
      %dma_wait3A_388 = arith.constant 0 : i32
      %dma_wait3A_389 = tpu.memref_slice %arg7[%rem3A_211, %dma_wait3A_387, %dma_wait3A_388] : memref<2x8x128xi32, #tpu.memory_space<vmem>> -> memref<1x8x128xi32, #tpu.memory_space<vmem>>
      %dma_wait3A_390 = tpu.memref_squeeze %dma_wait3A_389 : memref<1x8x128xi32, #tpu.memory_space<vmem>> -> memref<8x128xi32, #tpu.memory_space<vmem>>
      %dma_wait3A_391 = arith.constant 0 : i32
      %dma_wait3A_392 = arith.constant 0 : i32
      %dma_wait3A_393 = tpu.memref_slice %arg2[%dma_wait3A_378, %add3A, %min3A_377, %dma_wait3A_391, %dma_wait3A_392] : memref<2x32x10x8x128xi32, #tpu.memory_space<hbm>> -> memref<1x1x1x8x128xi32, #tpu.memory_space<hbm>>
      %dma_wait3A_394 = tpu.memref_squeeze %dma_wait3A_393 : memref<1x1x1x8x128xi32, #tpu.memory_space<hbm>> -> memref<8x128xi32, #tpu.memory_space<hbm>>
      tpu.wait_dma2 semaphore(%arg14 : memref<!tpu.dma_semaphore, #tpu.memory_space<semaphore_mem>>) src(%dma_wait3A_394 : memref<8x128xi32, #tpu.memory_space<hbm>>) dst(%dma_wait3A_390 : memref<8x128xi32, #tpu.memory_space<vmem>>)
      %dma_wait3A_395 = arith.constant 1 : i32
      %dma_wait3A_396 = arith.constant 0 : i32
      %dma_wait3A_397 = arith.constant 0 : i32
      %dma_wait3A_398 = tpu.memref_slice %arg8[%rem3A_211, %dma_wait3A_396, %dma_wait3A_397] : memref<2x8x128xi32, #tpu.memory_space<vmem>> -> memref<1x8x128xi32, #tpu.memory_space<vmem>>
      %dma_wait3A_399 = tpu.memref_squeeze %dma_wait3A_398 : memref<1x8x128xi32, #tpu.memory_space<vmem>> -> memref<8x128xi32, #tpu.memory_space<vmem>>
      %dma_wait3A_400 = arith.constant 0 : i32
      %dma_wait3A_401 = arith.constant 0 : i32
      %dma_wait3A_402 = tpu.memref_slice %arg2[%dma_wait3A_395, %add3A, %min3A_377, %dma_wait3A_400, %dma_wait3A_401] : memref<2x32x10x8x128xi32, #tpu.memory_space<hbm>> -> memref<1x1x1x8x128xi32, #tpu.memory_space<hbm>>
      %dma_wait3A_403 = tpu.memref_squeeze %dma_wait3A_402 : memref<1x1x1x8x128xi32, #tpu.memory_space<hbm>> -> memref<8x128xi32, #tpu.memory_space<hbm>>
      %dma_wait3A_404 = arith.constant 0 : i32
      %dma_wait3A_405 = arith.constant 0 : i32
      %dma_wait3A_406 = tpu.memref_slice %arg8[%rem3A_211, %dma_wait3A_404, %dma_wait3A_405] : memref<2x8x128xi32, #tpu.memory_space<vmem>> -> memref<1x8x128xi32, #tpu.memory_space<vmem>>
      %dma_wait3A_407 = tpu.memref_squeeze %dma_wait3A_406 : memref<1x8x128xi32, #tpu.memory_space<vmem>> -> memref<8x128xi32, #tpu.memory_space<vmem>>
      %dma_wait3A_408 = arith.constant 0 : i32
      %dma_wait3A_409 = arith.constant 0 : i32
      %dma_wait3A_410 = tpu.memref_slice %arg2[%dma_wait3A_395, %add3A, %min3A_377, %dma_wait3A_408, %dma_wait3A_409] : memref<2x32x10x8x128xi32, #tpu.memory_space<hbm>> -> memref<1x1x1x8x128xi32, #tpu.memory_space<hbm>>
      %dma_wait3A_411 = tpu.memref_squeeze %dma_wait3A_410 : memref<1x1x1x8x128xi32, #tpu.memory_space<hbm>> -> memref<8x128xi32, #tpu.memory_space<hbm>>
      tpu.wait_dma2 semaphore(%arg14 : memref<!tpu.dma_semaphore, #tpu.memory_space<semaphore_mem>>) src(%dma_wait3A_411 : memref<8x128xi32, #tpu.memory_space<hbm>>) dst(%dma_wait3A_407 : memref<8x128xi32, #tpu.memory_space<vmem>>)
      %dma_wait3A_412 = arith.constant 6 : i32
      %dma_wait3A_413 = arith.constant 0 : i32
      %dma_wait3A_414 = tpu.memref_slice %arg7[%rem3A_207, %dma_wait3A_412, %dma_wait3A_413] : memref<2x8x128xi32, #tpu.memory_space<vmem>> -> memref<1x1x128xi32, #tpu.memory_space<vmem>>
      %dma_wait3A_415 = tpu.memref_squeeze %dma_wait3A_414 : memref<1x1x128xi32, #tpu.memory_space<vmem>> -> memref<128xi32, #tpu.memory_space<vmem>>
      %dma_wait3A_416 = arith.constant 0 : i32
      %dma_wait3A_417 = arith.constant 0 : i32
      %dma_wait3A_418 = tpu.memref_slice %arg3[%dma_wait3A_416, %dma_wait3A_417] : memref<10000x128xf32, #tpu.memory_space<hbm>> -> memref<10000x128xf32, #tpu.memory_space<hbm>>
      tpu.wait_indirect_dma semaphore(%arg12 : memref<!tpu.dma_semaphore, #tpu.memory_space<semaphore_mem>>) src(%dma_wait3A_418 : memref<10000x128xf32, #tpu.memory_space<hbm>>) dst(%arg9 : memref<128x128xf32, #tpu.memory_space<vmem>>)
      %dma_wait3A_419 = arith.constant 6 : i32
      %dma_wait3A_420 = arith.constant 0 : i32
      %dma_wait3A_421 = tpu.memref_slice %arg8[%rem3A_207, %dma_wait3A_419, %dma_wait3A_420] : memref<2x8x128xi32, #tpu.memory_space<vmem>> -> memref<1x1x128xi32, #tpu.memory_space<vmem>>
      %dma_wait3A_422 = tpu.memref_squeeze %dma_wait3A_421 : memref<1x1x128xi32, #tpu.memory_space<vmem>> -> memref<128xi32, #tpu.memory_space<vmem>>
      %dma_wait3A_423 = arith.constant 0 : i32
      %dma_wait3A_424 = arith.constant 0 : i32
      %dma_wait3A_425 = tpu.memref_slice %arg11[%dma_wait3A_423, %dma_wait3A_424] : memref<10240x128xf32, #tpu.memory_space<vmem_shared>> -> memref<10240x128xf32, #tpu.memory_space<vmem_shared>>
      tpu.wait_indirect_dma semaphore(%arg16 : memref<!tpu.dma_semaphore, #tpu.memory_space<semaphore_mem>>) src(%arg10 : memref<128x128xf32, #tpu.memory_space<vmem>>) dst(%dma_wait3A_425 : memref<10240x128xf32, #tpu.memory_space<vmem_shared>>)
      %dma_start3A_426 = arith.constant 7 : i32
      %dma_start3A_427 = arith.constant 0 : i32
      %dma_start3A_428 = tpu.memref_slice %arg7[%rem3A_207, %dma_start3A_426, %dma_start3A_427] : memref<2x8x128xi32, #tpu.memory_space<vmem>> -> memref<1x1x128xi32, #tpu.memory_space<vmem>>
      %dma_start3A_429 = tpu.memref_squeeze %dma_start3A_428 : memref<1x1x128xi32, #tpu.memory_space<vmem>> -> memref<128xi32, #tpu.memory_space<vmem>>
      %dma_start3A_430 = arith.constant 0 : i32
      %dma_start3A_431 = arith.constant 0 : i32
      %dma_start3A_432 = tpu.memref_slice %arg3[%dma_start3A_430, %dma_start3A_431] : memref<10000x128xf32, #tpu.memory_space<hbm>> -> memref<10000x128xf32, #tpu.memory_space<hbm>>
      tpu.enqueue_indirect_dma source(%dma_start3A_432 : memref<10000x128xf32, #tpu.memory_space<hbm>>) target(%arg10 : memref<128x128xf32, #tpu.memory_space<vmem>>) offsets(%dma_start3A_429 : memref<128xi32, #tpu.memory_space<vmem>>) semaphore(%arg13 : memref<!tpu.dma_semaphore, #tpu.memory_space<semaphore_mem>>)
      %dma_start3A_433 = arith.constant 6 : i32
      %dma_start3A_434 = arith.constant 0 : i32
      %dma_start3A_435 = tpu.memref_slice %arg8[%rem3A_207, %dma_start3A_433, %dma_start3A_434] : memref<2x8x128xi32, #tpu.memory_space<vmem>> -> memref<1x1x128xi32, #tpu.memory_space<vmem>>
      %dma_start3A_436 = tpu.memref_squeeze %dma_start3A_435 : memref<1x1x128xi32, #tpu.memory_space<vmem>> -> memref<128xi32, #tpu.memory_space<vmem>>
      %dma_start3A_437 = arith.constant 0 : i32
      %dma_start3A_438 = arith.constant 0 : i32
      %dma_start3A_439 = tpu.memref_slice %arg11[%dma_start3A_437, %dma_start3A_438] : memref<10240x128xf32, #tpu.memory_space<vmem_shared>> -> memref<10240x128xf32, #tpu.memory_space<vmem_shared>>
      tpu.enqueue_indirect_dma source(%arg9 : memref<128x128xf32, #tpu.memory_space<vmem>>) target(%dma_start3A_439 : memref<10240x128xf32, #tpu.memory_space<vmem_shared>>) offsets(%dma_start3A_436 : memref<128xi32, #tpu.memory_space<vmem>>) semaphore(%arg15 : memref<!tpu.dma_semaphore, #tpu.memory_space<semaphore_mem>>) {add = true}
      %dma_wait3A_440 = arith.constant 7 : i32
      %dma_wait3A_441 = arith.constant 0 : i32
      %dma_wait3A_442 = tpu.memref_slice %arg7[%rem3A_207, %dma_wait3A_440, %dma_wait3A_441] : memref<2x8x128xi32, #tpu.memory_space<vmem>> -> memref<1x1x128xi32, #tpu.memory_space<vmem>>
      %dma_wait3A_443 = tpu.memref_squeeze %dma_wait3A_442 : memref<1x1x128xi32, #tpu.memory_space<vmem>> -> memref<128xi32, #tpu.memory_space<vmem>>
      %dma_wait3A_444 = arith.constant 0 : i32
      %dma_wait3A_445 = arith.constant 0 : i32
      %dma_wait3A_446 = tpu.memref_slice %arg3[%dma_wait3A_444, %dma_wait3A_445] : memref<10000x128xf32, #tpu.memory_space<hbm>> -> memref<10000x128xf32, #tpu.memory_space<hbm>>
      tpu.wait_indirect_dma semaphore(%arg13 : memref<!tpu.dma_semaphore, #tpu.memory_space<semaphore_mem>>) src(%dma_wait3A_446 : memref<10000x128xf32, #tpu.memory_space<hbm>>) dst(%arg10 : memref<128x128xf32, #tpu.memory_space<vmem>>)
      %dma_wait3A_447 = arith.constant 7 : i32
      %dma_wait3A_448 = arith.constant 0 : i32
      %dma_wait3A_449 = tpu.memref_slice %arg8[%rem3A_207, %dma_wait3A_447, %dma_wait3A_448] : memref<2x8x128xi32, #tpu.memory_space<vmem>> -> memref<1x1x128xi32, #tpu.memory_space<vmem>>
      %dma_wait3A_450 = tpu.memref_squeeze %dma_wait3A_449 : memref<1x1x128xi32, #tpu.memory_space<vmem>> -> memref<128xi32, #tpu.memory_space<vmem>>
      %dma_wait3A_451 = arith.constant 0 : i32
      %dma_wait3A_452 = arith.constant 0 : i32
      %dma_wait3A_453 = tpu.memref_slice %arg11[%dma_wait3A_451, %dma_wait3A_452] : memref<10240x128xf32, #tpu.memory_space<vmem_shared>> -> memref<10240x128xf32, #tpu.memory_space<vmem_shared>>
      tpu.wait_indirect_dma semaphore(%arg15 : memref<!tpu.dma_semaphore, #tpu.memory_space<semaphore_mem>>) src(%arg9 : memref<128x128xf32, #tpu.memory_space<vmem>>) dst(%dma_wait3A_453 : memref<10240x128xf32, #tpu.memory_space<vmem_shared>>)
      %dma_start3A_454 = arith.constant 0 : i32
      %dma_start3A_455 = arith.constant 0 : i32
      %dma_start3A_456 = tpu.memref_slice %arg7[%rem3A_211, %dma_start3A_454, %dma_start3A_455] : memref<2x8x128xi32, #tpu.memory_space<vmem>> -> memref<1x1x128xi32, #tpu.memory_space<vmem>>
      %dma_start3A_457 = tpu.memref_squeeze %dma_start3A_456 : memref<1x1x128xi32, #tpu.memory_space<vmem>> -> memref<128xi32, #tpu.memory_space<vmem>>
      %dma_start3A_458 = arith.constant 0 : i32
      %dma_start3A_459 = arith.constant 0 : i32
      %dma_start3A_460 = tpu.memref_slice %arg3[%dma_start3A_458, %dma_start3A_459] : memref<10000x128xf32, #tpu.memory_space<hbm>> -> memref<10000x128xf32, #tpu.memory_space<hbm>>
      tpu.enqueue_indirect_dma source(%dma_start3A_460 : memref<10000x128xf32, #tpu.memory_space<hbm>>) target(%arg9 : memref<128x128xf32, #tpu.memory_space<vmem>>) offsets(%dma_start3A_457 : memref<128xi32, #tpu.memory_space<vmem>>) semaphore(%arg12 : memref<!tpu.dma_semaphore, #tpu.memory_space<semaphore_mem>>)
      %dma_start3A_461 = arith.constant 7 : i32
      %dma_start3A_462 = arith.constant 0 : i32
      %dma_start3A_463 = tpu.memref_slice %arg8[%rem3A_207, %dma_start3A_461, %dma_start3A_462] : memref<2x8x128xi32, #tpu.memory_space<vmem>> -> memref<1x1x128xi32, #tpu.memory_space<vmem>>
      %dma_start3A_464 = tpu.memref_squeeze %dma_start3A_463 : memref<1x1x128xi32, #tpu.memory_space<vmem>> -> memref<128xi32, #tpu.memory_space<vmem>>
      %dma_start3A_465 = arith.constant 0 : i32
      %dma_start3A_466 = arith.constant 0 : i32
      %dma_start3A_467 = tpu.memref_slice %arg11[%dma_start3A_465, %dma_start3A_466] : memref<10240x128xf32, #tpu.memory_space<vmem_shared>> -> memref<10240x128xf32, #tpu.memory_space<vmem_shared>>
      tpu.enqueue_indirect_dma source(%arg10 : memref<128x128xf32, #tpu.memory_space<vmem>>) target(%dma_start3A_467 : memref<10240x128xf32, #tpu.memory_space<vmem_shared>>) offsets(%dma_start3A_464 : memref<128xi32, #tpu.memory_space<vmem>>) semaphore(%arg16 : memref<!tpu.dma_semaphore, #tpu.memory_space<semaphore_mem>>) {add = true}
      %add3A_468 = arith.constant 2 : i32
      %add3A_469 = arith.addi %scan3A_206, %add3A_468 : i32
      %min3A_470 = arith.constant 9 : i32
      %min3A_471 = arith.minsi %add3A_469, %min3A_470 : i32
      %dma_start3A_472 = arith.constant 0 : i32
      %dma_start3A_473 = arith.constant 0 : i32
      %dma_start3A_474 = arith.constant 0 : i32
      %dma_start3A_475 = tpu.memref_slice %arg7[%rem3A_207, %dma_start3A_473, %dma_start3A_474] : memref<2x8x128xi32, #tpu.memory_space<vmem>> -> memref<1x8x128xi32, #tpu.memory_space<vmem>>
      %dma_start3A_476 = tpu.memref_squeeze %dma_start3A_475 : memref<1x8x128xi32, #tpu.memory_space<vmem>> -> memref<8x128xi32, #tpu.memory_space<vmem>>
      %dma_start3A_477 = arith.constant 0 : i32
      %dma_start3A_478 = arith.constant 0 : i32
      %dma_start3A_479 = tpu.memref_slice %arg2[%dma_start3A_472, %add3A, %min3A_471, %dma_start3A_477, %dma_start3A_478] : memref<2x32x10x8x128xi32, #tpu.memory_space<hbm>> -> memref<1x1x1x8x128xi32, #tpu.memory_space<hbm>>
      %dma_start3A_480 = tpu.memref_squeeze %dma_start3A_479 : memref<1x1x1x8x128xi32, #tpu.memory_space<hbm>> -> memref<8x128xi32, #tpu.memory_space<hbm>>
      %dma_start3A_481 = arith.constant 0 : i32
      %dma_start3A_482 = arith.constant 0 : i32
      %dma_start3A_483 = tpu.memref_slice %arg7[%rem3A_207, %dma_start3A_481, %dma_start3A_482] : memref<2x8x128xi32, #tpu.memory_space<vmem>> -> memref<1x8x128xi32, #tpu.memory_space<vmem>>
      %dma_start3A_484 = tpu.memref_squeeze %dma_start3A_483 : memref<1x8x128xi32, #tpu.memory_space<vmem>> -> memref<8x128xi32, #tpu.memory_space<vmem>>
      %dma_start3A_485 = arith.constant 0 : i32
      %dma_start3A_486 = arith.constant 0 : i32
      %dma_start3A_487 = tpu.memref_slice %arg2[%dma_start3A_472, %add3A, %min3A_471, %dma_start3A_485, %dma_start3A_486] : memref<2x32x10x8x128xi32, #tpu.memory_space<hbm>> -> memref<1x1x1x8x128xi32, #tpu.memory_space<hbm>>
      %dma_start3A_488 = tpu.memref_squeeze %dma_start3A_487 : memref<1x1x1x8x128xi32, #tpu.memory_space<hbm>> -> memref<8x128xi32, #tpu.memory_space<hbm>>
      tpu.enqueue_dma source(%dma_start3A_488 : memref<8x128xi32, #tpu.memory_space<hbm>>) target(%dma_start3A_484 : memref<8x128xi32, #tpu.memory_space<vmem>>) target_semaphore(%arg14 : memref<!tpu.dma_semaphore, #tpu.memory_space<semaphore_mem>>)
      %dma_start3A_489 = arith.constant 1 : i32
      %dma_start3A_490 = arith.constant 0 : i32
      %dma_start3A_491 = arith.constant 0 : i32
      %dma_start3A_492 = tpu.memref_slice %arg8[%rem3A_207, %dma_start3A_490, %dma_start3A_491] : memref<2x8x128xi32, #tpu.memory_space<vmem>> -> memref<1x8x128xi32, #tpu.memory_space<vmem>>
      %dma_start3A_493 = tpu.memref_squeeze %dma_start3A_492 : memref<1x8x128xi32, #tpu.memory_space<vmem>> -> memref<8x128xi32, #tpu.memory_space<vmem>>
      %dma_start3A_494 = arith.constant 0 : i32
      %dma_start3A_495 = arith.constant 0 : i32
      %dma_start3A_496 = tpu.memref_slice %arg2[%dma_start3A_489, %add3A, %min3A_471, %dma_start3A_494, %dma_start3A_495] : memref<2x32x10x8x128xi32, #tpu.memory_space<hbm>> -> memref<1x1x1x8x128xi32, #tpu.memory_space<hbm>>
      %dma_start3A_497 = tpu.memref_squeeze %dma_start3A_496 : memref<1x1x1x8x128xi32, #tpu.memory_space<hbm>> -> memref<8x128xi32, #tpu.memory_space<hbm>>
      %dma_start3A_498 = arith.constant 0 : i32
      %dma_start3A_499 = arith.constant 0 : i32
      %dma_start3A_500 = tpu.memref_slice %arg8[%rem3A_207, %dma_start3A_498, %dma_start3A_499] : memref<2x8x128xi32, #tpu.memory_space<vmem>> -> memref<1x8x128xi32, #tpu.memory_space<vmem>>
      %dma_start3A_501 = tpu.memref_squeeze %dma_start3A_500 : memref<1x8x128xi32, #tpu.memory_space<vmem>> -> memref<8x128xi32, #tpu.memory_space<vmem>>
      %dma_start3A_502 = arith.constant 0 : i32
      %dma_start3A_503 = arith.constant 0 : i32
      %dma_start3A_504 = tpu.memref_slice %arg2[%dma_start3A_489, %add3A, %min3A_471, %dma_start3A_502, %dma_start3A_503] : memref<2x32x10x8x128xi32, #tpu.memory_space<hbm>> -> memref<1x1x1x8x128xi32, #tpu.memory_space<hbm>>
      %dma_start3A_505 = tpu.memref_squeeze %dma_start3A_504 : memref<1x1x1x8x128xi32, #tpu.memory_space<hbm>> -> memref<8x128xi32, #tpu.memory_space<hbm>>
      tpu.enqueue_dma source(%dma_start3A_505 : memref<8x128xi32, #tpu.memory_space<hbm>>) target(%dma_start3A_501 : memref<8x128xi32, #tpu.memory_space<vmem>>) target_semaphore(%arg14 : memref<!tpu.dma_semaphore, #tpu.memory_space<semaphore_mem>>)
    }
    %scan3A_146 = arith.constant 10 : i32
    %dma_wait3A_147 = arith.constant 1 : i32
    %dma_wait3A_148 = arith.constant 7 : i32
    %dma_wait3A_149 = arith.constant 0 : i32
    %dma_wait3A_150 = tpu.memref_slice %arg8[%dma_wait3A_147, %dma_wait3A_148, %dma_wait3A_149] : memref<2x8x128xi32, #tpu.memory_space<vmem>> -> memref<1x1x128xi32, #tpu.memory_space<vmem>>
    %dma_wait3A_151 = tpu.memref_squeeze %dma_wait3A_150 : memref<1x1x128xi32, #tpu.memory_space<vmem>> -> memref<128xi32, #tpu.memory_space<vmem>>
    %dma_wait3A_152 = arith.constant 0 : i32
    %dma_wait3A_153 = arith.constant 0 : i32
    %dma_wait3A_154 = tpu.memref_slice %arg11[%dma_wait3A_152, %dma_wait3A_153] : memref<10240x128xf32, #tpu.memory_space<vmem_shared>> -> memref<10240x128xf32, #tpu.memory_space<vmem_shared>>
    tpu.wait_indirect_dma semaphore(%arg16 : memref<!tpu.dma_semaphore, #tpu.memory_space<semaphore_mem>>) src(%arg10 : memref<128x128xf32, #tpu.memory_space<vmem>>) dst(%dma_wait3A_154 : memref<10240x128xf32, #tpu.memory_space<vmem_shared>>)
    %dma_wait3A_155 = arith.constant 0 : i32
    %dma_wait3A_156 = arith.constant 9 : i32
    %dma_wait3A_157 = arith.constant 1 : i32
    %dma_wait3A_158 = arith.constant 0 : i32
    %dma_wait3A_159 = arith.constant 0 : i32
    %dma_wait3A_160 = tpu.memref_slice %arg7[%dma_wait3A_157, %dma_wait3A_158, %dma_wait3A_159] : memref<2x8x128xi32, #tpu.memory_space<vmem>> -> memref<1x8x128xi32, #tpu.memory_space<vmem>>
    %dma_wait3A_161 = tpu.memref_squeeze %dma_wait3A_160 : memref<1x8x128xi32, #tpu.memory_space<vmem>> -> memref<8x128xi32, #tpu.memory_space<vmem>>
    %dma_wait3A_162 = arith.constant 0 : i32
    %dma_wait3A_163 = arith.constant 0 : i32
    %dma_wait3A_164 = tpu.memref_slice %arg2[%dma_wait3A_155, %add3A, %dma_wait3A_156, %dma_wait3A_162, %dma_wait3A_163] : memref<2x32x10x8x128xi32, #tpu.memory_space<hbm>> -> memref<1x1x1x8x128xi32, #tpu.memory_space<hbm>>
    %dma_wait3A_165 = tpu.memref_squeeze %dma_wait3A_164 : memref<1x1x1x8x128xi32, #tpu.memory_space<hbm>> -> memref<8x128xi32, #tpu.memory_space<hbm>>
    %dma_wait3A_166 = arith.constant 0 : i32
    %dma_wait3A_167 = arith.constant 0 : i32
    %dma_wait3A_168 = tpu.memref_slice %arg7[%dma_wait3A_157, %dma_wait3A_166, %dma_wait3A_167] : memref<2x8x128xi32, #tpu.memory_space<vmem>> -> memref<1x8x128xi32, #tpu.memory_space<vmem>>
    %dma_wait3A_169 = tpu.memref_squeeze %dma_wait3A_168 : memref<1x8x128xi32, #tpu.memory_space<vmem>> -> memref<8x128xi32, #tpu.memory_space<vmem>>
    %dma_wait3A_170 = arith.constant 0 : i32
    %dma_wait3A_171 = arith.constant 0 : i32
    %dma_wait3A_172 = tpu.memref_slice %arg2[%dma_wait3A_155, %add3A, %dma_wait3A_156, %dma_wait3A_170, %dma_wait3A_171] : memref<2x32x10x8x128xi32, #tpu.memory_space<hbm>> -> memref<1x1x1x8x128xi32, #tpu.memory_space<hbm>>
    %dma_wait3A_173 = tpu.memref_squeeze %dma_wait3A_172 : memref<1x1x1x8x128xi32, #tpu.memory_space<hbm>> -> memref<8x128xi32, #tpu.memory_space<hbm>>
    tpu.wait_dma2 semaphore(%arg14 : memref<!tpu.dma_semaphore, #tpu.memory_space<semaphore_mem>>) src(%dma_wait3A_173 : memref<8x128xi32, #tpu.memory_space<hbm>>) dst(%dma_wait3A_169 : memref<8x128xi32, #tpu.memory_space<vmem>>)
    %dma_wait3A_174 = arith.constant 1 : i32
    %dma_wait3A_175 = arith.constant 9 : i32
    %dma_wait3A_176 = arith.constant 1 : i32
    %dma_wait3A_177 = arith.constant 0 : i32
    %dma_wait3A_178 = arith.constant 0 : i32
    %dma_wait3A_179 = tpu.memref_slice %arg8[%dma_wait3A_176, %dma_wait3A_177, %dma_wait3A_178] : memref<2x8x128xi32, #tpu.memory_space<vmem>> -> memref<1x8x128xi32, #tpu.memory_space<vmem>>
    %dma_wait3A_180 = tpu.memref_squeeze %dma_wait3A_179 : memref<1x8x128xi32, #tpu.memory_space<vmem>> -> memref<8x128xi32, #tpu.memory_space<vmem>>
    %dma_wait3A_181 = arith.constant 0 : i32
    %dma_wait3A_182 = arith.constant 0 : i32
    %dma_wait3A_183 = tpu.memref_slice %arg2[%dma_wait3A_174, %add3A, %dma_wait3A_175, %dma_wait3A_181, %dma_wait3A_182] : memref<2x32x10x8x128xi32, #tpu.memory_space<hbm>> -> memref<1x1x1x8x128xi32, #tpu.memory_space<hbm>>
    %dma_wait3A_184 = tpu.memref_squeeze %dma_wait3A_183 : memref<1x1x1x8x128xi32, #tpu.memory_space<hbm>> -> memref<8x128xi32, #tpu.memory_space<hbm>>
    %dma_wait3A_185 = arith.constant 0 : i32
    %dma_wait3A_186 = arith.constant 0 : i32
    %dma_wait3A_187 = tpu.memref_slice %arg8[%dma_wait3A_176, %dma_wait3A_185, %dma_wait3A_186] : memref<2x8x128xi32, #tpu.memory_space<vmem>> -> memref<1x8x128xi32, #tpu.memory_space<vmem>>
    %dma_wait3A_188 = tpu.memref_squeeze %dma_wait3A_187 : memref<1x8x128xi32, #tpu.memory_space<vmem>> -> memref<8x128xi32, #tpu.memory_space<vmem>>
    %dma_wait3A_189 = arith.constant 0 : i32
    %dma_wait3A_190 = arith.constant 0 : i32
    %dma_wait3A_191 = tpu.memref_slice %arg2[%dma_wait3A_174, %add3A, %dma_wait3A_175, %dma_wait3A_189, %dma_wait3A_190] : memref<2x32x10x8x128xi32, #tpu.memory_space<hbm>> -> memref<1x1x1x8x128xi32, #tpu.memory_space<hbm>>
    %dma_wait3A_192 = tpu.memref_squeeze %dma_wait3A_191 : memref<1x1x1x8x128xi32, #tpu.memory_space<hbm>> -> memref<8x128xi32, #tpu.memory_space<hbm>>
    tpu.wait_dma2 semaphore(%arg14 : memref<!tpu.dma_semaphore, #tpu.memory_space<semaphore_mem>>) src(%dma_wait3A_192 : memref<8x128xi32, #tpu.memory_space<hbm>>) dst(%dma_wait3A_188 : memref<8x128xi32, #tpu.memory_space<vmem>>)
    %dma_wait3A_193 = arith.constant 0 : i32
    %dma_wait3A_194 = arith.constant 0 : i32
    %dma_wait3A_195 = arith.constant 0 : i32
    %dma_wait3A_196 = tpu.memref_slice %arg7[%dma_wait3A_193, %dma_wait3A_194, %dma_wait3A_195] : memref<2x8x128xi32, #tpu.memory_space<vmem>> -> memref<1x1x128xi32, #tpu.memory_space<vmem>>
    %dma_wait3A_197 = tpu.memref_squeeze %dma_wait3A_196 : memref<1x1x128xi32, #tpu.memory_space<vmem>> -> memref<128xi32, #tpu.memory_space<vmem>>
    %dma_wait3A_198 = arith.constant 0 : i32
    %dma_wait3A_199 = arith.constant 0 : i32
    %dma_wait3A_200 = tpu.memref_slice %arg3[%dma_wait3A_198, %dma_wait3A_199] : memref<10000x128xf32, #tpu.memory_space<hbm>> -> memref<10000x128xf32, #tpu.memory_space<hbm>>
    tpu.wait_indirect_dma semaphore(%arg12 : memref<!tpu.dma_semaphore, #tpu.memory_space<semaphore_mem>>) src(%dma_wait3A_200 : memref<10000x128xf32, #tpu.memory_space<hbm>>) dst(%arg9 : memref<128x128xf32, #tpu.memory_space<vmem>>)
    %barrier3A_201 = arith.constant 0 : index
    tpu.barrier barrier_id(%barrier3A_201)
    %mul3A_202 = arith.constant 640 : i32
    %mul3A_203 = arith.muli %arg1, %mul3A_202 : i32
    %mul3A_204 = arith.constant 640 : i32
    %mul3A_205 = arith.muli %arg1, %mul3A_204 : i32
    "tpu.region"() ({
      %run_scoped3A = tpu.sem_alloc : memref<!tpu.dma_semaphore, #tpu.memory_space<semaphore_mem>>
      %dma_start3A_206 = arith.constant 0 : i32
      %dma_start3A_207 = tpu.memref_slice %arg6[%arg0, %mul3A_205, %dma_start3A_206] : memref<2x10240x128xf32, #tpu.memory_space<hbm>> -> memref<1x640x128xf32, #tpu.memory_space<hbm>>
      %dma_start3A_208 = tpu.memref_squeeze %dma_start3A_207 : memref<1x640x128xf32, #tpu.memory_space<hbm>> -> memref<640x128xf32, #tpu.memory_space<hbm>>
      %dma_start3A_209 = arith.constant 0 : i32
      %dma_start3A_210 = tpu.memref_slice %arg11[%mul3A_203, %dma_start3A_209] : memref<10240x128xf32, #tpu.memory_space<vmem_shared>> -> memref<640x128xf32, #tpu.memory_space<vmem_shared>>
      tpu.enqueue_dma source(%dma_start3A_210 : memref<640x128xf32, #tpu.memory_space<vmem_shared>>) target(%dma_start3A_208 : memref<640x128xf32, #tpu.memory_space<hbm>>) target_semaphore(%run_scoped3A : memref<!tpu.dma_semaphore, #tpu.memory_space<semaphore_mem>>)
      %dma_wait3A_211 = arith.constant 0 : i32
      %dma_wait3A_212 = tpu.memref_slice %arg6[%arg0, %mul3A_205, %dma_wait3A_211] : memref<2x10240x128xf32, #tpu.memory_space<hbm>> -> memref<1x640x128xf32, #tpu.memory_space<hbm>>
      %dma_wait3A_213 = tpu.memref_squeeze %dma_wait3A_212 : memref<1x640x128xf32, #tpu.memory_space<hbm>> -> memref<640x128xf32, #tpu.memory_space<hbm>>
      %dma_wait3A_214 = arith.constant 0 : i32
      %dma_wait3A_215 = tpu.memref_slice %arg11[%mul3A_203, %dma_wait3A_214] : memref<10240x128xf32, #tpu.memory_space<vmem_shared>> -> memref<640x128xf32, #tpu.memory_space<vmem_shared>>
      tpu.wait_dma2 semaphore(%run_scoped3A : memref<!tpu.dma_semaphore, #tpu.memory_space<semaphore_mem>>) src(%dma_wait3A_215 : memref<640x128xf32, #tpu.memory_space<vmem_shared>>) dst(%dma_wait3A_213 : memref<640x128xf32, #tpu.memory_space<hbm>>)
      tpu.yield
    }) : () -> ()
    return
  }
}

#map = affine_map<(d0, d1) -> (0, 0, 0, 0, 0)>
#map1 = affine_map<(d0, d1) -> (0, 0)>
#map2 = affine_map<(d0, d1) -> (0)>
#map3 = affine_map<(d0, d1) -> (0, 0, 0)>
module attributes {stable_mosaic.version = 14 : i64} {
  func.func @_sc_agg_body(%arg0: i32, %arg1: i32, %arg2: memref<2x32x10x8x128xi32, #tpu.memory_space<hbm>>, %arg3: memref<10000x128xf32, #tpu.memory_space<hbm>>, %arg4: memref<128x128xf32, #tpu.memory_space<hbm>>, %arg5: memref<10240xf32, #tpu.memory_space<hbm>>, %arg6: memref<2x10240x128xf32, #tpu.memory_space<hbm>>, %arg7: memref<32x10240xf32, #tpu.memory_space<hbm>>, %arg8: memref<2x8x128xi32, #tpu.memory_space<vmem>>, %arg9: memref<2x8x128xi32, #tpu.memory_space<vmem>>, %arg10: memref<128x128xf32, #tpu.memory_space<vmem>>, %arg11: memref<128x128xf32, #tpu.memory_space<vmem>>, %arg12: memref<10240xf32, #tpu.memory_space<vmem>>, %arg13: memref<10240x128xf32, #tpu.memory_space<vmem_shared>>, %arg14: memref<!tpu.dma_semaphore, #tpu.memory_space<semaphore_mem>>, %arg15: memref<!tpu.dma_semaphore, #tpu.memory_space<semaphore_mem>>, %arg16: memref<!tpu.dma_semaphore, #tpu.memory_space<semaphore_mem>>, %arg17: memref<!tpu.dma_semaphore, #tpu.memory_space<semaphore_mem>>, %arg18: memref<!tpu.dma_semaphore, #tpu.memory_space<semaphore_mem>>) attributes {dimension_semantics = [#tpu.dimension_semantics<core_parallel>, #tpu.dimension_semantics<subcore_parallel>], iteration_bounds = array<i64: 2, 16>, scalar_prefetch = 0 : i64, scratch_operands = 11 : i64, tpu.core_type = #tpu.core_type<sc_vector_subcore>, window_params = [{transform_indices = #map}, {transform_indices = #map1}, {transform_indices = #map1}, {transform_indices = #map2}, {transform_indices = #map3}, {transform_indices = #map1}]} {
    %mul3A = arith.constant 16 : i32
    %mul3A_0 = arith.muli %arg0, %mul3A : i32
    %add3A = arith.addi %mul3A_0, %arg1 : i32
    %broadcast_in_dim3A = arith.constant 1.000000e+00 : f32
    %broadcast_in_dim3A_1 = vector.broadcast %broadcast_in_dim3A : f32 to vector<16xf32>
    %dma_start3A = arith.constant 0 : i32
    %dma_start3A_2 = arith.constant 0 : i32
    %dma_start3A_3 = arith.constant 0 : i32
    %dma_start3A_4 = arith.constant 0 : i32
    %dma_start3A_5 = arith.constant 0 : i32
    %dma_start3A_6 = tpu.memref_slice %arg8[%dma_start3A_3, %dma_start3A_4, %dma_start3A_5] : memref<2x8x128xi32, #tpu.memory_space<vmem>> -> memref<1x8x128xi32, #tpu.memory_space<vmem>>
    %dma_start3A_7 = tpu.memref_squeeze %dma_start3A_6 : memref<1x8x128xi32, #tpu.memory_space<vmem>> -> memref<8x128xi32, #tpu.memory_space<vmem>>
    %dma_start3A_8 = arith.constant 0 : i32
    %dma_start3A_9 = arith.constant 0 : i32
    %dma_start3A_10 = tpu.memref_slice %arg2[%dma_start3A, %add3A, %dma_start3A_2, %dma_start3A_8, %dma_start3A_9] : memref<2x32x10x8x128xi32, #tpu.memory_space<hbm>> -> memref<1x1x1x8x128xi32, #tpu.memory_space<hbm>>
    %dma_start3A_11 = tpu.memref_squeeze %dma_start3A_10 : memref<1x1x1x8x128xi32, #tpu.memory_space<hbm>> -> memref<8x128xi32, #tpu.memory_space<hbm>>
    %dma_start3A_12 = arith.constant 0 : i32
    %dma_start3A_13 = arith.constant 0 : i32
    %dma_start3A_14 = tpu.memref_slice %arg8[%dma_start3A_3, %dma_start3A_12, %dma_start3A_13] : memref<2x8x128xi32, #tpu.memory_space<vmem>> -> memref<1x8x128xi32, #tpu.memory_space<vmem>>
    %dma_start3A_15 = tpu.memref_squeeze %dma_start3A_14 : memref<1x8x128xi32, #tpu.memory_space<vmem>> -> memref<8x128xi32, #tpu.memory_space<vmem>>
    %dma_start3A_16 = arith.constant 0 : i32
    %dma_start3A_17 = arith.constant 0 : i32
    %dma_start3A_18 = tpu.memref_slice %arg2[%dma_start3A, %add3A, %dma_start3A_2, %dma_start3A_16, %dma_start3A_17] : memref<2x32x10x8x128xi32, #tpu.memory_space<hbm>> -> memref<1x1x1x8x128xi32, #tpu.memory_space<hbm>>
    %dma_start3A_19 = tpu.memref_squeeze %dma_start3A_18 : memref<1x1x1x8x128xi32, #tpu.memory_space<hbm>> -> memref<8x128xi32, #tpu.memory_space<hbm>>
    tpu.enqueue_dma source(%dma_start3A_19 : memref<8x128xi32, #tpu.memory_space<hbm>>) target(%dma_start3A_15 : memref<8x128xi32, #tpu.memory_space<vmem>>) target_semaphore(%arg15 : memref<!tpu.dma_semaphore, #tpu.memory_space<semaphore_mem>>)
    %dma_start3A_20 = arith.constant 1 : i32
    %dma_start3A_21 = arith.constant 0 : i32
    %dma_start3A_22 = arith.constant 0 : i32
    %dma_start3A_23 = arith.constant 0 : i32
    %dma_start3A_24 = arith.constant 0 : i32
    %dma_start3A_25 = tpu.memref_slice %arg9[%dma_start3A_22, %dma_start3A_23, %dma_start3A_24] : memref<2x8x128xi32, #tpu.memory_space<vmem>> -> memref<1x8x128xi32, #tpu.memory_space<vmem>>
    %dma_start3A_26 = tpu.memref_squeeze %dma_start3A_25 : memref<1x8x128xi32, #tpu.memory_space<vmem>> -> memref<8x128xi32, #tpu.memory_space<vmem>>
    %dma_start3A_27 = arith.constant 0 : i32
    %dma_start3A_28 = arith.constant 0 : i32
    %dma_start3A_29 = tpu.memref_slice %arg2[%dma_start3A_20, %add3A, %dma_start3A_21, %dma_start3A_27, %dma_start3A_28] : memref<2x32x10x8x128xi32, #tpu.memory_space<hbm>> -> memref<1x1x1x8x128xi32, #tpu.memory_space<hbm>>
    %dma_start3A_30 = tpu.memref_squeeze %dma_start3A_29 : memref<1x1x1x8x128xi32, #tpu.memory_space<hbm>> -> memref<8x128xi32, #tpu.memory_space<hbm>>
    %dma_start3A_31 = arith.constant 0 : i32
    %dma_start3A_32 = arith.constant 0 : i32
    %dma_start3A_33 = tpu.memref_slice %arg9[%dma_start3A_22, %dma_start3A_31, %dma_start3A_32] : memref<2x8x128xi32, #tpu.memory_space<vmem>> -> memref<1x8x128xi32, #tpu.memory_space<vmem>>
    %dma_start3A_34 = tpu.memref_squeeze %dma_start3A_33 : memref<1x8x128xi32, #tpu.memory_space<vmem>> -> memref<8x128xi32, #tpu.memory_space<vmem>>
    %dma_start3A_35 = arith.constant 0 : i32
    %dma_start3A_36 = arith.constant 0 : i32
    %dma_start3A_37 = tpu.memref_slice %arg2[%dma_start3A_20, %add3A, %dma_start3A_21, %dma_start3A_35, %dma_start3A_36] : memref<2x32x10x8x128xi32, #tpu.memory_space<hbm>> -> memref<1x1x1x8x128xi32, #tpu.memory_space<hbm>>
    %dma_start3A_38 = tpu.memref_squeeze %dma_start3A_37 : memref<1x1x1x8x128xi32, #tpu.memory_space<hbm>> -> memref<8x128xi32, #tpu.memory_space<hbm>>
    tpu.enqueue_dma source(%dma_start3A_38 : memref<8x128xi32, #tpu.memory_space<hbm>>) target(%dma_start3A_34 : memref<8x128xi32, #tpu.memory_space<vmem>>) target_semaphore(%arg15 : memref<!tpu.dma_semaphore, #tpu.memory_space<semaphore_mem>>)
    %dma_start3A_39 = arith.constant 0 : i32
    %dma_start3A_40 = arith.constant 1 : i32
    %dma_start3A_41 = arith.constant 1 : i32
    %dma_start3A_42 = arith.constant 0 : i32
    %dma_start3A_43 = arith.constant 0 : i32
    %dma_start3A_44 = tpu.memref_slice %arg8[%dma_start3A_41, %dma_start3A_42, %dma_start3A_43] : memref<2x8x128xi32, #tpu.memory_space<vmem>> -> memref<1x8x128xi32, #tpu.memory_space<vmem>>
    %dma_start3A_45 = tpu.memref_squeeze %dma_start3A_44 : memref<1x8x128xi32, #tpu.memory_space<vmem>> -> memref<8x128xi32, #tpu.memory_space<vmem>>
    %dma_start3A_46 = arith.constant 0 : i32
    %dma_start3A_47 = arith.constant 0 : i32
    %dma_start3A_48 = tpu.memref_slice %arg2[%dma_start3A_39, %add3A, %dma_start3A_40, %dma_start3A_46, %dma_start3A_47] : memref<2x32x10x8x128xi32, #tpu.memory_space<hbm>> -> memref<1x1x1x8x128xi32, #tpu.memory_space<hbm>>
    %dma_start3A_49 = tpu.memref_squeeze %dma_start3A_48 : memref<1x1x1x8x128xi32, #tpu.memory_space<hbm>> -> memref<8x128xi32, #tpu.memory_space<hbm>>
    %dma_start3A_50 = arith.constant 0 : i32
    %dma_start3A_51 = arith.constant 0 : i32
    %dma_start3A_52 = tpu.memref_slice %arg8[%dma_start3A_41, %dma_start3A_50, %dma_start3A_51] : memref<2x8x128xi32, #tpu.memory_space<vmem>> -> memref<1x8x128xi32, #tpu.memory_space<vmem>>
    %dma_start3A_53 = tpu.memref_squeeze %dma_start3A_52 : memref<1x8x128xi32, #tpu.memory_space<vmem>> -> memref<8x128xi32, #tpu.memory_space<vmem>>
    %dma_start3A_54 = arith.constant 0 : i32
    %dma_start3A_55 = arith.constant 0 : i32
    %dma_start3A_56 = tpu.memref_slice %arg2[%dma_start3A_39, %add3A, %dma_start3A_40, %dma_start3A_54, %dma_start3A_55] : memref<2x32x10x8x128xi32, #tpu.memory_space<hbm>> -> memref<1x1x1x8x128xi32, #tpu.memory_space<hbm>>
    %dma_start3A_57 = tpu.memref_squeeze %dma_start3A_56 : memref<1x1x1x8x128xi32, #tpu.memory_space<hbm>> -> memref<8x128xi32, #tpu.memory_space<hbm>>
    tpu.enqueue_dma source(%dma_start3A_57 : memref<8x128xi32, #tpu.memory_space<hbm>>) target(%dma_start3A_53 : memref<8x128xi32, #tpu.memory_space<vmem>>) target_semaphore(%arg16 : memref<!tpu.dma_semaphore, #tpu.memory_space<semaphore_mem>>)
    %dma_start3A_58 = arith.constant 1 : i32
    %dma_start3A_59 = arith.constant 1 : i32
    %dma_start3A_60 = arith.constant 1 : i32
    %dma_start3A_61 = arith.constant 0 : i32
    %dma_start3A_62 = arith.constant 0 : i32
    %dma_start3A_63 = tpu.memref_slice %arg9[%dma_start3A_60, %dma_start3A_61, %dma_start3A_62] : memref<2x8x128xi32, #tpu.memory_space<vmem>> -> memref<1x8x128xi32, #tpu.memory_space<vmem>>
    %dma_start3A_64 = tpu.memref_squeeze %dma_start3A_63 : memref<1x8x128xi32, #tpu.memory_space<vmem>> -> memref<8x128xi32, #tpu.memory_space<vmem>>
    %dma_start3A_65 = arith.constant 0 : i32
    %dma_start3A_66 = arith.constant 0 : i32
    %dma_start3A_67 = tpu.memref_slice %arg2[%dma_start3A_58, %add3A, %dma_start3A_59, %dma_start3A_65, %dma_start3A_66] : memref<2x32x10x8x128xi32, #tpu.memory_space<hbm>> -> memref<1x1x1x8x128xi32, #tpu.memory_space<hbm>>
    %dma_start3A_68 = tpu.memref_squeeze %dma_start3A_67 : memref<1x1x1x8x128xi32, #tpu.memory_space<hbm>> -> memref<8x128xi32, #tpu.memory_space<hbm>>
    %dma_start3A_69 = arith.constant 0 : i32
    %dma_start3A_70 = arith.constant 0 : i32
    %dma_start3A_71 = tpu.memref_slice %arg9[%dma_start3A_60, %dma_start3A_69, %dma_start3A_70] : memref<2x8x128xi32, #tpu.memory_space<vmem>> -> memref<1x8x128xi32, #tpu.memory_space<vmem>>
    %dma_start3A_72 = tpu.memref_squeeze %dma_start3A_71 : memref<1x8x128xi32, #tpu.memory_space<vmem>> -> memref<8x128xi32, #tpu.memory_space<vmem>>
    %dma_start3A_73 = arith.constant 0 : i32
    %dma_start3A_74 = arith.constant 0 : i32
    %dma_start3A_75 = tpu.memref_slice %arg2[%dma_start3A_58, %add3A, %dma_start3A_59, %dma_start3A_73, %dma_start3A_74] : memref<2x32x10x8x128xi32, #tpu.memory_space<hbm>> -> memref<1x1x1x8x128xi32, #tpu.memory_space<hbm>>
    %dma_start3A_76 = tpu.memref_squeeze %dma_start3A_75 : memref<1x1x1x8x128xi32, #tpu.memory_space<hbm>> -> memref<8x128xi32, #tpu.memory_space<hbm>>
    tpu.enqueue_dma source(%dma_start3A_76 : memref<8x128xi32, #tpu.memory_space<hbm>>) target(%dma_start3A_72 : memref<8x128xi32, #tpu.memory_space<vmem>>) target_semaphore(%arg16 : memref<!tpu.dma_semaphore, #tpu.memory_space<semaphore_mem>>)
    tpu.enqueue_dma source(%arg5 : memref<10240xf32, #tpu.memory_space<hbm>>) target(%arg12 : memref<10240xf32, #tpu.memory_space<vmem>>) target_semaphore(%arg14 : memref<!tpu.dma_semaphore, #tpu.memory_space<semaphore_mem>>)
    "tpu.region"() ({
      %run_scoped3A = tpu.sem_alloc : memref<!tpu.dma_semaphore, #tpu.memory_space<semaphore_mem>>
      tpu.enqueue_dma source(%arg4 : memref<128x128xf32, #tpu.memory_space<hbm>>) target(%arg10 : memref<128x128xf32, #tpu.memory_space<vmem>>) target_semaphore(%run_scoped3A : memref<!tpu.dma_semaphore, #tpu.memory_space<semaphore_mem>>)
      tpu.wait_dma2 semaphore(%run_scoped3A : memref<!tpu.dma_semaphore, #tpu.memory_space<semaphore_mem>>) src(%arg4 : memref<128x128xf32, #tpu.memory_space<hbm>>) dst(%arg10 : memref<128x128xf32, #tpu.memory_space<vmem>>)
      tpu.yield
    }) : () -> ()
    %mul3A_77 = arith.constant 640 : i32
    %mul3A_78 = arith.muli %arg1, %mul3A_77 : i32
    %add3A_79 = arith.constant 0 : i32
    %add3A_80 = arith.addi %mul3A_78, %add3A_79 : i32
    "tpu.region"() ({
      %run_scoped3A = tpu.sem_alloc : memref<!tpu.dma_semaphore, #tpu.memory_space<semaphore_mem>>
      %dma_start3A_206 = arith.constant 0 : i32
      %dma_start3A_207 = tpu.memref_slice %arg13[%add3A_80, %dma_start3A_206] : memref<10240x128xf32, #tpu.memory_space<vmem_shared>> -> memref<128x128xf32, #tpu.memory_space<vmem_shared>>
      %dma_start3A_208 = arith.constant 0 : i32
      %dma_start3A_209 = tpu.memref_slice %arg13[%add3A_80, %dma_start3A_208] : memref<10240x128xf32, #tpu.memory_space<vmem_shared>> -> memref<128x128xf32, #tpu.memory_space<vmem_shared>>
      tpu.enqueue_dma source(%arg10 : memref<128x128xf32, #tpu.memory_space<vmem>>) target(%dma_start3A_209 : memref<128x128xf32, #tpu.memory_space<vmem_shared>>) target_semaphore(%run_scoped3A : memref<!tpu.dma_semaphore, #tpu.memory_space<semaphore_mem>>)
      %dma_wait3A_210 = arith.constant 0 : i32
      %dma_wait3A_211 = tpu.memref_slice %arg13[%add3A_80, %dma_wait3A_210] : memref<10240x128xf32, #tpu.memory_space<vmem_shared>> -> memref<128x128xf32, #tpu.memory_space<vmem_shared>>
      %dma_wait3A_212 = arith.constant 0 : i32
      %dma_wait3A_213 = tpu.memref_slice %arg13[%add3A_80, %dma_wait3A_212] : memref<10240x128xf32, #tpu.memory_space<vmem_shared>> -> memref<128x128xf32, #tpu.memory_space<vmem_shared>>
      tpu.wait_dma2 semaphore(%run_scoped3A : memref<!tpu.dma_semaphore, #tpu.memory_space<semaphore_mem>>) src(%arg10 : memref<128x128xf32, #tpu.memory_space<vmem>>) dst(%dma_wait3A_213 : memref<128x128xf32, #tpu.memory_space<vmem_shared>>)
      tpu.yield
    }) : () -> ()
    %mul3A_81 = arith.constant 640 : i32
    %mul3A_82 = arith.muli %arg1, %mul3A_81 : i32
    %add3A_83 = arith.constant 128 : i32
    %add3A_84 = arith.addi %mul3A_82, %add3A_83 : i32
    "tpu.region"() ({
      %run_scoped3A = tpu.sem_alloc : memref<!tpu.dma_semaphore, #tpu.memory_space<semaphore_mem>>
      %dma_start3A_206 = arith.constant 0 : i32
      %dma_start3A_207 = tpu.memref_slice %arg13[%add3A_84, %dma_start3A_206] : memref<10240x128xf32, #tpu.memory_space<vmem_shared>> -> memref<128x128xf32, #tpu.memory_space<vmem_shared>>
      %dma_start3A_208 = arith.constant 0 : i32
      %dma_start3A_209 = tpu.memref_slice %arg13[%add3A_84, %dma_start3A_208] : memref<10240x128xf32, #tpu.memory_space<vmem_shared>> -> memref<128x128xf32, #tpu.memory_space<vmem_shared>>
      tpu.enqueue_dma source(%arg10 : memref<128x128xf32, #tpu.memory_space<vmem>>) target(%dma_start3A_209 : memref<128x128xf32, #tpu.memory_space<vmem_shared>>) target_semaphore(%run_scoped3A : memref<!tpu.dma_semaphore, #tpu.memory_space<semaphore_mem>>)
      %dma_wait3A_210 = arith.constant 0 : i32
      %dma_wait3A_211 = tpu.memref_slice %arg13[%add3A_84, %dma_wait3A_210] : memref<10240x128xf32, #tpu.memory_space<vmem_shared>> -> memref<128x128xf32, #tpu.memory_space<vmem_shared>>
      %dma_wait3A_212 = arith.constant 0 : i32
      %dma_wait3A_213 = tpu.memref_slice %arg13[%add3A_84, %dma_wait3A_212] : memref<10240x128xf32, #tpu.memory_space<vmem_shared>> -> memref<128x128xf32, #tpu.memory_space<vmem_shared>>
      tpu.wait_dma2 semaphore(%run_scoped3A : memref<!tpu.dma_semaphore, #tpu.memory_space<semaphore_mem>>) src(%arg10 : memref<128x128xf32, #tpu.memory_space<vmem>>) dst(%dma_wait3A_213 : memref<128x128xf32, #tpu.memory_space<vmem_shared>>)
      tpu.yield
    }) : () -> ()
    %mul3A_85 = arith.constant 640 : i32
    %mul3A_86 = arith.muli %arg1, %mul3A_85 : i32
    %add3A_87 = arith.constant 256 : i32
    %add3A_88 = arith.addi %mul3A_86, %add3A_87 : i32
    "tpu.region"() ({
      %run_scoped3A = tpu.sem_alloc : memref<!tpu.dma_semaphore, #tpu.memory_space<semaphore_mem>>
      %dma_start3A_206 = arith.constant 0 : i32
      %dma_start3A_207 = tpu.memref_slice %arg13[%add3A_88, %dma_start3A_206] : memref<10240x128xf32, #tpu.memory_space<vmem_shared>> -> memref<128x128xf32, #tpu.memory_space<vmem_shared>>
      %dma_start3A_208 = arith.constant 0 : i32
      %dma_start3A_209 = tpu.memref_slice %arg13[%add3A_88, %dma_start3A_208] : memref<10240x128xf32, #tpu.memory_space<vmem_shared>> -> memref<128x128xf32, #tpu.memory_space<vmem_shared>>
      tpu.enqueue_dma source(%arg10 : memref<128x128xf32, #tpu.memory_space<vmem>>) target(%dma_start3A_209 : memref<128x128xf32, #tpu.memory_space<vmem_shared>>) target_semaphore(%run_scoped3A : memref<!tpu.dma_semaphore, #tpu.memory_space<semaphore_mem>>)
      %dma_wait3A_210 = arith.constant 0 : i32
      %dma_wait3A_211 = tpu.memref_slice %arg13[%add3A_88, %dma_wait3A_210] : memref<10240x128xf32, #tpu.memory_space<vmem_shared>> -> memref<128x128xf32, #tpu.memory_space<vmem_shared>>
      %dma_wait3A_212 = arith.constant 0 : i32
      %dma_wait3A_213 = tpu.memref_slice %arg13[%add3A_88, %dma_wait3A_212] : memref<10240x128xf32, #tpu.memory_space<vmem_shared>> -> memref<128x128xf32, #tpu.memory_space<vmem_shared>>
      tpu.wait_dma2 semaphore(%run_scoped3A : memref<!tpu.dma_semaphore, #tpu.memory_space<semaphore_mem>>) src(%arg10 : memref<128x128xf32, #tpu.memory_space<vmem>>) dst(%dma_wait3A_213 : memref<128x128xf32, #tpu.memory_space<vmem_shared>>)
      tpu.yield
    }) : () -> ()
    %mul3A_89 = arith.constant 640 : i32
    %mul3A_90 = arith.muli %arg1, %mul3A_89 : i32
    %add3A_91 = arith.constant 384 : i32
    %add3A_92 = arith.addi %mul3A_90, %add3A_91 : i32
    "tpu.region"() ({
      %run_scoped3A = tpu.sem_alloc : memref<!tpu.dma_semaphore, #tpu.memory_space<semaphore_mem>>
      %dma_start3A_206 = arith.constant 0 : i32
      %dma_start3A_207 = tpu.memref_slice %arg13[%add3A_92, %dma_start3A_206] : memref<10240x128xf32, #tpu.memory_space<vmem_shared>> -> memref<128x128xf32, #tpu.memory_space<vmem_shared>>
      %dma_start3A_208 = arith.constant 0 : i32
      %dma_start3A_209 = tpu.memref_slice %arg13[%add3A_92, %dma_start3A_208] : memref<10240x128xf32, #tpu.memory_space<vmem_shared>> -> memref<128x128xf32, #tpu.memory_space<vmem_shared>>
      tpu.enqueue_dma source(%arg10 : memref<128x128xf32, #tpu.memory_space<vmem>>) target(%dma_start3A_209 : memref<128x128xf32, #tpu.memory_space<vmem_shared>>) target_semaphore(%run_scoped3A : memref<!tpu.dma_semaphore, #tpu.memory_space<semaphore_mem>>)
      %dma_wait3A_210 = arith.constant 0 : i32
      %dma_wait3A_211 = tpu.memref_slice %arg13[%add3A_92, %dma_wait3A_210] : memref<10240x128xf32, #tpu.memory_space<vmem_shared>> -> memref<128x128xf32, #tpu.memory_space<vmem_shared>>
      %dma_wait3A_212 = arith.constant 0 : i32
      %dma_wait3A_213 = tpu.memref_slice %arg13[%add3A_92, %dma_wait3A_212] : memref<10240x128xf32, #tpu.memory_space<vmem_shared>> -> memref<128x128xf32, #tpu.memory_space<vmem_shared>>
      tpu.wait_dma2 semaphore(%run_scoped3A : memref<!tpu.dma_semaphore, #tpu.memory_space<semaphore_mem>>) src(%arg10 : memref<128x128xf32, #tpu.memory_space<vmem>>) dst(%dma_wait3A_213 : memref<128x128xf32, #tpu.memory_space<vmem_shared>>)
      tpu.yield
    }) : () -> ()
    %mul3A_93 = arith.constant 640 : i32
    %mul3A_94 = arith.muli %arg1, %mul3A_93 : i32
    %add3A_95 = arith.constant 512 : i32
    %add3A_96 = arith.addi %mul3A_94, %add3A_95 : i32
    "tpu.region"() ({
      %run_scoped3A = tpu.sem_alloc : memref<!tpu.dma_semaphore, #tpu.memory_space<semaphore_mem>>
      %dma_start3A_206 = arith.constant 0 : i32
      %dma_start3A_207 = tpu.memref_slice %arg13[%add3A_96, %dma_start3A_206] : memref<10240x128xf32, #tpu.memory_space<vmem_shared>> -> memref<128x128xf32, #tpu.memory_space<vmem_shared>>
      %dma_start3A_208 = arith.constant 0 : i32
      %dma_start3A_209 = tpu.memref_slice %arg13[%add3A_96, %dma_start3A_208] : memref<10240x128xf32, #tpu.memory_space<vmem_shared>> -> memref<128x128xf32, #tpu.memory_space<vmem_shared>>
      tpu.enqueue_dma source(%arg10 : memref<128x128xf32, #tpu.memory_space<vmem>>) target(%dma_start3A_209 : memref<128x128xf32, #tpu.memory_space<vmem_shared>>) target_semaphore(%run_scoped3A : memref<!tpu.dma_semaphore, #tpu.memory_space<semaphore_mem>>)
      %dma_wait3A_210 = arith.constant 0 : i32
      %dma_wait3A_211 = tpu.memref_slice %arg13[%add3A_96, %dma_wait3A_210] : memref<10240x128xf32, #tpu.memory_space<vmem_shared>> -> memref<128x128xf32, #tpu.memory_space<vmem_shared>>
      %dma_wait3A_212 = arith.constant 0 : i32
      %dma_wait3A_213 = tpu.memref_slice %arg13[%add3A_96, %dma_wait3A_212] : memref<10240x128xf32, #tpu.memory_space<vmem_shared>> -> memref<128x128xf32, #tpu.memory_space<vmem_shared>>
      tpu.wait_dma2 semaphore(%run_scoped3A : memref<!tpu.dma_semaphore, #tpu.memory_space<semaphore_mem>>) src(%arg10 : memref<128x128xf32, #tpu.memory_space<vmem>>) dst(%dma_wait3A_213 : memref<128x128xf32, #tpu.memory_space<vmem_shared>>)
      tpu.yield
    }) : () -> ()
    tpu.wait_dma2 semaphore(%arg14 : memref<!tpu.dma_semaphore, #tpu.memory_space<semaphore_mem>>) src(%arg5 : memref<10240xf32, #tpu.memory_space<hbm>>) dst(%arg12 : memref<10240xf32, #tpu.memory_space<vmem>>)
    %dma_wait3A = arith.constant 0 : i32
    %dma_wait3A_97 = arith.constant 0 : i32
    %dma_wait3A_98 = arith.constant 0 : i32
    %dma_wait3A_99 = arith.constant 0 : i32
    %dma_wait3A_100 = arith.constant 0 : i32
    %dma_wait3A_101 = tpu.memref_slice %arg8[%dma_wait3A_98, %dma_wait3A_99, %dma_wait3A_100] : memref<2x8x128xi32, #tpu.memory_space<vmem>> -> memref<1x8x128xi32, #tpu.memory_space<vmem>>
    %dma_wait3A_102 = tpu.memref_squeeze %dma_wait3A_101 : memref<1x8x128xi32, #tpu.memory_space<vmem>> -> memref<8x128xi32, #tpu.memory_space<vmem>>
    %dma_wait3A_103 = arith.constant 0 : i32
    %dma_wait3A_104 = arith.constant 0 : i32
    %dma_wait3A_105 = tpu.memref_slice %arg2[%dma_wait3A, %add3A, %dma_wait3A_97, %dma_wait3A_103, %dma_wait3A_104] : memref<2x32x10x8x128xi32, #tpu.memory_space<hbm>> -> memref<1x1x1x8x128xi32, #tpu.memory_space<hbm>>
    %dma_wait3A_106 = tpu.memref_squeeze %dma_wait3A_105 : memref<1x1x1x8x128xi32, #tpu.memory_space<hbm>> -> memref<8x128xi32, #tpu.memory_space<hbm>>
    %dma_wait3A_107 = arith.constant 0 : i32
    %dma_wait3A_108 = arith.constant 0 : i32
    %dma_wait3A_109 = tpu.memref_slice %arg8[%dma_wait3A_98, %dma_wait3A_107, %dma_wait3A_108] : memref<2x8x128xi32, #tpu.memory_space<vmem>> -> memref<1x8x128xi32, #tpu.memory_space<vmem>>
    %dma_wait3A_110 = tpu.memref_squeeze %dma_wait3A_109 : memref<1x8x128xi32, #tpu.memory_space<vmem>> -> memref<8x128xi32, #tpu.memory_space<vmem>>
    %dma_wait3A_111 = arith.constant 0 : i32
    %dma_wait3A_112 = arith.constant 0 : i32
    %dma_wait3A_113 = tpu.memref_slice %arg2[%dma_wait3A, %add3A, %dma_wait3A_97, %dma_wait3A_111, %dma_wait3A_112] : memref<2x32x10x8x128xi32, #tpu.memory_space<hbm>> -> memref<1x1x1x8x128xi32, #tpu.memory_space<hbm>>
    %dma_wait3A_114 = tpu.memref_squeeze %dma_wait3A_113 : memref<1x1x1x8x128xi32, #tpu.memory_space<hbm>> -> memref<8x128xi32, #tpu.memory_space<hbm>>
    tpu.wait_dma2 semaphore(%arg15 : memref<!tpu.dma_semaphore, #tpu.memory_space<semaphore_mem>>) src(%dma_wait3A_114 : memref<8x128xi32, #tpu.memory_space<hbm>>) dst(%dma_wait3A_110 : memref<8x128xi32, #tpu.memory_space<vmem>>)
    %dma_wait3A_115 = arith.constant 1 : i32
    %dma_wait3A_116 = arith.constant 0 : i32
    %dma_wait3A_117 = arith.constant 0 : i32
    %dma_wait3A_118 = arith.constant 0 : i32
    %dma_wait3A_119 = arith.constant 0 : i32
    %dma_wait3A_120 = tpu.memref_slice %arg9[%dma_wait3A_117, %dma_wait3A_118, %dma_wait3A_119] : memref<2x8x128xi32, #tpu.memory_space<vmem>> -> memref<1x8x128xi32, #tpu.memory_space<vmem>>
    %dma_wait3A_121 = tpu.memref_squeeze %dma_wait3A_120 : memref<1x8x128xi32, #tpu.memory_space<vmem>> -> memref<8x128xi32, #tpu.memory_space<vmem>>
    %dma_wait3A_122 = arith.constant 0 : i32
    %dma_wait3A_123 = arith.constant 0 : i32
    %dma_wait3A_124 = tpu.memref_slice %arg2[%dma_wait3A_115, %add3A, %dma_wait3A_116, %dma_wait3A_122, %dma_wait3A_123] : memref<2x32x10x8x128xi32, #tpu.memory_space<hbm>> -> memref<1x1x1x8x128xi32, #tpu.memory_space<hbm>>
    %dma_wait3A_125 = tpu.memref_squeeze %dma_wait3A_124 : memref<1x1x1x8x128xi32, #tpu.memory_space<hbm>> -> memref<8x128xi32, #tpu.memory_space<hbm>>
    %dma_wait3A_126 = arith.constant 0 : i32
    %dma_wait3A_127 = arith.constant 0 : i32
    %dma_wait3A_128 = tpu.memref_slice %arg9[%dma_wait3A_117, %dma_wait3A_126, %dma_wait3A_127] : memref<2x8x128xi32, #tpu.memory_space<vmem>> -> memref<1x8x128xi32, #tpu.memory_space<vmem>>
    %dma_wait3A_129 = tpu.memref_squeeze %dma_wait3A_128 : memref<1x8x128xi32, #tpu.memory_space<vmem>> -> memref<8x128xi32, #tpu.memory_space<vmem>>
    %dma_wait3A_130 = arith.constant 0 : i32
    %dma_wait3A_131 = arith.constant 0 : i32
    %dma_wait3A_132 = tpu.memref_slice %arg2[%dma_wait3A_115, %add3A, %dma_wait3A_116, %dma_wait3A_130, %dma_wait3A_131] : memref<2x32x10x8x128xi32, #tpu.memory_space<hbm>> -> memref<1x1x1x8x128xi32, #tpu.memory_space<hbm>>
    %dma_wait3A_133 = tpu.memref_squeeze %dma_wait3A_132 : memref<1x1x1x8x128xi32, #tpu.memory_space<hbm>> -> memref<8x128xi32, #tpu.memory_space<hbm>>
    tpu.wait_dma2 semaphore(%arg15 : memref<!tpu.dma_semaphore, #tpu.memory_space<semaphore_mem>>) src(%dma_wait3A_133 : memref<8x128xi32, #tpu.memory_space<hbm>>) dst(%dma_wait3A_129 : memref<8x128xi32, #tpu.memory_space<vmem>>)
    %barrier3A = arith.constant 0 : index
    tpu.barrier barrier_id(%barrier3A)
    %dma_start3A_134 = arith.constant 0 : i32
    %dma_start3A_135 = arith.constant 0 : i32
    %dma_start3A_136 = arith.constant 0 : i32
    %dma_start3A_137 = tpu.memref_slice %arg8[%dma_start3A_134, %dma_start3A_135, %dma_start3A_136] : memref<2x8x128xi32, #tpu.memory_space<vmem>> -> memref<1x1x128xi32, #tpu.memory_space<vmem>>
    %dma_start3A_138 = tpu.memref_squeeze %dma_start3A_137 : memref<1x1x128xi32, #tpu.memory_space<vmem>> -> memref<128xi32, #tpu.memory_space<vmem>>
    %dma_start3A_139 = arith.constant 0 : i32
    %dma_start3A_140 = arith.constant 0 : i32
    %dma_start3A_141 = tpu.memref_slice %arg3[%dma_start3A_139, %dma_start3A_140] : memref<10000x128xf32, #tpu.memory_space<hbm>> -> memref<10000x128xf32, #tpu.memory_space<hbm>>
    tpu.enqueue_indirect_dma source(%dma_start3A_141 : memref<10000x128xf32, #tpu.memory_space<hbm>>) target(%arg10 : memref<128x128xf32, #tpu.memory_space<vmem>>) offsets(%dma_start3A_138 : memref<128xi32, #tpu.memory_space<vmem>>) semaphore(%arg14 : memref<!tpu.dma_semaphore, #tpu.memory_space<semaphore_mem>>)
    %scan3A = arith.constant 0 : i32
    %scan3A_142 = arith.constant 0 : i32
    %scan3A_143 = arith.constant 10 : i32
    %scan3A_144 = arith.addi %scan3A_142, %scan3A_143 : i32
    %scan3A_145 = arith.constant 1 : i32
    scf.for %scan3A_206 = %scan3A_142 to %scan3A_144 step %scan3A_145  : i32 {
      %rem3A = arith.constant 2 : i32
      %rem3A_207 = arith.remsi %scan3A_206, %rem3A : i32
      %add3A_208 = arith.constant 1 : i32
      %add3A_209 = arith.addi %scan3A_206, %add3A_208 : i32
      %rem3A_210 = arith.constant 2 : i32
      %rem3A_211 = arith.remsi %add3A_209, %rem3A_210 : i32
      %dma_wait3A_212 = arith.constant 0 : i32
      %dma_wait3A_213 = arith.constant 0 : i32
      %dma_wait3A_214 = tpu.memref_slice %arg8[%rem3A_207, %dma_wait3A_212, %dma_wait3A_213] : memref<2x8x128xi32, #tpu.memory_space<vmem>> -> memref<1x1x128xi32, #tpu.memory_space<vmem>>
      %dma_wait3A_215 = tpu.memref_squeeze %dma_wait3A_214 : memref<1x1x128xi32, #tpu.memory_space<vmem>> -> memref<128xi32, #tpu.memory_space<vmem>>
      %dma_wait3A_216 = arith.constant 0 : i32
      %dma_wait3A_217 = arith.constant 0 : i32
      %dma_wait3A_218 = tpu.memref_slice %arg3[%dma_wait3A_216, %dma_wait3A_217] : memref<10000x128xf32, #tpu.memory_space<hbm>> -> memref<10000x128xf32, #tpu.memory_space<hbm>>
      tpu.wait_indirect_dma semaphore(%arg14 : memref<!tpu.dma_semaphore, #tpu.memory_space<semaphore_mem>>) src(%dma_wait3A_218 : memref<10000x128xf32, #tpu.memory_space<hbm>>) dst(%arg10 : memref<128x128xf32, #tpu.memory_space<vmem>>)
      %gt3A = arith.constant 0 : i32
      %gt3A_219 = arith.cmpi sgt, %scan3A_206, %gt3A : i32
      %convert_element_type3A = arith.extui %gt3A_219 : i1 to i32
      %cond3A = arith.constant 0 : i32
      %cond3A_220 = arith.cmpi ne, %convert_element_type3A, %cond3A : i32
      scf.if %cond3A_220 {
        %dma_wait3A_825 = arith.constant 0 : i32
        %dma_wait3A_826 = arith.constant 0 : i32
        %dma_wait3A_827 = tpu.memref_slice %arg9[%rem3A_207, %dma_wait3A_825, %dma_wait3A_826] : memref<2x8x128xi32, #tpu.memory_space<vmem>> -> memref<1x1x128xi32, #tpu.memory_space<vmem>>
        %dma_wait3A_828 = tpu.memref_squeeze %dma_wait3A_827 : memref<1x1x128xi32, #tpu.memory_space<vmem>> -> memref<128xi32, #tpu.memory_space<vmem>>
        %dma_wait3A_829 = arith.constant 0 : i32
        %dma_wait3A_830 = arith.constant 0 : i32
        %dma_wait3A_831 = tpu.memref_slice %arg13[%dma_wait3A_829, %dma_wait3A_830] : memref<10240x128xf32, #tpu.memory_space<vmem_shared>> -> memref<10240x128xf32, #tpu.memory_space<vmem_shared>>
        tpu.wait_indirect_dma semaphore(%arg18 : memref<!tpu.dma_semaphore, #tpu.memory_space<semaphore_mem>>) src(%arg11 : memref<128x128xf32, #tpu.memory_space<vmem>>) dst(%dma_wait3A_831 : memref<10240x128xf32, #tpu.memory_space<vmem_shared>>)
      } else {
      }
      %dma_start3A_221 = arith.constant 1 : i32
      %dma_start3A_222 = arith.constant 0 : i32
      %dma_start3A_223 = tpu.memref_slice %arg8[%rem3A_207, %dma_start3A_221, %dma_start3A_222] : memref<2x8x128xi32, #tpu.memory_space<vmem>> -> memref<1x1x128xi32, #tpu.memory_space<vmem>>
      %dma_start3A_224 = tpu.memref_squeeze %dma_start3A_223 : memref<1x1x128xi32, #tpu.memory_space<vmem>> -> memref<128xi32, #tpu.memory_space<vmem>>
      %dma_start3A_225 = arith.constant 0 : i32
      %dma_start3A_226 = arith.constant 0 : i32
      %dma_start3A_227 = tpu.memref_slice %arg3[%dma_start3A_225, %dma_start3A_226] : memref<10000x128xf32, #tpu.memory_space<hbm>> -> memref<10000x128xf32, #tpu.memory_space<hbm>>
      tpu.enqueue_indirect_dma source(%dma_start3A_227 : memref<10000x128xf32, #tpu.memory_space<hbm>>) target(%arg11 : memref<128x128xf32, #tpu.memory_space<vmem>>) offsets(%dma_start3A_224 : memref<128xi32, #tpu.memory_space<vmem>>) semaphore(%arg15 : memref<!tpu.dma_semaphore, #tpu.memory_space<semaphore_mem>>)
      %dma_start3A_228 = arith.constant 0 : i32
      %dma_start3A_229 = arith.constant 0 : i32
      %dma_start3A_230 = tpu.memref_slice %arg9[%rem3A_207, %dma_start3A_228, %dma_start3A_229] : memref<2x8x128xi32, #tpu.memory_space<vmem>> -> memref<1x1x128xi32, #tpu.memory_space<vmem>>
      %dma_start3A_231 = tpu.memref_squeeze %dma_start3A_230 : memref<1x1x128xi32, #tpu.memory_space<vmem>> -> memref<128xi32, #tpu.memory_space<vmem>>
      %dma_start3A_232 = arith.constant 0 : i32
      %dma_start3A_233 = arith.constant 0 : i32
      %dma_start3A_234 = tpu.memref_slice %arg13[%dma_start3A_232, %dma_start3A_233] : memref<10240x128xf32, #tpu.memory_space<vmem_shared>> -> memref<10240x128xf32, #tpu.memory_space<vmem_shared>>
      tpu.enqueue_indirect_dma source(%arg10 : memref<128x128xf32, #tpu.memory_space<vmem>>) target(%dma_start3A_234 : memref<10240x128xf32, #tpu.memory_space<vmem_shared>>) offsets(%dma_start3A_231 : memref<128xi32, #tpu.memory_space<vmem>>) semaphore(%arg17 : memref<!tpu.dma_semaphore, #tpu.memory_space<semaphore_mem>>) {add = true}
      %get3A = arith.constant 0 : i32
      %get3A_235 = arith.index_cast %rem3A_207 : i32 to index
      %get3A_236 = arith.index_cast %get3A : i32 to index
      %get3A_237 = arith.constant 0 : index
      %get3A_238 = tpu.vector_load %arg9[%get3A_235, %get3A_236, %get3A_237] {strides = array<i32>} : memref<2x8x128xi32, #tpu.memory_space<vmem>>, vector<16xi32>,
      tpu.vector_store_idx %arg12[%get3A_238], %broadcast_in_dim3A_1 {add = true} : memref<10240xf32, #tpu.memory_space<vmem>>[vector<16xi32>], vector<16xf32>,
      %get3A_239 = arith.constant 0 : i32
      %get3A_240 = arith.index_cast %rem3A_207 : i32 to index
      %get3A_241 = arith.index_cast %get3A_239 : i32 to index
      %get3A_242 = arith.constant 16 : index
      %get3A_243 = tpu.vector_load %arg9[%get3A_240, %get3A_241, %get3A_242] {strides = array<i32>} : memref<2x8x128xi32, #tpu.memory_space<vmem>>, vector<16xi32>,
      tpu.vector_store_idx %arg12[%get3A_243], %broadcast_in_dim3A_1 {add = true} : memref<10240xf32, #tpu.memory_space<vmem>>[vector<16xi32>], vector<16xf32>,
      %get3A_244 = arith.constant 0 : i32
      %get3A_245 = arith.index_cast %rem3A_207 : i32 to index
      %get3A_246 = arith.index_cast %get3A_244 : i32 to index
      %get3A_247 = arith.constant 32 : index
      %get3A_248 = tpu.vector_load %arg9[%get3A_245, %get3A_246, %get3A_247] {strides = array<i32>} : memref<2x8x128xi32, #tpu.memory_space<vmem>>, vector<16xi32>,
      tpu.vector_store_idx %arg12[%get3A_248], %broadcast_in_dim3A_1 {add = true} : memref<10240xf32, #tpu.memory_space<vmem>>[vector<16xi32>], vector<16xf32>,
      %get3A_249 = arith.constant 0 : i32
      %get3A_250 = arith.index_cast %rem3A_207 : i32 to index
      %get3A_251 = arith.index_cast %get3A_249 : i32 to index
      %get3A_252 = arith.constant 48 : index
      %get3A_253 = tpu.vector_load %arg9[%get3A_250, %get3A_251, %get3A_252] {strides = array<i32>} : memref<2x8x128xi32, #tpu.memory_space<vmem>>, vector<16xi32>,
      tpu.vector_store_idx %arg12[%get3A_253], %broadcast_in_dim3A_1 {add = true} : memref<10240xf32, #tpu.memory_space<vmem>>[vector<16xi32>], vector<16xf32>,
      %get3A_254 = arith.constant 0 : i32
      %get3A_255 = arith.index_cast %rem3A_207 : i32 to index
      %get3A_256 = arith.index_cast %get3A_254 : i32 to index
      %get3A_257 = arith.constant 64 : index
      %get3A_258 = tpu.vector_load %arg9[%get3A_255, %get3A_256, %get3A_257] {strides = array<i32>} : memref<2x8x128xi32, #tpu.memory_space<vmem>>, vector<16xi32>,
      tpu.vector_store_idx %arg12[%get3A_258], %broadcast_in_dim3A_1 {add = true} : memref<10240xf32, #tpu.memory_space<vmem>>[vector<16xi32>], vector<16xf32>,
      %get3A_259 = arith.constant 0 : i32
      %get3A_260 = arith.index_cast %rem3A_207 : i32 to index
      %get3A_261 = arith.index_cast %get3A_259 : i32 to index
      %get3A_262 = arith.constant 80 : index
      %get3A_263 = tpu.vector_load %arg9[%get3A_260, %get3A_261, %get3A_262] {strides = array<i32>} : memref<2x8x128xi32, #tpu.memory_space<vmem>>, vector<16xi32>,
      tpu.vector_store_idx %arg12[%get3A_263], %broadcast_in_dim3A_1 {add = true} : memref<10240xf32, #tpu.memory_space<vmem>>[vector<16xi32>], vector<16xf32>,
      %get3A_264 = arith.constant 0 : i32
      %get3A_265 = arith.index_cast %rem3A_207 : i32 to index
      %get3A_266 = arith.index_cast %get3A_264 : i32 to index
      %get3A_267 = arith.constant 96 : index
      %get3A_268 = tpu.vector_load %arg9[%get3A_265, %get3A_266, %get3A_267] {strides = array<i32>} : memref<2x8x128xi32, #tpu.memory_space<vmem>>, vector<16xi32>,
      tpu.vector_store_idx %arg12[%get3A_268], %broadcast_in_dim3A_1 {add = true} : memref<10240xf32, #tpu.memory_space<vmem>>[vector<16xi32>], vector<16xf32>,
      %get3A_269 = arith.constant 0 : i32
      %get3A_270 = arith.index_cast %rem3A_207 : i32 to index
      %get3A_271 = arith.index_cast %get3A_269 : i32 to index
      %get3A_272 = arith.constant 112 : index
      %get3A_273 = tpu.vector_load %arg9[%get3A_270, %get3A_271, %get3A_272] {strides = array<i32>} : memref<2x8x128xi32, #tpu.memory_space<vmem>>, vector<16xi32>,
      tpu.vector_store_idx %arg12[%get3A_273], %broadcast_in_dim3A_1 {add = true} : memref<10240xf32, #tpu.memory_space<vmem>>[vector<16xi32>], vector<16xf32>,
      %dma_wait3A_274 = arith.constant 1 : i32
      %dma_wait3A_275 = arith.constant 0 : i32
      %dma_wait3A_276 = tpu.memref_slice %arg8[%rem3A_207, %dma_wait3A_274, %dma_wait3A_275] : memref<2x8x128xi32, #tpu.memory_space<vmem>> -> memref<1x1x128xi32, #tpu.memory_space<vmem>>
      %dma_wait3A_277 = tpu.memref_squeeze %dma_wait3A_276 : memref<1x1x128xi32, #tpu.memory_space<vmem>> -> memref<128xi32, #tpu.memory_space<vmem>>
      %dma_wait3A_278 = arith.constant 0 : i32
      %dma_wait3A_279 = arith.constant 0 : i32
      %dma_wait3A_280 = tpu.memref_slice %arg3[%dma_wait3A_278, %dma_wait3A_279] : memref<10000x128xf32, #tpu.memory_space<hbm>> -> memref<10000x128xf32, #tpu.memory_space<hbm>>
      tpu.wait_indirect_dma semaphore(%arg15 : memref<!tpu.dma_semaphore, #tpu.memory_space<semaphore_mem>>) src(%dma_wait3A_280 : memref<10000x128xf32, #tpu.memory_space<hbm>>) dst(%arg11 : memref<128x128xf32, #tpu.memory_space<vmem>>)
      %dma_wait3A_281 = arith.constant 1 : i32
      %dma_wait3A_282 = arith.constant 0 : i32
      %dma_wait3A_283 = tpu.memref_slice %arg9[%rem3A_207, %dma_wait3A_281, %dma_wait3A_282] : memref<2x8x128xi32, #tpu.memory_space<vmem>> -> memref<1x1x128xi32, #tpu.memory_space<vmem>>
      %dma_wait3A_284 = tpu.memref_squeeze %dma_wait3A_283 : memref<1x1x128xi32, #tpu.memory_space<vmem>> -> memref<128xi32, #tpu.memory_space<vmem>>
      %dma_wait3A_285 = arith.constant 0 : i32
      %dma_wait3A_286 = arith.constant 0 : i32
      %dma_wait3A_287 = tpu.memref_slice %arg13[%dma_wait3A_285, %dma_wait3A_286] : memref<10240x128xf32, #tpu.memory_space<vmem_shared>> -> memref<10240x128xf32, #tpu.memory_space<vmem_shared>>
      tpu.wait_indirect_dma semaphore(%arg17 : memref<!tpu.dma_semaphore, #tpu.memory_space<semaphore_mem>>) src(%arg10 : memref<128x128xf32, #tpu.memory_space<vmem>>) dst(%dma_wait3A_287 : memref<10240x128xf32, #tpu.memory_space<vmem_shared>>)
      %dma_start3A_288 = arith.constant 2 : i32
      %dma_start3A_289 = arith.constant 0 : i32
      %dma_start3A_290 = tpu.memref_slice %arg8[%rem3A_207, %dma_start3A_288, %dma_start3A_289] : memref<2x8x128xi32, #tpu.memory_space<vmem>> -> memref<1x1x128xi32, #tpu.memory_space<vmem>>
      %dma_start3A_291 = tpu.memref_squeeze %dma_start3A_290 : memref<1x1x128xi32, #tpu.memory_space<vmem>> -> memref<128xi32, #tpu.memory_space<vmem>>
      %dma_start3A_292 = arith.constant 0 : i32
      %dma_start3A_293 = arith.constant 0 : i32
      %dma_start3A_294 = tpu.memref_slice %arg3[%dma_start3A_292, %dma_start3A_293] : memref<10000x128xf32, #tpu.memory_space<hbm>> -> memref<10000x128xf32, #tpu.memory_space<hbm>>
      tpu.enqueue_indirect_dma source(%dma_start3A_294 : memref<10000x128xf32, #tpu.memory_space<hbm>>) target(%arg10 : memref<128x128xf32, #tpu.memory_space<vmem>>) offsets(%dma_start3A_291 : memref<128xi32, #tpu.memory_space<vmem>>) semaphore(%arg14 : memref<!tpu.dma_semaphore, #tpu.memory_space<semaphore_mem>>)
      %dma_start3A_295 = arith.constant 1 : i32
      %dma_start3A_296 = arith.constant 0 : i32
      %dma_start3A_297 = tpu.memref_slice %arg9[%rem3A_207, %dma_start3A_295, %dma_start3A_296] : memref<2x8x128xi32, #tpu.memory_space<vmem>> -> memref<1x1x128xi32, #tpu.memory_space<vmem>>
      %dma_start3A_298 = tpu.memref_squeeze %dma_start3A_297 : memref<1x1x128xi32, #tpu.memory_space<vmem>> -> memref<128xi32, #tpu.memory_space<vmem>>
      %dma_start3A_299 = arith.constant 0 : i32
      %dma_start3A_300 = arith.constant 0 : i32
      %dma_start3A_301 = tpu.memref_slice %arg13[%dma_start3A_299, %dma_start3A_300] : memref<10240x128xf32, #tpu.memory_space<vmem_shared>> -> memref<10240x128xf32, #tpu.memory_space<vmem_shared>>
      tpu.enqueue_indirect_dma source(%arg11 : memref<128x128xf32, #tpu.memory_space<vmem>>) target(%dma_start3A_301 : memref<10240x128xf32, #tpu.memory_space<vmem_shared>>) offsets(%dma_start3A_298 : memref<128xi32, #tpu.memory_space<vmem>>) semaphore(%arg18 : memref<!tpu.dma_semaphore, #tpu.memory_space<semaphore_mem>>) {add = true}
      %get3A_302 = arith.constant 1 : i32
      %get3A_303 = arith.index_cast %rem3A_207 : i32 to index
      %get3A_304 = arith.index_cast %get3A_302 : i32 to index
      %get3A_305 = arith.constant 0 : index
      %get3A_306 = tpu.vector_load %arg9[%get3A_303, %get3A_304, %get3A_305] {strides = array<i32>} : memref<2x8x128xi32, #tpu.memory_space<vmem>>, vector<16xi32>,
      tpu.vector_store_idx %arg12[%get3A_306], %broadcast_in_dim3A_1 {add = true} : memref<10240xf32, #tpu.memory_space<vmem>>[vector<16xi32>], vector<16xf32>,
      %get3A_307 = arith.constant 1 : i32
      %get3A_308 = arith.index_cast %rem3A_207 : i32 to index
      %get3A_309 = arith.index_cast %get3A_307 : i32 to index
      %get3A_310 = arith.constant 16 : index
      %get3A_311 = tpu.vector_load %arg9[%get3A_308, %get3A_309, %get3A_310] {strides = array<i32>} : memref<2x8x128xi32, #tpu.memory_space<vmem>>, vector<16xi32>,
      tpu.vector_store_idx %arg12[%get3A_311], %broadcast_in_dim3A_1 {add = true} : memref<10240xf32, #tpu.memory_space<vmem>>[vector<16xi32>], vector<16xf32>,
      %get3A_312 = arith.constant 1 : i32
      %get3A_313 = arith.index_cast %rem3A_207 : i32 to index
      %get3A_314 = arith.index_cast %get3A_312 : i32 to index
      %get3A_315 = arith.constant 32 : index
      %get3A_316 = tpu.vector_load %arg9[%get3A_313, %get3A_314, %get3A_315] {strides = array<i32>} : memref<2x8x128xi32, #tpu.memory_space<vmem>>, vector<16xi32>,
      tpu.vector_store_idx %arg12[%get3A_316], %broadcast_in_dim3A_1 {add = true} : memref<10240xf32, #tpu.memory_space<vmem>>[vector<16xi32>], vector<16xf32>,
      %get3A_317 = arith.constant 1 : i32
      %get3A_318 = arith.index_cast %rem3A_207 : i32 to index
      %get3A_319 = arith.index_cast %get3A_317 : i32 to index
      %get3A_320 = arith.constant 48 : index
      %get3A_321 = tpu.vector_load %arg9[%get3A_318, %get3A_319, %get3A_320] {strides = array<i32>} : memref<2x8x128xi32, #tpu.memory_space<vmem>>, vector<16xi32>,
      tpu.vector_store_idx %arg12[%get3A_321], %broadcast_in_dim3A_1 {add = true} : memref<10240xf32, #tpu.memory_space<vmem>>[vector<16xi32>], vector<16xf32>,
      %get3A_322 = arith.constant 1 : i32
      %get3A_323 = arith.index_cast %rem3A_207 : i32 to index
      %get3A_324 = arith.index_cast %get3A_322 : i32 to index
      %get3A_325 = arith.constant 64 : index
      %get3A_326 = tpu.vector_load %arg9[%get3A_323, %get3A_324, %get3A_325] {strides = array<i32>} : memref<2x8x128xi32, #tpu.memory_space<vmem>>, vector<16xi32>,
      tpu.vector_store_idx %arg12[%get3A_326], %broadcast_in_dim3A_1 {add = true} : memref<10240xf32, #tpu.memory_space<vmem>>[vector<16xi32>], vector<16xf32>,
      %get3A_327 = arith.constant 1 : i32
      %get3A_328 = arith.index_cast %rem3A_207 : i32 to index
      %get3A_329 = arith.index_cast %get3A_327 : i32 to index
      %get3A_330 = arith.constant 80 : index
      %get3A_331 = tpu.vector_load %arg9[%get3A_328, %get3A_329, %get3A_330] {strides = array<i32>} : memref<2x8x128xi32, #tpu.memory_space<vmem>>, vector<16xi32>,
      tpu.vector_store_idx %arg12[%get3A_331], %broadcast_in_dim3A_1 {add = true} : memref<10240xf32, #tpu.memory_space<vmem>>[vector<16xi32>], vector<16xf32>,
      %get3A_332 = arith.constant 1 : i32
      %get3A_333 = arith.index_cast %rem3A_207 : i32 to index
      %get3A_334 = arith.index_cast %get3A_332 : i32 to index
      %get3A_335 = arith.constant 96 : index
      %get3A_336 = tpu.vector_load %arg9[%get3A_333, %get3A_334, %get3A_335] {strides = array<i32>} : memref<2x8x128xi32, #tpu.memory_space<vmem>>, vector<16xi32>,
      tpu.vector_store_idx %arg12[%get3A_336], %broadcast_in_dim3A_1 {add = true} : memref<10240xf32, #tpu.memory_space<vmem>>[vector<16xi32>], vector<16xf32>,
      %get3A_337 = arith.constant 1 : i32
      %get3A_338 = arith.index_cast %rem3A_207 : i32 to index
      %get3A_339 = arith.index_cast %get3A_337 : i32 to index
      %get3A_340 = arith.constant 112 : index
      %get3A_341 = tpu.vector_load %arg9[%get3A_338, %get3A_339, %get3A_340] {strides = array<i32>} : memref<2x8x128xi32, #tpu.memory_space<vmem>>, vector<16xi32>,
      tpu.vector_store_idx %arg12[%get3A_341], %broadcast_in_dim3A_1 {add = true} : memref<10240xf32, #tpu.memory_space<vmem>>[vector<16xi32>], vector<16xf32>,
      %dma_wait3A_342 = arith.constant 2 : i32
      %dma_wait3A_343 = arith.constant 0 : i32
      %dma_wait3A_344 = tpu.memref_slice %arg8[%rem3A_207, %dma_wait3A_342, %dma_wait3A_343] : memref<2x8x128xi32, #tpu.memory_space<vmem>> -> memref<1x1x128xi32, #tpu.memory_space<vmem>>
      %dma_wait3A_345 = tpu.memref_squeeze %dma_wait3A_344 : memref<1x1x128xi32, #tpu.memory_space<vmem>> -> memref<128xi32, #tpu.memory_space<vmem>>
      %dma_wait3A_346 = arith.constant 0 : i32
      %dma_wait3A_347 = arith.constant 0 : i32
      %dma_wait3A_348 = tpu.memref_slice %arg3[%dma_wait3A_346, %dma_wait3A_347] : memref<10000x128xf32, #tpu.memory_space<hbm>> -> memref<10000x128xf32, #tpu.memory_space<hbm>>
      tpu.wait_indirect_dma semaphore(%arg14 : memref<!tpu.dma_semaphore, #tpu.memory_space<semaphore_mem>>) src(%dma_wait3A_348 : memref<10000x128xf32, #tpu.memory_space<hbm>>) dst(%arg10 : memref<128x128xf32, #tpu.memory_space<vmem>>)
      %dma_wait3A_349 = arith.constant 2 : i32
      %dma_wait3A_350 = arith.constant 0 : i32
      %dma_wait3A_351 = tpu.memref_slice %arg9[%rem3A_207, %dma_wait3A_349, %dma_wait3A_350] : memref<2x8x128xi32, #tpu.memory_space<vmem>> -> memref<1x1x128xi32, #tpu.memory_space<vmem>>
      %dma_wait3A_352 = tpu.memref_squeeze %dma_wait3A_351 : memref<1x1x128xi32, #tpu.memory_space<vmem>> -> memref<128xi32, #tpu.memory_space<vmem>>
      %dma_wait3A_353 = arith.constant 0 : i32
      %dma_wait3A_354 = arith.constant 0 : i32
      %dma_wait3A_355 = tpu.memref_slice %arg13[%dma_wait3A_353, %dma_wait3A_354] : memref<10240x128xf32, #tpu.memory_space<vmem_shared>> -> memref<10240x128xf32, #tpu.memory_space<vmem_shared>>
      tpu.wait_indirect_dma semaphore(%arg18 : memref<!tpu.dma_semaphore, #tpu.memory_space<semaphore_mem>>) src(%arg11 : memref<128x128xf32, #tpu.memory_space<vmem>>) dst(%dma_wait3A_355 : memref<10240x128xf32, #tpu.memory_space<vmem_shared>>)
      %dma_start3A_356 = arith.constant 3 : i32
      %dma_start3A_357 = arith.constant 0 : i32
      %dma_start3A_358 = tpu.memref_slice %arg8[%rem3A_207, %dma_start3A_356, %dma_start3A_357] : memref<2x8x128xi32, #tpu.memory_space<vmem>> -> memref<1x1x128xi32, #tpu.memory_space<vmem>>
      %dma_start3A_359 = tpu.memref_squeeze %dma_start3A_358 : memref<1x1x128xi32, #tpu.memory_space<vmem>> -> memref<128xi32, #tpu.memory_space<vmem>>
      %dma_start3A_360 = arith.constant 0 : i32
      %dma_start3A_361 = arith.constant 0 : i32
      %dma_start3A_362 = tpu.memref_slice %arg3[%dma_start3A_360, %dma_start3A_361] : memref<10000x128xf32, #tpu.memory_space<hbm>> -> memref<10000x128xf32, #tpu.memory_space<hbm>>
      tpu.enqueue_indirect_dma source(%dma_start3A_362 : memref<10000x128xf32, #tpu.memory_space<hbm>>) target(%arg11 : memref<128x128xf32, #tpu.memory_space<vmem>>) offsets(%dma_start3A_359 : memref<128xi32, #tpu.memory_space<vmem>>) semaphore(%arg15 : memref<!tpu.dma_semaphore, #tpu.memory_space<semaphore_mem>>)
      %dma_start3A_363 = arith.constant 2 : i32
      %dma_start3A_364 = arith.constant 0 : i32
      %dma_start3A_365 = tpu.memref_slice %arg9[%rem3A_207, %dma_start3A_363, %dma_start3A_364] : memref<2x8x128xi32, #tpu.memory_space<vmem>> -> memref<1x1x128xi32, #tpu.memory_space<vmem>>
      %dma_start3A_366 = tpu.memref_squeeze %dma_start3A_365 : memref<1x1x128xi32, #tpu.memory_space<vmem>> -> memref<128xi32, #tpu.memory_space<vmem>>
      %dma_start3A_367 = arith.constant 0 : i32
      %dma_start3A_368 = arith.constant 0 : i32
      %dma_start3A_369 = tpu.memref_slice %arg13[%dma_start3A_367, %dma_start3A_368] : memref<10240x128xf32, #tpu.memory_space<vmem_shared>> -> memref<10240x128xf32, #tpu.memory_space<vmem_shared>>
      tpu.enqueue_indirect_dma source(%arg10 : memref<128x128xf32, #tpu.memory_space<vmem>>) target(%dma_start3A_369 : memref<10240x128xf32, #tpu.memory_space<vmem_shared>>) offsets(%dma_start3A_366 : memref<128xi32, #tpu.memory_space<vmem>>) semaphore(%arg17 : memref<!tpu.dma_semaphore, #tpu.memory_space<semaphore_mem>>) {add = true}
      %get3A_370 = arith.constant 2 : i32
      %get3A_371 = arith.index_cast %rem3A_207 : i32 to index
      %get3A_372 = arith.index_cast %get3A_370 : i32 to index
      %get3A_373 = arith.constant 0 : index
      %get3A_374 = tpu.vector_load %arg9[%get3A_371, %get3A_372, %get3A_373] {strides = array<i32>} : memref<2x8x128xi32, #tpu.memory_space<vmem>>, vector<16xi32>,
      tpu.vector_store_idx %arg12[%get3A_374], %broadcast_in_dim3A_1 {add = true} : memref<10240xf32, #tpu.memory_space<vmem>>[vector<16xi32>], vector<16xf32>,
      %get3A_375 = arith.constant 2 : i32
      %get3A_376 = arith.index_cast %rem3A_207 : i32 to index
      %get3A_377 = arith.index_cast %get3A_375 : i32 to index
      %get3A_378 = arith.constant 16 : index
      %get3A_379 = tpu.vector_load %arg9[%get3A_376, %get3A_377, %get3A_378] {strides = array<i32>} : memref<2x8x128xi32, #tpu.memory_space<vmem>>, vector<16xi32>,
      tpu.vector_store_idx %arg12[%get3A_379], %broadcast_in_dim3A_1 {add = true} : memref<10240xf32, #tpu.memory_space<vmem>>[vector<16xi32>], vector<16xf32>,
      %get3A_380 = arith.constant 2 : i32
      %get3A_381 = arith.index_cast %rem3A_207 : i32 to index
      %get3A_382 = arith.index_cast %get3A_380 : i32 to index
      %get3A_383 = arith.constant 32 : index
      %get3A_384 = tpu.vector_load %arg9[%get3A_381, %get3A_382, %get3A_383] {strides = array<i32>} : memref<2x8x128xi32, #tpu.memory_space<vmem>>, vector<16xi32>,
      tpu.vector_store_idx %arg12[%get3A_384], %broadcast_in_dim3A_1 {add = true} : memref<10240xf32, #tpu.memory_space<vmem>>[vector<16xi32>], vector<16xf32>,
      %get3A_385 = arith.constant 2 : i32
      %get3A_386 = arith.index_cast %rem3A_207 : i32 to index
      %get3A_387 = arith.index_cast %get3A_385 : i32 to index
      %get3A_388 = arith.constant 48 : index
      %get3A_389 = tpu.vector_load %arg9[%get3A_386, %get3A_387, %get3A_388] {strides = array<i32>} : memref<2x8x128xi32, #tpu.memory_space<vmem>>, vector<16xi32>,
      tpu.vector_store_idx %arg12[%get3A_389], %broadcast_in_dim3A_1 {add = true} : memref<10240xf32, #tpu.memory_space<vmem>>[vector<16xi32>], vector<16xf32>,
      %get3A_390 = arith.constant 2 : i32
      %get3A_391 = arith.index_cast %rem3A_207 : i32 to index
      %get3A_392 = arith.index_cast %get3A_390 : i32 to index
      %get3A_393 = arith.constant 64 : index
      %get3A_394 = tpu.vector_load %arg9[%get3A_391, %get3A_392, %get3A_393] {strides = array<i32>} : memref<2x8x128xi32, #tpu.memory_space<vmem>>, vector<16xi32>,
      tpu.vector_store_idx %arg12[%get3A_394], %broadcast_in_dim3A_1 {add = true} : memref<10240xf32, #tpu.memory_space<vmem>>[vector<16xi32>], vector<16xf32>,
      %get3A_395 = arith.constant 2 : i32
      %get3A_396 = arith.index_cast %rem3A_207 : i32 to index
      %get3A_397 = arith.index_cast %get3A_395 : i32 to index
      %get3A_398 = arith.constant 80 : index
      %get3A_399 = tpu.vector_load %arg9[%get3A_396, %get3A_397, %get3A_398] {strides = array<i32>} : memref<2x8x128xi32, #tpu.memory_space<vmem>>, vector<16xi32>,
      tpu.vector_store_idx %arg12[%get3A_399], %broadcast_in_dim3A_1 {add = true} : memref<10240xf32, #tpu.memory_space<vmem>>[vector<16xi32>], vector<16xf32>,
      %get3A_400 = arith.constant 2 : i32
      %get3A_401 = arith.index_cast %rem3A_207 : i32 to index
      %get3A_402 = arith.index_cast %get3A_400 : i32 to index
      %get3A_403 = arith.constant 96 : index
      %get3A_404 = tpu.vector_load %arg9[%get3A_401, %get3A_402, %get3A_403] {strides = array<i32>} : memref<2x8x128xi32, #tpu.memory_space<vmem>>, vector<16xi32>,
      tpu.vector_store_idx %arg12[%get3A_404], %broadcast_in_dim3A_1 {add = true} : memref<10240xf32, #tpu.memory_space<vmem>>[vector<16xi32>], vector<16xf32>,
      %get3A_405 = arith.constant 2 : i32
      %get3A_406 = arith.index_cast %rem3A_207 : i32 to index
      %get3A_407 = arith.index_cast %get3A_405 : i32 to index
      %get3A_408 = arith.constant 112 : index
      %get3A_409 = tpu.vector_load %arg9[%get3A_406, %get3A_407, %get3A_408] {strides = array<i32>} : memref<2x8x128xi32, #tpu.memory_space<vmem>>, vector<16xi32>,
      tpu.vector_store_idx %arg12[%get3A_409], %broadcast_in_dim3A_1 {add = true} : memref<10240xf32, #tpu.memory_space<vmem>>[vector<16xi32>], vector<16xf32>,
      %dma_wait3A_410 = arith.constant 3 : i32
      %dma_wait3A_411 = arith.constant 0 : i32
      %dma_wait3A_412 = tpu.memref_slice %arg8[%rem3A_207, %dma_wait3A_410, %dma_wait3A_411] : memref<2x8x128xi32, #tpu.memory_space<vmem>> -> memref<1x1x128xi32, #tpu.memory_space<vmem>>
      %dma_wait3A_413 = tpu.memref_squeeze %dma_wait3A_412 : memref<1x1x128xi32, #tpu.memory_space<vmem>> -> memref<128xi32, #tpu.memory_space<vmem>>
      %dma_wait3A_414 = arith.constant 0 : i32
      %dma_wait3A_415 = arith.constant 0 : i32
      %dma_wait3A_416 = tpu.memref_slice %arg3[%dma_wait3A_414, %dma_wait3A_415] : memref<10000x128xf32, #tpu.memory_space<hbm>> -> memref<10000x128xf32, #tpu.memory_space<hbm>>
      tpu.wait_indirect_dma semaphore(%arg15 : memref<!tpu.dma_semaphore, #tpu.memory_space<semaphore_mem>>) src(%dma_wait3A_416 : memref<10000x128xf32, #tpu.memory_space<hbm>>) dst(%arg11 : memref<128x128xf32, #tpu.memory_space<vmem>>)
      %dma_wait3A_417 = arith.constant 3 : i32
      %dma_wait3A_418 = arith.constant 0 : i32
      %dma_wait3A_419 = tpu.memref_slice %arg9[%rem3A_207, %dma_wait3A_417, %dma_wait3A_418] : memref<2x8x128xi32, #tpu.memory_space<vmem>> -> memref<1x1x128xi32, #tpu.memory_space<vmem>>
      %dma_wait3A_420 = tpu.memref_squeeze %dma_wait3A_419 : memref<1x1x128xi32, #tpu.memory_space<vmem>> -> memref<128xi32, #tpu.memory_space<vmem>>
      %dma_wait3A_421 = arith.constant 0 : i32
      %dma_wait3A_422 = arith.constant 0 : i32
      %dma_wait3A_423 = tpu.memref_slice %arg13[%dma_wait3A_421, %dma_wait3A_422] : memref<10240x128xf32, #tpu.memory_space<vmem_shared>> -> memref<10240x128xf32, #tpu.memory_space<vmem_shared>>
      tpu.wait_indirect_dma semaphore(%arg17 : memref<!tpu.dma_semaphore, #tpu.memory_space<semaphore_mem>>) src(%arg10 : memref<128x128xf32, #tpu.memory_space<vmem>>) dst(%dma_wait3A_423 : memref<10240x128xf32, #tpu.memory_space<vmem_shared>>)
      %dma_start3A_424 = arith.constant 4 : i32
      %dma_start3A_425 = arith.constant 0 : i32
      %dma_start3A_426 = tpu.memref_slice %arg8[%rem3A_207, %dma_start3A_424, %dma_start3A_425] : memref<2x8x128xi32, #tpu.memory_space<vmem>> -> memref<1x1x128xi32, #tpu.memory_space<vmem>>
      %dma_start3A_427 = tpu.memref_squeeze %dma_start3A_426 : memref<1x1x128xi32, #tpu.memory_space<vmem>> -> memref<128xi32, #tpu.memory_space<vmem>>
      %dma_start3A_428 = arith.constant 0 : i32
      %dma_start3A_429 = arith.constant 0 : i32
      %dma_start3A_430 = tpu.memref_slice %arg3[%dma_start3A_428, %dma_start3A_429] : memref<10000x128xf32, #tpu.memory_space<hbm>> -> memref<10000x128xf32, #tpu.memory_space<hbm>>
      tpu.enqueue_indirect_dma source(%dma_start3A_430 : memref<10000x128xf32, #tpu.memory_space<hbm>>) target(%arg10 : memref<128x128xf32, #tpu.memory_space<vmem>>) offsets(%dma_start3A_427 : memref<128xi32, #tpu.memory_space<vmem>>) semaphore(%arg14 : memref<!tpu.dma_semaphore, #tpu.memory_space<semaphore_mem>>)
      %dma_start3A_431 = arith.constant 3 : i32
      %dma_start3A_432 = arith.constant 0 : i32
      %dma_start3A_433 = tpu.memref_slice %arg9[%rem3A_207, %dma_start3A_431, %dma_start3A_432] : memref<2x8x128xi32, #tpu.memory_space<vmem>> -> memref<1x1x128xi32, #tpu.memory_space<vmem>>
      %dma_start3A_434 = tpu.memref_squeeze %dma_start3A_433 : memref<1x1x128xi32, #tpu.memory_space<vmem>> -> memref<128xi32, #tpu.memory_space<vmem>>
      %dma_start3A_435 = arith.constant 0 : i32
      %dma_start3A_436 = arith.constant 0 : i32
      %dma_start3A_437 = tpu.memref_slice %arg13[%dma_start3A_435, %dma_start3A_436] : memref<10240x128xf32, #tpu.memory_space<vmem_shared>> -> memref<10240x128xf32, #tpu.memory_space<vmem_shared>>
      tpu.enqueue_indirect_dma source(%arg11 : memref<128x128xf32, #tpu.memory_space<vmem>>) target(%dma_start3A_437 : memref<10240x128xf32, #tpu.memory_space<vmem_shared>>) offsets(%dma_start3A_434 : memref<128xi32, #tpu.memory_space<vmem>>) semaphore(%arg18 : memref<!tpu.dma_semaphore, #tpu.memory_space<semaphore_mem>>) {add = true}
      %get3A_438 = arith.constant 3 : i32
      %get3A_439 = arith.index_cast %rem3A_207 : i32 to index
      %get3A_440 = arith.index_cast %get3A_438 : i32 to index
      %get3A_441 = arith.constant 0 : index
      %get3A_442 = tpu.vector_load %arg9[%get3A_439, %get3A_440, %get3A_441] {strides = array<i32>} : memref<2x8x128xi32, #tpu.memory_space<vmem>>, vector<16xi32>,
      tpu.vector_store_idx %arg12[%get3A_442], %broadcast_in_dim3A_1 {add = true} : memref<10240xf32, #tpu.memory_space<vmem>>[vector<16xi32>], vector<16xf32>,
      %get3A_443 = arith.constant 3 : i32
      %get3A_444 = arith.index_cast %rem3A_207 : i32 to index
      %get3A_445 = arith.index_cast %get3A_443 : i32 to index
      %get3A_446 = arith.constant 16 : index
      %get3A_447 = tpu.vector_load %arg9[%get3A_444, %get3A_445, %get3A_446] {strides = array<i32>} : memref<2x8x128xi32, #tpu.memory_space<vmem>>, vector<16xi32>,
      tpu.vector_store_idx %arg12[%get3A_447], %broadcast_in_dim3A_1 {add = true} : memref<10240xf32, #tpu.memory_space<vmem>>[vector<16xi32>], vector<16xf32>,
      %get3A_448 = arith.constant 3 : i32
      %get3A_449 = arith.index_cast %rem3A_207 : i32 to index
      %get3A_450 = arith.index_cast %get3A_448 : i32 to index
      %get3A_451 = arith.constant 32 : index
      %get3A_452 = tpu.vector_load %arg9[%get3A_449, %get3A_450, %get3A_451] {strides = array<i32>} : memref<2x8x128xi32, #tpu.memory_space<vmem>>, vector<16xi32>,
      tpu.vector_store_idx %arg12[%get3A_452], %broadcast_in_dim3A_1 {add = true} : memref<10240xf32, #tpu.memory_space<vmem>>[vector<16xi32>], vector<16xf32>,
      %get3A_453 = arith.constant 3 : i32
      %get3A_454 = arith.index_cast %rem3A_207 : i32 to index
      %get3A_455 = arith.index_cast %get3A_453 : i32 to index
      %get3A_456 = arith.constant 48 : index
      %get3A_457 = tpu.vector_load %arg9[%get3A_454, %get3A_455, %get3A_456] {strides = array<i32>} : memref<2x8x128xi32, #tpu.memory_space<vmem>>, vector<16xi32>,
      tpu.vector_store_idx %arg12[%get3A_457], %broadcast_in_dim3A_1 {add = true} : memref<10240xf32, #tpu.memory_space<vmem>>[vector<16xi32>], vector<16xf32>,
      %get3A_458 = arith.constant 3 : i32
      %get3A_459 = arith.index_cast %rem3A_207 : i32 to index
      %get3A_460 = arith.index_cast %get3A_458 : i32 to index
      %get3A_461 = arith.constant 64 : index
      %get3A_462 = tpu.vector_load %arg9[%get3A_459, %get3A_460, %get3A_461] {strides = array<i32>} : memref<2x8x128xi32, #tpu.memory_space<vmem>>, vector<16xi32>,
      tpu.vector_store_idx %arg12[%get3A_462], %broadcast_in_dim3A_1 {add = true} : memref<10240xf32, #tpu.memory_space<vmem>>[vector<16xi32>], vector<16xf32>,
      %get3A_463 = arith.constant 3 : i32
      %get3A_464 = arith.index_cast %rem3A_207 : i32 to index
      %get3A_465 = arith.index_cast %get3A_463 : i32 to index
      %get3A_466 = arith.constant 80 : index
      %get3A_467 = tpu.vector_load %arg9[%get3A_464, %get3A_465, %get3A_466] {strides = array<i32>} : memref<2x8x128xi32, #tpu.memory_space<vmem>>, vector<16xi32>,
      tpu.vector_store_idx %arg12[%get3A_467], %broadcast_in_dim3A_1 {add = true} : memref<10240xf32, #tpu.memory_space<vmem>>[vector<16xi32>], vector<16xf32>,
      %get3A_468 = arith.constant 3 : i32
      %get3A_469 = arith.index_cast %rem3A_207 : i32 to index
      %get3A_470 = arith.index_cast %get3A_468 : i32 to index
      %get3A_471 = arith.constant 96 : index
      %get3A_472 = tpu.vector_load %arg9[%get3A_469, %get3A_470, %get3A_471] {strides = array<i32>} : memref<2x8x128xi32, #tpu.memory_space<vmem>>, vector<16xi32>,
      tpu.vector_store_idx %arg12[%get3A_472], %broadcast_in_dim3A_1 {add = true} : memref<10240xf32, #tpu.memory_space<vmem>>[vector<16xi32>], vector<16xf32>,
      %get3A_473 = arith.constant 3 : i32
      %get3A_474 = arith.index_cast %rem3A_207 : i32 to index
      %get3A_475 = arith.index_cast %get3A_473 : i32 to index
      %get3A_476 = arith.constant 112 : index
      %get3A_477 = tpu.vector_load %arg9[%get3A_474, %get3A_475, %get3A_476] {strides = array<i32>} : memref<2x8x128xi32, #tpu.memory_space<vmem>>, vector<16xi32>,
      tpu.vector_store_idx %arg12[%get3A_477], %broadcast_in_dim3A_1 {add = true} : memref<10240xf32, #tpu.memory_space<vmem>>[vector<16xi32>], vector<16xf32>,
      %dma_wait3A_478 = arith.constant 4 : i32
      %dma_wait3A_479 = arith.constant 0 : i32
      %dma_wait3A_480 = tpu.memref_slice %arg8[%rem3A_207, %dma_wait3A_478, %dma_wait3A_479] : memref<2x8x128xi32, #tpu.memory_space<vmem>> -> memref<1x1x128xi32, #tpu.memory_space<vmem>>
      %dma_wait3A_481 = tpu.memref_squeeze %dma_wait3A_480 : memref<1x1x128xi32, #tpu.memory_space<vmem>> -> memref<128xi32, #tpu.memory_space<vmem>>
      %dma_wait3A_482 = arith.constant 0 : i32
      %dma_wait3A_483 = arith.constant 0 : i32
      %dma_wait3A_484 = tpu.memref_slice %arg3[%dma_wait3A_482, %dma_wait3A_483] : memref<10000x128xf32, #tpu.memory_space<hbm>> -> memref<10000x128xf32, #tpu.memory_space<hbm>>
      tpu.wait_indirect_dma semaphore(%arg14 : memref<!tpu.dma_semaphore, #tpu.memory_space<semaphore_mem>>) src(%dma_wait3A_484 : memref<10000x128xf32, #tpu.memory_space<hbm>>) dst(%arg10 : memref<128x128xf32, #tpu.memory_space<vmem>>)
      %dma_wait3A_485 = arith.constant 4 : i32
      %dma_wait3A_486 = arith.constant 0 : i32
      %dma_wait3A_487 = tpu.memref_slice %arg9[%rem3A_207, %dma_wait3A_485, %dma_wait3A_486] : memref<2x8x128xi32, #tpu.memory_space<vmem>> -> memref<1x1x128xi32, #tpu.memory_space<vmem>>
      %dma_wait3A_488 = tpu.memref_squeeze %dma_wait3A_487 : memref<1x1x128xi32, #tpu.memory_space<vmem>> -> memref<128xi32, #tpu.memory_space<vmem>>
      %dma_wait3A_489 = arith.constant 0 : i32
      %dma_wait3A_490 = arith.constant 0 : i32
      %dma_wait3A_491 = tpu.memref_slice %arg13[%dma_wait3A_489, %dma_wait3A_490] : memref<10240x128xf32, #tpu.memory_space<vmem_shared>> -> memref<10240x128xf32, #tpu.memory_space<vmem_shared>>
      tpu.wait_indirect_dma semaphore(%arg18 : memref<!tpu.dma_semaphore, #tpu.memory_space<semaphore_mem>>) src(%arg11 : memref<128x128xf32, #tpu.memory_space<vmem>>) dst(%dma_wait3A_491 : memref<10240x128xf32, #tpu.memory_space<vmem_shared>>)
      %dma_start3A_492 = arith.constant 5 : i32
      %dma_start3A_493 = arith.constant 0 : i32
      %dma_start3A_494 = tpu.memref_slice %arg8[%rem3A_207, %dma_start3A_492, %dma_start3A_493] : memref<2x8x128xi32, #tpu.memory_space<vmem>> -> memref<1x1x128xi32, #tpu.memory_space<vmem>>
      %dma_start3A_495 = tpu.memref_squeeze %dma_start3A_494 : memref<1x1x128xi32, #tpu.memory_space<vmem>> -> memref<128xi32, #tpu.memory_space<vmem>>
      %dma_start3A_496 = arith.constant 0 : i32
      %dma_start3A_497 = arith.constant 0 : i32
      %dma_start3A_498 = tpu.memref_slice %arg3[%dma_start3A_496, %dma_start3A_497] : memref<10000x128xf32, #tpu.memory_space<hbm>> -> memref<10000x128xf32, #tpu.memory_space<hbm>>
      tpu.enqueue_indirect_dma source(%dma_start3A_498 : memref<10000x128xf32, #tpu.memory_space<hbm>>) target(%arg11 : memref<128x128xf32, #tpu.memory_space<vmem>>) offsets(%dma_start3A_495 : memref<128xi32, #tpu.memory_space<vmem>>) semaphore(%arg15 : memref<!tpu.dma_semaphore, #tpu.memory_space<semaphore_mem>>)
      %dma_start3A_499 = arith.constant 4 : i32
      %dma_start3A_500 = arith.constant 0 : i32
      %dma_start3A_501 = tpu.memref_slice %arg9[%rem3A_207, %dma_start3A_499, %dma_start3A_500] : memref<2x8x128xi32, #tpu.memory_space<vmem>> -> memref<1x1x128xi32, #tpu.memory_space<vmem>>
      %dma_start3A_502 = tpu.memref_squeeze %dma_start3A_501 : memref<1x1x128xi32, #tpu.memory_space<vmem>> -> memref<128xi32, #tpu.memory_space<vmem>>
      %dma_start3A_503 = arith.constant 0 : i32
      %dma_start3A_504 = arith.constant 0 : i32
      %dma_start3A_505 = tpu.memref_slice %arg13[%dma_start3A_503, %dma_start3A_504] : memref<10240x128xf32, #tpu.memory_space<vmem_shared>> -> memref<10240x128xf32, #tpu.memory_space<vmem_shared>>
      tpu.enqueue_indirect_dma source(%arg10 : memref<128x128xf32, #tpu.memory_space<vmem>>) target(%dma_start3A_505 : memref<10240x128xf32, #tpu.memory_space<vmem_shared>>) offsets(%dma_start3A_502 : memref<128xi32, #tpu.memory_space<vmem>>) semaphore(%arg17 : memref<!tpu.dma_semaphore, #tpu.memory_space<semaphore_mem>>) {add = true}
      %get3A_506 = arith.constant 4 : i32
      %get3A_507 = arith.index_cast %rem3A_207 : i32 to index
      %get3A_508 = arith.index_cast %get3A_506 : i32 to index
      %get3A_509 = arith.constant 0 : index
      %get3A_510 = tpu.vector_load %arg9[%get3A_507, %get3A_508, %get3A_509] {strides = array<i32>} : memref<2x8x128xi32, #tpu.memory_space<vmem>>, vector<16xi32>,
      tpu.vector_store_idx %arg12[%get3A_510], %broadcast_in_dim3A_1 {add = true} : memref<10240xf32, #tpu.memory_space<vmem>>[vector<16xi32>], vector<16xf32>,
      %get3A_511 = arith.constant 4 : i32
      %get3A_512 = arith.index_cast %rem3A_207 : i32 to index
      %get3A_513 = arith.index_cast %get3A_511 : i32 to index
      %get3A_514 = arith.constant 16 : index
      %get3A_515 = tpu.vector_load %arg9[%get3A_512, %get3A_513, %get3A_514] {strides = array<i32>} : memref<2x8x128xi32, #tpu.memory_space<vmem>>, vector<16xi32>,
      tpu.vector_store_idx %arg12[%get3A_515], %broadcast_in_dim3A_1 {add = true} : memref<10240xf32, #tpu.memory_space<vmem>>[vector<16xi32>], vector<16xf32>,
      %get3A_516 = arith.constant 4 : i32
      %get3A_517 = arith.index_cast %rem3A_207 : i32 to index
      %get3A_518 = arith.index_cast %get3A_516 : i32 to index
      %get3A_519 = arith.constant 32 : index
      %get3A_520 = tpu.vector_load %arg9[%get3A_517, %get3A_518, %get3A_519] {strides = array<i32>} : memref<2x8x128xi32, #tpu.memory_space<vmem>>, vector<16xi32>,
      tpu.vector_store_idx %arg12[%get3A_520], %broadcast_in_dim3A_1 {add = true} : memref<10240xf32, #tpu.memory_space<vmem>>[vector<16xi32>], vector<16xf32>,
      %get3A_521 = arith.constant 4 : i32
      %get3A_522 = arith.index_cast %rem3A_207 : i32 to index
      %get3A_523 = arith.index_cast %get3A_521 : i32 to index
      %get3A_524 = arith.constant 48 : index
      %get3A_525 = tpu.vector_load %arg9[%get3A_522, %get3A_523, %get3A_524] {strides = array<i32>} : memref<2x8x128xi32, #tpu.memory_space<vmem>>, vector<16xi32>,
      tpu.vector_store_idx %arg12[%get3A_525], %broadcast_in_dim3A_1 {add = true} : memref<10240xf32, #tpu.memory_space<vmem>>[vector<16xi32>], vector<16xf32>,
      %get3A_526 = arith.constant 4 : i32
      %get3A_527 = arith.index_cast %rem3A_207 : i32 to index
      %get3A_528 = arith.index_cast %get3A_526 : i32 to index
      %get3A_529 = arith.constant 64 : index
      %get3A_530 = tpu.vector_load %arg9[%get3A_527, %get3A_528, %get3A_529] {strides = array<i32>} : memref<2x8x128xi32, #tpu.memory_space<vmem>>, vector<16xi32>,
      tpu.vector_store_idx %arg12[%get3A_530], %broadcast_in_dim3A_1 {add = true} : memref<10240xf32, #tpu.memory_space<vmem>>[vector<16xi32>], vector<16xf32>,
      %get3A_531 = arith.constant 4 : i32
      %get3A_532 = arith.index_cast %rem3A_207 : i32 to index
      %get3A_533 = arith.index_cast %get3A_531 : i32 to index
      %get3A_534 = arith.constant 80 : index
      %get3A_535 = tpu.vector_load %arg9[%get3A_532, %get3A_533, %get3A_534] {strides = array<i32>} : memref<2x8x128xi32, #tpu.memory_space<vmem>>, vector<16xi32>,
      tpu.vector_store_idx %arg12[%get3A_535], %broadcast_in_dim3A_1 {add = true} : memref<10240xf32, #tpu.memory_space<vmem>>[vector<16xi32>], vector<16xf32>,
      %get3A_536 = arith.constant 4 : i32
      %get3A_537 = arith.index_cast %rem3A_207 : i32 to index
      %get3A_538 = arith.index_cast %get3A_536 : i32 to index
      %get3A_539 = arith.constant 96 : index
      %get3A_540 = tpu.vector_load %arg9[%get3A_537, %get3A_538, %get3A_539] {strides = array<i32>} : memref<2x8x128xi32, #tpu.memory_space<vmem>>, vector<16xi32>,
      tpu.vector_store_idx %arg12[%get3A_540], %broadcast_in_dim3A_1 {add = true} : memref<10240xf32, #tpu.memory_space<vmem>>[vector<16xi32>], vector<16xf32>,
      %get3A_541 = arith.constant 4 : i32
      %get3A_542 = arith.index_cast %rem3A_207 : i32 to index
      %get3A_543 = arith.index_cast %get3A_541 : i32 to index
      %get3A_544 = arith.constant 112 : index
      %get3A_545 = tpu.vector_load %arg9[%get3A_542, %get3A_543, %get3A_544] {strides = array<i32>} : memref<2x8x128xi32, #tpu.memory_space<vmem>>, vector<16xi32>,
      tpu.vector_store_idx %arg12[%get3A_545], %broadcast_in_dim3A_1 {add = true} : memref<10240xf32, #tpu.memory_space<vmem>>[vector<16xi32>], vector<16xf32>,
      %dma_wait3A_546 = arith.constant 5 : i32
      %dma_wait3A_547 = arith.constant 0 : i32
      %dma_wait3A_548 = tpu.memref_slice %arg8[%rem3A_207, %dma_wait3A_546, %dma_wait3A_547] : memref<2x8x128xi32, #tpu.memory_space<vmem>> -> memref<1x1x128xi32, #tpu.memory_space<vmem>>
      %dma_wait3A_549 = tpu.memref_squeeze %dma_wait3A_548 : memref<1x1x128xi32, #tpu.memory_space<vmem>> -> memref<128xi32, #tpu.memory_space<vmem>>
      %dma_wait3A_550 = arith.constant 0 : i32
      %dma_wait3A_551 = arith.constant 0 : i32
      %dma_wait3A_552 = tpu.memref_slice %arg3[%dma_wait3A_550, %dma_wait3A_551] : memref<10000x128xf32, #tpu.memory_space<hbm>> -> memref<10000x128xf32, #tpu.memory_space<hbm>>
      tpu.wait_indirect_dma semaphore(%arg15 : memref<!tpu.dma_semaphore, #tpu.memory_space<semaphore_mem>>) src(%dma_wait3A_552 : memref<10000x128xf32, #tpu.memory_space<hbm>>) dst(%arg11 : memref<128x128xf32, #tpu.memory_space<vmem>>)
      %dma_wait3A_553 = arith.constant 5 : i32
      %dma_wait3A_554 = arith.constant 0 : i32
      %dma_wait3A_555 = tpu.memref_slice %arg9[%rem3A_207, %dma_wait3A_553, %dma_wait3A_554] : memref<2x8x128xi32, #tpu.memory_space<vmem>> -> memref<1x1x128xi32, #tpu.memory_space<vmem>>
      %dma_wait3A_556 = tpu.memref_squeeze %dma_wait3A_555 : memref<1x1x128xi32, #tpu.memory_space<vmem>> -> memref<128xi32, #tpu.memory_space<vmem>>
      %dma_wait3A_557 = arith.constant 0 : i32
      %dma_wait3A_558 = arith.constant 0 : i32
      %dma_wait3A_559 = tpu.memref_slice %arg13[%dma_wait3A_557, %dma_wait3A_558] : memref<10240x128xf32, #tpu.memory_space<vmem_shared>> -> memref<10240x128xf32, #tpu.memory_space<vmem_shared>>
      tpu.wait_indirect_dma semaphore(%arg17 : memref<!tpu.dma_semaphore, #tpu.memory_space<semaphore_mem>>) src(%arg10 : memref<128x128xf32, #tpu.memory_space<vmem>>) dst(%dma_wait3A_559 : memref<10240x128xf32, #tpu.memory_space<vmem_shared>>)
      %dma_start3A_560 = arith.constant 6 : i32
      %dma_start3A_561 = arith.constant 0 : i32
      %dma_start3A_562 = tpu.memref_slice %arg8[%rem3A_207, %dma_start3A_560, %dma_start3A_561] : memref<2x8x128xi32, #tpu.memory_space<vmem>> -> memref<1x1x128xi32, #tpu.memory_space<vmem>>
      %dma_start3A_563 = tpu.memref_squeeze %dma_start3A_562 : memref<1x1x128xi32, #tpu.memory_space<vmem>> -> memref<128xi32, #tpu.memory_space<vmem>>
      %dma_start3A_564 = arith.constant 0 : i32
      %dma_start3A_565 = arith.constant 0 : i32
      %dma_start3A_566 = tpu.memref_slice %arg3[%dma_start3A_564, %dma_start3A_565] : memref<10000x128xf32, #tpu.memory_space<hbm>> -> memref<10000x128xf32, #tpu.memory_space<hbm>>
      tpu.enqueue_indirect_dma source(%dma_start3A_566 : memref<10000x128xf32, #tpu.memory_space<hbm>>) target(%arg10 : memref<128x128xf32, #tpu.memory_space<vmem>>) offsets(%dma_start3A_563 : memref<128xi32, #tpu.memory_space<vmem>>) semaphore(%arg14 : memref<!tpu.dma_semaphore, #tpu.memory_space<semaphore_mem>>)
      %dma_start3A_567 = arith.constant 5 : i32
      %dma_start3A_568 = arith.constant 0 : i32
      %dma_start3A_569 = tpu.memref_slice %arg9[%rem3A_207, %dma_start3A_567, %dma_start3A_568] : memref<2x8x128xi32, #tpu.memory_space<vmem>> -> memref<1x1x128xi32, #tpu.memory_space<vmem>>
      %dma_start3A_570 = tpu.memref_squeeze %dma_start3A_569 : memref<1x1x128xi32, #tpu.memory_space<vmem>> -> memref<128xi32, #tpu.memory_space<vmem>>
      %dma_start3A_571 = arith.constant 0 : i32
      %dma_start3A_572 = arith.constant 0 : i32
      %dma_start3A_573 = tpu.memref_slice %arg13[%dma_start3A_571, %dma_start3A_572] : memref<10240x128xf32, #tpu.memory_space<vmem_shared>> -> memref<10240x128xf32, #tpu.memory_space<vmem_shared>>
      tpu.enqueue_indirect_dma source(%arg11 : memref<128x128xf32, #tpu.memory_space<vmem>>) target(%dma_start3A_573 : memref<10240x128xf32, #tpu.memory_space<vmem_shared>>) offsets(%dma_start3A_570 : memref<128xi32, #tpu.memory_space<vmem>>) semaphore(%arg18 : memref<!tpu.dma_semaphore, #tpu.memory_space<semaphore_mem>>) {add = true}
      %get3A_574 = arith.constant 5 : i32
      %get3A_575 = arith.index_cast %rem3A_207 : i32 to index
      %get3A_576 = arith.index_cast %get3A_574 : i32 to index
      %get3A_577 = arith.constant 0 : index
      %get3A_578 = tpu.vector_load %arg9[%get3A_575, %get3A_576, %get3A_577] {strides = array<i32>} : memref<2x8x128xi32, #tpu.memory_space<vmem>>, vector<16xi32>,
      tpu.vector_store_idx %arg12[%get3A_578], %broadcast_in_dim3A_1 {add = true} : memref<10240xf32, #tpu.memory_space<vmem>>[vector<16xi32>], vector<16xf32>,
      %get3A_579 = arith.constant 5 : i32
      %get3A_580 = arith.index_cast %rem3A_207 : i32 to index
      %get3A_581 = arith.index_cast %get3A_579 : i32 to index
      %get3A_582 = arith.constant 16 : index
      %get3A_583 = tpu.vector_load %arg9[%get3A_580, %get3A_581, %get3A_582] {strides = array<i32>} : memref<2x8x128xi32, #tpu.memory_space<vmem>>, vector<16xi32>,
      tpu.vector_store_idx %arg12[%get3A_583], %broadcast_in_dim3A_1 {add = true} : memref<10240xf32, #tpu.memory_space<vmem>>[vector<16xi32>], vector<16xf32>,
      %get3A_584 = arith.constant 5 : i32
      %get3A_585 = arith.index_cast %rem3A_207 : i32 to index
      %get3A_586 = arith.index_cast %get3A_584 : i32 to index
      %get3A_587 = arith.constant 32 : index
      %get3A_588 = tpu.vector_load %arg9[%get3A_585, %get3A_586, %get3A_587] {strides = array<i32>} : memref<2x8x128xi32, #tpu.memory_space<vmem>>, vector<16xi32>,
      tpu.vector_store_idx %arg12[%get3A_588], %broadcast_in_dim3A_1 {add = true} : memref<10240xf32, #tpu.memory_space<vmem>>[vector<16xi32>], vector<16xf32>,
      %get3A_589 = arith.constant 5 : i32
      %get3A_590 = arith.index_cast %rem3A_207 : i32 to index
      %get3A_591 = arith.index_cast %get3A_589 : i32 to index
      %get3A_592 = arith.constant 48 : index
      %get3A_593 = tpu.vector_load %arg9[%get3A_590, %get3A_591, %get3A_592] {strides = array<i32>} : memref<2x8x128xi32, #tpu.memory_space<vmem>>, vector<16xi32>,
      tpu.vector_store_idx %arg12[%get3A_593], %broadcast_in_dim3A_1 {add = true} : memref<10240xf32, #tpu.memory_space<vmem>>[vector<16xi32>], vector<16xf32>,
      %get3A_594 = arith.constant 5 : i32
      %get3A_595 = arith.index_cast %rem3A_207 : i32 to index
      %get3A_596 = arith.index_cast %get3A_594 : i32 to index
      %get3A_597 = arith.constant 64 : index
      %get3A_598 = tpu.vector_load %arg9[%get3A_595, %get3A_596, %get3A_597] {strides = array<i32>} : memref<2x8x128xi32, #tpu.memory_space<vmem>>, vector<16xi32>,
      tpu.vector_store_idx %arg12[%get3A_598], %broadcast_in_dim3A_1 {add = true} : memref<10240xf32, #tpu.memory_space<vmem>>[vector<16xi32>], vector<16xf32>,
      %get3A_599 = arith.constant 5 : i32
      %get3A_600 = arith.index_cast %rem3A_207 : i32 to index
      %get3A_601 = arith.index_cast %get3A_599 : i32 to index
      %get3A_602 = arith.constant 80 : index
      %get3A_603 = tpu.vector_load %arg9[%get3A_600, %get3A_601, %get3A_602] {strides = array<i32>} : memref<2x8x128xi32, #tpu.memory_space<vmem>>, vector<16xi32>,
      tpu.vector_store_idx %arg12[%get3A_603], %broadcast_in_dim3A_1 {add = true} : memref<10240xf32, #tpu.memory_space<vmem>>[vector<16xi32>], vector<16xf32>,
      %get3A_604 = arith.constant 5 : i32
      %get3A_605 = arith.index_cast %rem3A_207 : i32 to index
      %get3A_606 = arith.index_cast %get3A_604 : i32 to index
      %get3A_607 = arith.constant 96 : index
      %get3A_608 = tpu.vector_load %arg9[%get3A_605, %get3A_606, %get3A_607] {strides = array<i32>} : memref<2x8x128xi32, #tpu.memory_space<vmem>>, vector<16xi32>,
      tpu.vector_store_idx %arg12[%get3A_608], %broadcast_in_dim3A_1 {add = true} : memref<10240xf32, #tpu.memory_space<vmem>>[vector<16xi32>], vector<16xf32>,
      %get3A_609 = arith.constant 5 : i32
      %get3A_610 = arith.index_cast %rem3A_207 : i32 to index
      %get3A_611 = arith.index_cast %get3A_609 : i32 to index
      %get3A_612 = arith.constant 112 : index
      %get3A_613 = tpu.vector_load %arg9[%get3A_610, %get3A_611, %get3A_612] {strides = array<i32>} : memref<2x8x128xi32, #tpu.memory_space<vmem>>, vector<16xi32>,
      tpu.vector_store_idx %arg12[%get3A_613], %broadcast_in_dim3A_1 {add = true} : memref<10240xf32, #tpu.memory_space<vmem>>[vector<16xi32>], vector<16xf32>,
      %add3A_614 = arith.constant 1 : i32
      %add3A_615 = arith.addi %scan3A_206, %add3A_614 : i32
      %min3A = arith.constant 9 : i32
      %min3A_616 = arith.minsi %add3A_615, %min3A : i32
      %dma_wait3A_617 = arith.constant 0 : i32
      %dma_wait3A_618 = arith.constant 0 : i32
      %dma_wait3A_619 = arith.constant 0 : i32
      %dma_wait3A_620 = tpu.memref_slice %arg8[%rem3A_211, %dma_wait3A_618, %dma_wait3A_619] : memref<2x8x128xi32, #tpu.memory_space<vmem>> -> memref<1x8x128xi32, #tpu.memory_space<vmem>>
      %dma_wait3A_621 = tpu.memref_squeeze %dma_wait3A_620 : memref<1x8x128xi32, #tpu.memory_space<vmem>> -> memref<8x128xi32, #tpu.memory_space<vmem>>
      %dma_wait3A_622 = arith.constant 0 : i32
      %dma_wait3A_623 = arith.constant 0 : i32
      %dma_wait3A_624 = tpu.memref_slice %arg2[%dma_wait3A_617, %add3A, %min3A_616, %dma_wait3A_622, %dma_wait3A_623] : memref<2x32x10x8x128xi32, #tpu.memory_space<hbm>> -> memref<1x1x1x8x128xi32, #tpu.memory_space<hbm>>
      %dma_wait3A_625 = tpu.memref_squeeze %dma_wait3A_624 : memref<1x1x1x8x128xi32, #tpu.memory_space<hbm>> -> memref<8x128xi32, #tpu.memory_space<hbm>>
      %dma_wait3A_626 = arith.constant 0 : i32
      %dma_wait3A_627 = arith.constant 0 : i32
      %dma_wait3A_628 = tpu.memref_slice %arg8[%rem3A_211, %dma_wait3A_626, %dma_wait3A_627] : memref<2x8x128xi32, #tpu.memory_space<vmem>> -> memref<1x8x128xi32, #tpu.memory_space<vmem>>
      %dma_wait3A_629 = tpu.memref_squeeze %dma_wait3A_628 : memref<1x8x128xi32, #tpu.memory_space<vmem>> -> memref<8x128xi32, #tpu.memory_space<vmem>>
      %dma_wait3A_630 = arith.constant 0 : i32
      %dma_wait3A_631 = arith.constant 0 : i32
      %dma_wait3A_632 = tpu.memref_slice %arg2[%dma_wait3A_617, %add3A, %min3A_616, %dma_wait3A_630, %dma_wait3A_631] : memref<2x32x10x8x128xi32, #tpu.memory_space<hbm>> -> memref<1x1x1x8x128xi32, #tpu.memory_space<hbm>>
      %dma_wait3A_633 = tpu.memref_squeeze %dma_wait3A_632 : memref<1x1x1x8x128xi32, #tpu.memory_space<hbm>> -> memref<8x128xi32, #tpu.memory_space<hbm>>
      tpu.wait_dma2 semaphore(%arg16 : memref<!tpu.dma_semaphore, #tpu.memory_space<semaphore_mem>>) src(%dma_wait3A_633 : memref<8x128xi32, #tpu.memory_space<hbm>>) dst(%dma_wait3A_629 : memref<8x128xi32, #tpu.memory_space<vmem>>)
      %dma_wait3A_634 = arith.constant 1 : i32
      %dma_wait3A_635 = arith.constant 0 : i32
      %dma_wait3A_636 = arith.constant 0 : i32
      %dma_wait3A_637 = tpu.memref_slice %arg9[%rem3A_211, %dma_wait3A_635, %dma_wait3A_636] : memref<2x8x128xi32, #tpu.memory_space<vmem>> -> memref<1x8x128xi32, #tpu.memory_space<vmem>>
      %dma_wait3A_638 = tpu.memref_squeeze %dma_wait3A_637 : memref<1x8x128xi32, #tpu.memory_space<vmem>> -> memref<8x128xi32, #tpu.memory_space<vmem>>
      %dma_wait3A_639 = arith.constant 0 : i32
      %dma_wait3A_640 = arith.constant 0 : i32
      %dma_wait3A_641 = tpu.memref_slice %arg2[%dma_wait3A_634, %add3A, %min3A_616, %dma_wait3A_639, %dma_wait3A_640] : memref<2x32x10x8x128xi32, #tpu.memory_space<hbm>> -> memref<1x1x1x8x128xi32, #tpu.memory_space<hbm>>
      %dma_wait3A_642 = tpu.memref_squeeze %dma_wait3A_641 : memref<1x1x1x8x128xi32, #tpu.memory_space<hbm>> -> memref<8x128xi32, #tpu.memory_space<hbm>>
      %dma_wait3A_643 = arith.constant 0 : i32
      %dma_wait3A_644 = arith.constant 0 : i32
      %dma_wait3A_645 = tpu.memref_slice %arg9[%rem3A_211, %dma_wait3A_643, %dma_wait3A_644] : memref<2x8x128xi32, #tpu.memory_space<vmem>> -> memref<1x8x128xi32, #tpu.memory_space<vmem>>
      %dma_wait3A_646 = tpu.memref_squeeze %dma_wait3A_645 : memref<1x8x128xi32, #tpu.memory_space<vmem>> -> memref<8x128xi32, #tpu.memory_space<vmem>>
      %dma_wait3A_647 = arith.constant 0 : i32
      %dma_wait3A_648 = arith.constant 0 : i32
      %dma_wait3A_649 = tpu.memref_slice %arg2[%dma_wait3A_634, %add3A, %min3A_616, %dma_wait3A_647, %dma_wait3A_648] : memref<2x32x10x8x128xi32, #tpu.memory_space<hbm>> -> memref<1x1x1x8x128xi32, #tpu.memory_space<hbm>>
      %dma_wait3A_650 = tpu.memref_squeeze %dma_wait3A_649 : memref<1x1x1x8x128xi32, #tpu.memory_space<hbm>> -> memref<8x128xi32, #tpu.memory_space<hbm>>
      tpu.wait_dma2 semaphore(%arg16 : memref<!tpu.dma_semaphore, #tpu.memory_space<semaphore_mem>>) src(%dma_wait3A_650 : memref<8x128xi32, #tpu.memory_space<hbm>>) dst(%dma_wait3A_646 : memref<8x128xi32, #tpu.memory_space<vmem>>)
      %dma_wait3A_651 = arith.constant 6 : i32
      %dma_wait3A_652 = arith.constant 0 : i32
      %dma_wait3A_653 = tpu.memref_slice %arg8[%rem3A_207, %dma_wait3A_651, %dma_wait3A_652] : memref<2x8x128xi32, #tpu.memory_space<vmem>> -> memref<1x1x128xi32, #tpu.memory_space<vmem>>
      %dma_wait3A_654 = tpu.memref_squeeze %dma_wait3A_653 : memref<1x1x128xi32, #tpu.memory_space<vmem>> -> memref<128xi32, #tpu.memory_space<vmem>>
      %dma_wait3A_655 = arith.constant 0 : i32
      %dma_wait3A_656 = arith.constant 0 : i32
      %dma_wait3A_657 = tpu.memref_slice %arg3[%dma_wait3A_655, %dma_wait3A_656] : memref<10000x128xf32, #tpu.memory_space<hbm>> -> memref<10000x128xf32, #tpu.memory_space<hbm>>
      tpu.wait_indirect_dma semaphore(%arg14 : memref<!tpu.dma_semaphore, #tpu.memory_space<semaphore_mem>>) src(%dma_wait3A_657 : memref<10000x128xf32, #tpu.memory_space<hbm>>) dst(%arg10 : memref<128x128xf32, #tpu.memory_space<vmem>>)
      %dma_wait3A_658 = arith.constant 6 : i32
      %dma_wait3A_659 = arith.constant 0 : i32
      %dma_wait3A_660 = tpu.memref_slice %arg9[%rem3A_207, %dma_wait3A_658, %dma_wait3A_659] : memref<2x8x128xi32, #tpu.memory_space<vmem>> -> memref<1x1x128xi32, #tpu.memory_space<vmem>>
      %dma_wait3A_661 = tpu.memref_squeeze %dma_wait3A_660 : memref<1x1x128xi32, #tpu.memory_space<vmem>> -> memref<128xi32, #tpu.memory_space<vmem>>
      %dma_wait3A_662 = arith.constant 0 : i32
      %dma_wait3A_663 = arith.constant 0 : i32
      %dma_wait3A_664 = tpu.memref_slice %arg13[%dma_wait3A_662, %dma_wait3A_663] : memref<10240x128xf32, #tpu.memory_space<vmem_shared>> -> memref<10240x128xf32, #tpu.memory_space<vmem_shared>>
      tpu.wait_indirect_dma semaphore(%arg18 : memref<!tpu.dma_semaphore, #tpu.memory_space<semaphore_mem>>) src(%arg11 : memref<128x128xf32, #tpu.memory_space<vmem>>) dst(%dma_wait3A_664 : memref<10240x128xf32, #tpu.memory_space<vmem_shared>>)
      %dma_start3A_665 = arith.constant 7 : i32
      %dma_start3A_666 = arith.constant 0 : i32
      %dma_start3A_667 = tpu.memref_slice %arg8[%rem3A_207, %dma_start3A_665, %dma_start3A_666] : memref<2x8x128xi32, #tpu.memory_space<vmem>> -> memref<1x1x128xi32, #tpu.memory_space<vmem>>
      %dma_start3A_668 = tpu.memref_squeeze %dma_start3A_667 : memref<1x1x128xi32, #tpu.memory_space<vmem>> -> memref<128xi32, #tpu.memory_space<vmem>>
      %dma_start3A_669 = arith.constant 0 : i32
      %dma_start3A_670 = arith.constant 0 : i32
      %dma_start3A_671 = tpu.memref_slice %arg3[%dma_start3A_669, %dma_start3A_670] : memref<10000x128xf32, #tpu.memory_space<hbm>> -> memref<10000x128xf32, #tpu.memory_space<hbm>>
      tpu.enqueue_indirect_dma source(%dma_start3A_671 : memref<10000x128xf32, #tpu.memory_space<hbm>>) target(%arg11 : memref<128x128xf32, #tpu.memory_space<vmem>>) offsets(%dma_start3A_668 : memref<128xi32, #tpu.memory_space<vmem>>) semaphore(%arg15 : memref<!tpu.dma_semaphore, #tpu.memory_space<semaphore_mem>>)
      %dma_start3A_672 = arith.constant 6 : i32
      %dma_start3A_673 = arith.constant 0 : i32
      %dma_start3A_674 = tpu.memref_slice %arg9[%rem3A_207, %dma_start3A_672, %dma_start3A_673] : memref<2x8x128xi32, #tpu.memory_space<vmem>> -> memref<1x1x128xi32, #tpu.memory_space<vmem>>
      %dma_start3A_675 = tpu.memref_squeeze %dma_start3A_674 : memref<1x1x128xi32, #tpu.memory_space<vmem>> -> memref<128xi32, #tpu.memory_space<vmem>>
      %dma_start3A_676 = arith.constant 0 : i32
      %dma_start3A_677 = arith.constant 0 : i32
      %dma_start3A_678 = tpu.memref_slice %arg13[%dma_start3A_676, %dma_start3A_677] : memref<10240x128xf32, #tpu.memory_space<vmem_shared>> -> memref<10240x128xf32, #tpu.memory_space<vmem_shared>>
      tpu.enqueue_indirect_dma source(%arg10 : memref<128x128xf32, #tpu.memory_space<vmem>>) target(%dma_start3A_678 : memref<10240x128xf32, #tpu.memory_space<vmem_shared>>) offsets(%dma_start3A_675 : memref<128xi32, #tpu.memory_space<vmem>>) semaphore(%arg17 : memref<!tpu.dma_semaphore, #tpu.memory_space<semaphore_mem>>) {add = true}
      %get3A_679 = arith.constant 6 : i32
      %get3A_680 = arith.index_cast %rem3A_207 : i32 to index
      %get3A_681 = arith.index_cast %get3A_679 : i32 to index
      %get3A_682 = arith.constant 0 : index
      %get3A_683 = tpu.vector_load %arg9[%get3A_680, %get3A_681, %get3A_682] {strides = array<i32>} : memref<2x8x128xi32, #tpu.memory_space<vmem>>, vector<16xi32>,
      tpu.vector_store_idx %arg12[%get3A_683], %broadcast_in_dim3A_1 {add = true} : memref<10240xf32, #tpu.memory_space<vmem>>[vector<16xi32>], vector<16xf32>,
      %get3A_684 = arith.constant 6 : i32
      %get3A_685 = arith.index_cast %rem3A_207 : i32 to index
      %get3A_686 = arith.index_cast %get3A_684 : i32 to index
      %get3A_687 = arith.constant 16 : index
      %get3A_688 = tpu.vector_load %arg9[%get3A_685, %get3A_686, %get3A_687] {strides = array<i32>} : memref<2x8x128xi32, #tpu.memory_space<vmem>>, vector<16xi32>,
      tpu.vector_store_idx %arg12[%get3A_688], %broadcast_in_dim3A_1 {add = true} : memref<10240xf32, #tpu.memory_space<vmem>>[vector<16xi32>], vector<16xf32>,
      %get3A_689 = arith.constant 6 : i32
      %get3A_690 = arith.index_cast %rem3A_207 : i32 to index
      %get3A_691 = arith.index_cast %get3A_689 : i32 to index
      %get3A_692 = arith.constant 32 : index
      %get3A_693 = tpu.vector_load %arg9[%get3A_690, %get3A_691, %get3A_692] {strides = array<i32>} : memref<2x8x128xi32, #tpu.memory_space<vmem>>, vector<16xi32>,
      tpu.vector_store_idx %arg12[%get3A_693], %broadcast_in_dim3A_1 {add = true} : memref<10240xf32, #tpu.memory_space<vmem>>[vector<16xi32>], vector<16xf32>,
      %get3A_694 = arith.constant 6 : i32
      %get3A_695 = arith.index_cast %rem3A_207 : i32 to index
      %get3A_696 = arith.index_cast %get3A_694 : i32 to index
      %get3A_697 = arith.constant 48 : index
      %get3A_698 = tpu.vector_load %arg9[%get3A_695, %get3A_696, %get3A_697] {strides = array<i32>} : memref<2x8x128xi32, #tpu.memory_space<vmem>>, vector<16xi32>,
      tpu.vector_store_idx %arg12[%get3A_698], %broadcast_in_dim3A_1 {add = true} : memref<10240xf32, #tpu.memory_space<vmem>>[vector<16xi32>], vector<16xf32>,
      %get3A_699 = arith.constant 6 : i32
      %get3A_700 = arith.index_cast %rem3A_207 : i32 to index
      %get3A_701 = arith.index_cast %get3A_699 : i32 to index
      %get3A_702 = arith.constant 64 : index
      %get3A_703 = tpu.vector_load %arg9[%get3A_700, %get3A_701, %get3A_702] {strides = array<i32>} : memref<2x8x128xi32, #tpu.memory_space<vmem>>, vector<16xi32>,
      tpu.vector_store_idx %arg12[%get3A_703], %broadcast_in_dim3A_1 {add = true} : memref<10240xf32, #tpu.memory_space<vmem>>[vector<16xi32>], vector<16xf32>,
      %get3A_704 = arith.constant 6 : i32
      %get3A_705 = arith.index_cast %rem3A_207 : i32 to index
      %get3A_706 = arith.index_cast %get3A_704 : i32 to index
      %get3A_707 = arith.constant 80 : index
      %get3A_708 = tpu.vector_load %arg9[%get3A_705, %get3A_706, %get3A_707] {strides = array<i32>} : memref<2x8x128xi32, #tpu.memory_space<vmem>>, vector<16xi32>,
      tpu.vector_store_idx %arg12[%get3A_708], %broadcast_in_dim3A_1 {add = true} : memref<10240xf32, #tpu.memory_space<vmem>>[vector<16xi32>], vector<16xf32>,
      %get3A_709 = arith.constant 6 : i32
      %get3A_710 = arith.index_cast %rem3A_207 : i32 to index
      %get3A_711 = arith.index_cast %get3A_709 : i32 to index
      %get3A_712 = arith.constant 96 : index
      %get3A_713 = tpu.vector_load %arg9[%get3A_710, %get3A_711, %get3A_712] {strides = array<i32>} : memref<2x8x128xi32, #tpu.memory_space<vmem>>, vector<16xi32>,
      tpu.vector_store_idx %arg12[%get3A_713], %broadcast_in_dim3A_1 {add = true} : memref<10240xf32, #tpu.memory_space<vmem>>[vector<16xi32>], vector<16xf32>,
      %get3A_714 = arith.constant 6 : i32
      %get3A_715 = arith.index_cast %rem3A_207 : i32 to index
      %get3A_716 = arith.index_cast %get3A_714 : i32 to index
      %get3A_717 = arith.constant 112 : index
      %get3A_718 = tpu.vector_load %arg9[%get3A_715, %get3A_716, %get3A_717] {strides = array<i32>} : memref<2x8x128xi32, #tpu.memory_space<vmem>>, vector<16xi32>,
      tpu.vector_store_idx %arg12[%get3A_718], %broadcast_in_dim3A_1 {add = true} : memref<10240xf32, #tpu.memory_space<vmem>>[vector<16xi32>], vector<16xf32>,
      %dma_wait3A_719 = arith.constant 7 : i32
      %dma_wait3A_720 = arith.constant 0 : i32
      %dma_wait3A_721 = tpu.memref_slice %arg8[%rem3A_207, %dma_wait3A_719, %dma_wait3A_720] : memref<2x8x128xi32, #tpu.memory_space<vmem>> -> memref<1x1x128xi32, #tpu.memory_space<vmem>>
      %dma_wait3A_722 = tpu.memref_squeeze %dma_wait3A_721 : memref<1x1x128xi32, #tpu.memory_space<vmem>> -> memref<128xi32, #tpu.memory_space<vmem>>
      %dma_wait3A_723 = arith.constant 0 : i32
      %dma_wait3A_724 = arith.constant 0 : i32
      %dma_wait3A_725 = tpu.memref_slice %arg3[%dma_wait3A_723, %dma_wait3A_724] : memref<10000x128xf32, #tpu.memory_space<hbm>> -> memref<10000x128xf32, #tpu.memory_space<hbm>>
      tpu.wait_indirect_dma semaphore(%arg15 : memref<!tpu.dma_semaphore, #tpu.memory_space<semaphore_mem>>) src(%dma_wait3A_725 : memref<10000x128xf32, #tpu.memory_space<hbm>>) dst(%arg11 : memref<128x128xf32, #tpu.memory_space<vmem>>)
      %dma_wait3A_726 = arith.constant 7 : i32
      %dma_wait3A_727 = arith.constant 0 : i32
      %dma_wait3A_728 = tpu.memref_slice %arg9[%rem3A_207, %dma_wait3A_726, %dma_wait3A_727] : memref<2x8x128xi32, #tpu.memory_space<vmem>> -> memref<1x1x128xi32, #tpu.memory_space<vmem>>
      %dma_wait3A_729 = tpu.memref_squeeze %dma_wait3A_728 : memref<1x1x128xi32, #tpu.memory_space<vmem>> -> memref<128xi32, #tpu.memory_space<vmem>>
      %dma_wait3A_730 = arith.constant 0 : i32
      %dma_wait3A_731 = arith.constant 0 : i32
      %dma_wait3A_732 = tpu.memref_slice %arg13[%dma_wait3A_730, %dma_wait3A_731] : memref<10240x128xf32, #tpu.memory_space<vmem_shared>> -> memref<10240x128xf32, #tpu.memory_space<vmem_shared>>
      tpu.wait_indirect_dma semaphore(%arg17 : memref<!tpu.dma_semaphore, #tpu.memory_space<semaphore_mem>>) src(%arg10 : memref<128x128xf32, #tpu.memory_space<vmem>>) dst(%dma_wait3A_732 : memref<10240x128xf32, #tpu.memory_space<vmem_shared>>)
      %dma_start3A_733 = arith.constant 0 : i32
      %dma_start3A_734 = arith.constant 0 : i32
      %dma_start3A_735 = tpu.memref_slice %arg8[%rem3A_211, %dma_start3A_733, %dma_start3A_734] : memref<2x8x128xi32, #tpu.memory_space<vmem>> -> memref<1x1x128xi32, #tpu.memory_space<vmem>>
      %dma_start3A_736 = tpu.memref_squeeze %dma_start3A_735 : memref<1x1x128xi32, #tpu.memory_space<vmem>> -> memref<128xi32, #tpu.memory_space<vmem>>
      %dma_start3A_737 = arith.constant 0 : i32
      %dma_start3A_738 = arith.constant 0 : i32
      %dma_start3A_739 = tpu.memref_slice %arg3[%dma_start3A_737, %dma_start3A_738] : memref<10000x128xf32, #tpu.memory_space<hbm>> -> memref<10000x128xf32, #tpu.memory_space<hbm>>
      tpu.enqueue_indirect_dma source(%dma_start3A_739 : memref<10000x128xf32, #tpu.memory_space<hbm>>) target(%arg10 : memref<128x128xf32, #tpu.memory_space<vmem>>) offsets(%dma_start3A_736 : memref<128xi32, #tpu.memory_space<vmem>>) semaphore(%arg14 : memref<!tpu.dma_semaphore, #tpu.memory_space<semaphore_mem>>)
      %dma_start3A_740 = arith.constant 7 : i32
      %dma_start3A_741 = arith.constant 0 : i32
      %dma_start3A_742 = tpu.memref_slice %arg9[%rem3A_207, %dma_start3A_740, %dma_start3A_741] : memref<2x8x128xi32, #tpu.memory_space<vmem>> -> memref<1x1x128xi32, #tpu.memory_space<vmem>>
      %dma_start3A_743 = tpu.memref_squeeze %dma_start3A_742 : memref<1x1x128xi32, #tpu.memory_space<vmem>> -> memref<128xi32, #tpu.memory_space<vmem>>
      %dma_start3A_744 = arith.constant 0 : i32
      %dma_start3A_745 = arith.constant 0 : i32
      %dma_start3A_746 = tpu.memref_slice %arg13[%dma_start3A_744, %dma_start3A_745] : memref<10240x128xf32, #tpu.memory_space<vmem_shared>> -> memref<10240x128xf32, #tpu.memory_space<vmem_shared>>
      tpu.enqueue_indirect_dma source(%arg11 : memref<128x128xf32, #tpu.memory_space<vmem>>) target(%dma_start3A_746 : memref<10240x128xf32, #tpu.memory_space<vmem_shared>>) offsets(%dma_start3A_743 : memref<128xi32, #tpu.memory_space<vmem>>) semaphore(%arg18 : memref<!tpu.dma_semaphore, #tpu.memory_space<semaphore_mem>>) {add = true}
      %get3A_747 = arith.constant 7 : i32
      %get3A_748 = arith.index_cast %rem3A_207 : i32 to index
      %get3A_749 = arith.index_cast %get3A_747 : i32 to index
      %get3A_750 = arith.constant 0 : index
      %get3A_751 = tpu.vector_load %arg9[%get3A_748, %get3A_749, %get3A_750] {strides = array<i32>} : memref<2x8x128xi32, #tpu.memory_space<vmem>>, vector<16xi32>,
      tpu.vector_store_idx %arg12[%get3A_751], %broadcast_in_dim3A_1 {add = true} : memref<10240xf32, #tpu.memory_space<vmem>>[vector<16xi32>], vector<16xf32>,
      %get3A_752 = arith.constant 7 : i32
      %get3A_753 = arith.index_cast %rem3A_207 : i32 to index
      %get3A_754 = arith.index_cast %get3A_752 : i32 to index
      %get3A_755 = arith.constant 16 : index
      %get3A_756 = tpu.vector_load %arg9[%get3A_753, %get3A_754, %get3A_755] {strides = array<i32>} : memref<2x8x128xi32, #tpu.memory_space<vmem>>, vector<16xi32>,
      tpu.vector_store_idx %arg12[%get3A_756], %broadcast_in_dim3A_1 {add = true} : memref<10240xf32, #tpu.memory_space<vmem>>[vector<16xi32>], vector<16xf32>,
      %get3A_757 = arith.constant 7 : i32
      %get3A_758 = arith.index_cast %rem3A_207 : i32 to index
      %get3A_759 = arith.index_cast %get3A_757 : i32 to index
      %get3A_760 = arith.constant 32 : index
      %get3A_761 = tpu.vector_load %arg9[%get3A_758, %get3A_759, %get3A_760] {strides = array<i32>} : memref<2x8x128xi32, #tpu.memory_space<vmem>>, vector<16xi32>,
      tpu.vector_store_idx %arg12[%get3A_761], %broadcast_in_dim3A_1 {add = true} : memref<10240xf32, #tpu.memory_space<vmem>>[vector<16xi32>], vector<16xf32>,
      %get3A_762 = arith.constant 7 : i32
      %get3A_763 = arith.index_cast %rem3A_207 : i32 to index
      %get3A_764 = arith.index_cast %get3A_762 : i32 to index
      %get3A_765 = arith.constant 48 : index
      %get3A_766 = tpu.vector_load %arg9[%get3A_763, %get3A_764, %get3A_765] {strides = array<i32>} : memref<2x8x128xi32, #tpu.memory_space<vmem>>, vector<16xi32>,
      tpu.vector_store_idx %arg12[%get3A_766], %broadcast_in_dim3A_1 {add = true} : memref<10240xf32, #tpu.memory_space<vmem>>[vector<16xi32>], vector<16xf32>,
      %get3A_767 = arith.constant 7 : i32
      %get3A_768 = arith.index_cast %rem3A_207 : i32 to index
      %get3A_769 = arith.index_cast %get3A_767 : i32 to index
      %get3A_770 = arith.constant 64 : index
      %get3A_771 = tpu.vector_load %arg9[%get3A_768, %get3A_769, %get3A_770] {strides = array<i32>} : memref<2x8x128xi32, #tpu.memory_space<vmem>>, vector<16xi32>,
      tpu.vector_store_idx %arg12[%get3A_771], %broadcast_in_dim3A_1 {add = true} : memref<10240xf32, #tpu.memory_space<vmem>>[vector<16xi32>], vector<16xf32>,
      %get3A_772 = arith.constant 7 : i32
      %get3A_773 = arith.index_cast %rem3A_207 : i32 to index
      %get3A_774 = arith.index_cast %get3A_772 : i32 to index
      %get3A_775 = arith.constant 80 : index
      %get3A_776 = tpu.vector_load %arg9[%get3A_773, %get3A_774, %get3A_775] {strides = array<i32>} : memref<2x8x128xi32, #tpu.memory_space<vmem>>, vector<16xi32>,
      tpu.vector_store_idx %arg12[%get3A_776], %broadcast_in_dim3A_1 {add = true} : memref<10240xf32, #tpu.memory_space<vmem>>[vector<16xi32>], vector<16xf32>,
      %get3A_777 = arith.constant 7 : i32
      %get3A_778 = arith.index_cast %rem3A_207 : i32 to index
      %get3A_779 = arith.index_cast %get3A_777 : i32 to index
      %get3A_780 = arith.constant 96 : index
      %get3A_781 = tpu.vector_load %arg9[%get3A_778, %get3A_779, %get3A_780] {strides = array<i32>} : memref<2x8x128xi32, #tpu.memory_space<vmem>>, vector<16xi32>,
      tpu.vector_store_idx %arg12[%get3A_781], %broadcast_in_dim3A_1 {add = true} : memref<10240xf32, #tpu.memory_space<vmem>>[vector<16xi32>], vector<16xf32>,
      %get3A_782 = arith.constant 7 : i32
      %get3A_783 = arith.index_cast %rem3A_207 : i32 to index
      %get3A_784 = arith.index_cast %get3A_782 : i32 to index
      %get3A_785 = arith.constant 112 : index
      %get3A_786 = tpu.vector_load %arg9[%get3A_783, %get3A_784, %get3A_785] {strides = array<i32>} : memref<2x8x128xi32, #tpu.memory_space<vmem>>, vector<16xi32>,
      tpu.vector_store_idx %arg12[%get3A_786], %broadcast_in_dim3A_1 {add = true} : memref<10240xf32, #tpu.memory_space<vmem>>[vector<16xi32>], vector<16xf32>,
      %add3A_787 = arith.constant 2 : i32
      %add3A_788 = arith.addi %scan3A_206, %add3A_787 : i32
      %min3A_789 = arith.constant 9 : i32
      %min3A_790 = arith.minsi %add3A_788, %min3A_789 : i32
      %dma_start3A_791 = arith.constant 0 : i32
      %dma_start3A_792 = arith.constant 0 : i32
      %dma_start3A_793 = arith.constant 0 : i32
      %dma_start3A_794 = tpu.memref_slice %arg8[%rem3A_207, %dma_start3A_792, %dma_start3A_793] : memref<2x8x128xi32, #tpu.memory_space<vmem>> -> memref<1x8x128xi32, #tpu.memory_space<vmem>>
      %dma_start3A_795 = tpu.memref_squeeze %dma_start3A_794 : memref<1x8x128xi32, #tpu.memory_space<vmem>> -> memref<8x128xi32, #tpu.memory_space<vmem>>
      %dma_start3A_796 = arith.constant 0 : i32
      %dma_start3A_797 = arith.constant 0 : i32
      %dma_start3A_798 = tpu.memref_slice %arg2[%dma_start3A_791, %add3A, %min3A_790, %dma_start3A_796, %dma_start3A_797] : memref<2x32x10x8x128xi32, #tpu.memory_space<hbm>> -> memref<1x1x1x8x128xi32, #tpu.memory_space<hbm>>
      %dma_start3A_799 = tpu.memref_squeeze %dma_start3A_798 : memref<1x1x1x8x128xi32, #tpu.memory_space<hbm>> -> memref<8x128xi32, #tpu.memory_space<hbm>>
      %dma_start3A_800 = arith.constant 0 : i32
      %dma_start3A_801 = arith.constant 0 : i32
      %dma_start3A_802 = tpu.memref_slice %arg8[%rem3A_207, %dma_start3A_800, %dma_start3A_801] : memref<2x8x128xi32, #tpu.memory_space<vmem>> -> memref<1x8x128xi32, #tpu.memory_space<vmem>>
      %dma_start3A_803 = tpu.memref_squeeze %dma_start3A_802 : memref<1x8x128xi32, #tpu.memory_space<vmem>> -> memref<8x128xi32, #tpu.memory_space<vmem>>
      %dma_start3A_804 = arith.constant 0 : i32
      %dma_start3A_805 = arith.constant 0 : i32
      %dma_start3A_806 = tpu.memref_slice %arg2[%dma_start3A_791, %add3A, %min3A_790, %dma_start3A_804, %dma_start3A_805] : memref<2x32x10x8x128xi32, #tpu.memory_space<hbm>> -> memref<1x1x1x8x128xi32, #tpu.memory_space<hbm>>
      %dma_start3A_807 = tpu.memref_squeeze %dma_start3A_806 : memref<1x1x1x8x128xi32, #tpu.memory_space<hbm>> -> memref<8x128xi32, #tpu.memory_space<hbm>>
      tpu.enqueue_dma source(%dma_start3A_807 : memref<8x128xi32, #tpu.memory_space<hbm>>) target(%dma_start3A_803 : memref<8x128xi32, #tpu.memory_space<vmem>>) target_semaphore(%arg16 : memref<!tpu.dma_semaphore, #tpu.memory_space<semaphore_mem>>)
      %dma_start3A_808 = arith.constant 1 : i32
      %dma_start3A_809 = arith.constant 0 : i32
      %dma_start3A_810 = arith.constant 0 : i32
      %dma_start3A_811 = tpu.memref_slice %arg9[%rem3A_207, %dma_start3A_809, %dma_start3A_810] : memref<2x8x128xi32, #tpu.memory_space<vmem>> -> memref<1x8x128xi32, #tpu.memory_space<vmem>>
      %dma_start3A_812 = tpu.memref_squeeze %dma_start3A_811 : memref<1x8x128xi32, #tpu.memory_space<vmem>> -> memref<8x128xi32, #tpu.memory_space<vmem>>
      %dma_start3A_813 = arith.constant 0 : i32
      %dma_start3A_814 = arith.constant 0 : i32
      %dma_start3A_815 = tpu.memref_slice %arg2[%dma_start3A_808, %add3A, %min3A_790, %dma_start3A_813, %dma_start3A_814] : memref<2x32x10x8x128xi32, #tpu.memory_space<hbm>> -> memref<1x1x1x8x128xi32, #tpu.memory_space<hbm>>
      %dma_start3A_816 = tpu.memref_squeeze %dma_start3A_815 : memref<1x1x1x8x128xi32, #tpu.memory_space<hbm>> -> memref<8x128xi32, #tpu.memory_space<hbm>>
      %dma_start3A_817 = arith.constant 0 : i32
      %dma_start3A_818 = arith.constant 0 : i32
      %dma_start3A_819 = tpu.memref_slice %arg9[%rem3A_207, %dma_start3A_817, %dma_start3A_818] : memref<2x8x128xi32, #tpu.memory_space<vmem>> -> memref<1x8x128xi32, #tpu.memory_space<vmem>>
      %dma_start3A_820 = tpu.memref_squeeze %dma_start3A_819 : memref<1x8x128xi32, #tpu.memory_space<vmem>> -> memref<8x128xi32, #tpu.memory_space<vmem>>
      %dma_start3A_821 = arith.constant 0 : i32
      %dma_start3A_822 = arith.constant 0 : i32
      %dma_start3A_823 = tpu.memref_slice %arg2[%dma_start3A_808, %add3A, %min3A_790, %dma_start3A_821, %dma_start3A_822] : memref<2x32x10x8x128xi32, #tpu.memory_space<hbm>> -> memref<1x1x1x8x128xi32, #tpu.memory_space<hbm>>
      %dma_start3A_824 = tpu.memref_squeeze %dma_start3A_823 : memref<1x1x1x8x128xi32, #tpu.memory_space<hbm>> -> memref<8x128xi32, #tpu.memory_space<hbm>>
      tpu.enqueue_dma source(%dma_start3A_824 : memref<8x128xi32, #tpu.memory_space<hbm>>) target(%dma_start3A_820 : memref<8x128xi32, #tpu.memory_space<vmem>>) target_semaphore(%arg16 : memref<!tpu.dma_semaphore, #tpu.memory_space<semaphore_mem>>)
    }
    %scan3A_146 = arith.constant 10 : i32
    %dma_wait3A_147 = arith.constant 1 : i32
    %dma_wait3A_148 = arith.constant 7 : i32
    %dma_wait3A_149 = arith.constant 0 : i32
    %dma_wait3A_150 = tpu.memref_slice %arg9[%dma_wait3A_147, %dma_wait3A_148, %dma_wait3A_149] : memref<2x8x128xi32, #tpu.memory_space<vmem>> -> memref<1x1x128xi32, #tpu.memory_space<vmem>>
    %dma_wait3A_151 = tpu.memref_squeeze %dma_wait3A_150 : memref<1x1x128xi32, #tpu.memory_space<vmem>> -> memref<128xi32, #tpu.memory_space<vmem>>
    %dma_wait3A_152 = arith.constant 0 : i32
    %dma_wait3A_153 = arith.constant 0 : i32
    %dma_wait3A_154 = tpu.memref_slice %arg13[%dma_wait3A_152, %dma_wait3A_153] : memref<10240x128xf32, #tpu.memory_space<vmem_shared>> -> memref<10240x128xf32, #tpu.memory_space<vmem_shared>>
    tpu.wait_indirect_dma semaphore(%arg18 : memref<!tpu.dma_semaphore, #tpu.memory_space<semaphore_mem>>) src(%arg11 : memref<128x128xf32, #tpu.memory_space<vmem>>) dst(%dma_wait3A_154 : memref<10240x128xf32, #tpu.memory_space<vmem_shared>>)
    %dma_wait3A_155 = arith.constant 0 : i32
    %dma_wait3A_156 = arith.constant 9 : i32
    %dma_wait3A_157 = arith.constant 1 : i32
    %dma_wait3A_158 = arith.constant 0 : i32
    %dma_wait3A_159 = arith.constant 0 : i32
    %dma_wait3A_160 = tpu.memref_slice %arg8[%dma_wait3A_157, %dma_wait3A_158, %dma_wait3A_159] : memref<2x8x128xi32, #tpu.memory_space<vmem>> -> memref<1x8x128xi32, #tpu.memory_space<vmem>>
    %dma_wait3A_161 = tpu.memref_squeeze %dma_wait3A_160 : memref<1x8x128xi32, #tpu.memory_space<vmem>> -> memref<8x128xi32, #tpu.memory_space<vmem>>
    %dma_wait3A_162 = arith.constant 0 : i32
    %dma_wait3A_163 = arith.constant 0 : i32
    %dma_wait3A_164 = tpu.memref_slice %arg2[%dma_wait3A_155, %add3A, %dma_wait3A_156, %dma_wait3A_162, %dma_wait3A_163] : memref<2x32x10x8x128xi32, #tpu.memory_space<hbm>> -> memref<1x1x1x8x128xi32, #tpu.memory_space<hbm>>
    %dma_wait3A_165 = tpu.memref_squeeze %dma_wait3A_164 : memref<1x1x1x8x128xi32, #tpu.memory_space<hbm>> -> memref<8x128xi32, #tpu.memory_space<hbm>>
    %dma_wait3A_166 = arith.constant 0 : i32
    %dma_wait3A_167 = arith.constant 0 : i32
    %dma_wait3A_168 = tpu.memref_slice %arg8[%dma_wait3A_157, %dma_wait3A_166, %dma_wait3A_167] : memref<2x8x128xi32, #tpu.memory_space<vmem>> -> memref<1x8x128xi32, #tpu.memory_space<vmem>>
    %dma_wait3A_169 = tpu.memref_squeeze %dma_wait3A_168 : memref<1x8x128xi32, #tpu.memory_space<vmem>> -> memref<8x128xi32, #tpu.memory_space<vmem>>
    %dma_wait3A_170 = arith.constant 0 : i32
    %dma_wait3A_171 = arith.constant 0 : i32
    %dma_wait3A_172 = tpu.memref_slice %arg2[%dma_wait3A_155, %add3A, %dma_wait3A_156, %dma_wait3A_170, %dma_wait3A_171] : memref<2x32x10x8x128xi32, #tpu.memory_space<hbm>> -> memref<1x1x1x8x128xi32, #tpu.memory_space<hbm>>
    %dma_wait3A_173 = tpu.memref_squeeze %dma_wait3A_172 : memref<1x1x1x8x128xi32, #tpu.memory_space<hbm>> -> memref<8x128xi32, #tpu.memory_space<hbm>>
    tpu.wait_dma2 semaphore(%arg16 : memref<!tpu.dma_semaphore, #tpu.memory_space<semaphore_mem>>) src(%dma_wait3A_173 : memref<8x128xi32, #tpu.memory_space<hbm>>) dst(%dma_wait3A_169 : memref<8x128xi32, #tpu.memory_space<vmem>>)
    %dma_wait3A_174 = arith.constant 1 : i32
    %dma_wait3A_175 = arith.constant 9 : i32
    %dma_wait3A_176 = arith.constant 1 : i32
    %dma_wait3A_177 = arith.constant 0 : i32
    %dma_wait3A_178 = arith.constant 0 : i32
    %dma_wait3A_179 = tpu.memref_slice %arg9[%dma_wait3A_176, %dma_wait3A_177, %dma_wait3A_178] : memref<2x8x128xi32, #tpu.memory_space<vmem>> -> memref<1x8x128xi32, #tpu.memory_space<vmem>>
    %dma_wait3A_180 = tpu.memref_squeeze %dma_wait3A_179 : memref<1x8x128xi32, #tpu.memory_space<vmem>> -> memref<8x128xi32, #tpu.memory_space<vmem>>
    %dma_wait3A_181 = arith.constant 0 : i32
    %dma_wait3A_182 = arith.constant 0 : i32
    %dma_wait3A_183 = tpu.memref_slice %arg2[%dma_wait3A_174, %add3A, %dma_wait3A_175, %dma_wait3A_181, %dma_wait3A_182] : memref<2x32x10x8x128xi32, #tpu.memory_space<hbm>> -> memref<1x1x1x8x128xi32, #tpu.memory_space<hbm>>
    %dma_wait3A_184 = tpu.memref_squeeze %dma_wait3A_183 : memref<1x1x1x8x128xi32, #tpu.memory_space<hbm>> -> memref<8x128xi32, #tpu.memory_space<hbm>>
    %dma_wait3A_185 = arith.constant 0 : i32
    %dma_wait3A_186 = arith.constant 0 : i32
    %dma_wait3A_187 = tpu.memref_slice %arg9[%dma_wait3A_176, %dma_wait3A_185, %dma_wait3A_186] : memref<2x8x128xi32, #tpu.memory_space<vmem>> -> memref<1x8x128xi32, #tpu.memory_space<vmem>>
    %dma_wait3A_188 = tpu.memref_squeeze %dma_wait3A_187 : memref<1x8x128xi32, #tpu.memory_space<vmem>> -> memref<8x128xi32, #tpu.memory_space<vmem>>
    %dma_wait3A_189 = arith.constant 0 : i32
    %dma_wait3A_190 = arith.constant 0 : i32
    %dma_wait3A_191 = tpu.memref_slice %arg2[%dma_wait3A_174, %add3A, %dma_wait3A_175, %dma_wait3A_189, %dma_wait3A_190] : memref<2x32x10x8x128xi32, #tpu.memory_space<hbm>> -> memref<1x1x1x8x128xi32, #tpu.memory_space<hbm>>
    %dma_wait3A_192 = tpu.memref_squeeze %dma_wait3A_191 : memref<1x1x1x8x128xi32, #tpu.memory_space<hbm>> -> memref<8x128xi32, #tpu.memory_space<hbm>>
    tpu.wait_dma2 semaphore(%arg16 : memref<!tpu.dma_semaphore, #tpu.memory_space<semaphore_mem>>) src(%dma_wait3A_192 : memref<8x128xi32, #tpu.memory_space<hbm>>) dst(%dma_wait3A_188 : memref<8x128xi32, #tpu.memory_space<vmem>>)
    %dma_wait3A_193 = arith.constant 0 : i32
    %dma_wait3A_194 = arith.constant 0 : i32
    %dma_wait3A_195 = arith.constant 0 : i32
    %dma_wait3A_196 = tpu.memref_slice %arg8[%dma_wait3A_193, %dma_wait3A_194, %dma_wait3A_195] : memref<2x8x128xi32, #tpu.memory_space<vmem>> -> memref<1x1x128xi32, #tpu.memory_space<vmem>>
    %dma_wait3A_197 = tpu.memref_squeeze %dma_wait3A_196 : memref<1x1x128xi32, #tpu.memory_space<vmem>> -> memref<128xi32, #tpu.memory_space<vmem>>
    %dma_wait3A_198 = arith.constant 0 : i32
    %dma_wait3A_199 = arith.constant 0 : i32
    %dma_wait3A_200 = tpu.memref_slice %arg3[%dma_wait3A_198, %dma_wait3A_199] : memref<10000x128xf32, #tpu.memory_space<hbm>> -> memref<10000x128xf32, #tpu.memory_space<hbm>>
    tpu.wait_indirect_dma semaphore(%arg14 : memref<!tpu.dma_semaphore, #tpu.memory_space<semaphore_mem>>) src(%dma_wait3A_200 : memref<10000x128xf32, #tpu.memory_space<hbm>>) dst(%arg10 : memref<128x128xf32, #tpu.memory_space<vmem>>)
    %barrier3A_201 = arith.constant 0 : index
    tpu.barrier barrier_id(%barrier3A_201)
    %mul3A_202 = arith.constant 640 : i32
    %mul3A_203 = arith.muli %arg1, %mul3A_202 : i32
    %mul3A_204 = arith.constant 640 : i32
    %mul3A_205 = arith.muli %arg1, %mul3A_204 : i32
    "tpu.region"() ({
      %run_scoped3A = tpu.sem_alloc : memref<!tpu.dma_semaphore, #tpu.memory_space<semaphore_mem>>
      %dma_start3A_206 = arith.constant 0 : i32
      %dma_start3A_207 = tpu.memref_slice %arg6[%arg0, %mul3A_205, %dma_start3A_206] : memref<2x10240x128xf32, #tpu.memory_space<hbm>> -> memref<1x640x128xf32, #tpu.memory_space<hbm>>
      %dma_start3A_208 = tpu.memref_squeeze %dma_start3A_207 : memref<1x640x128xf32, #tpu.memory_space<hbm>> -> memref<640x128xf32, #tpu.memory_space<hbm>>
      %dma_start3A_209 = arith.constant 0 : i32
      %dma_start3A_210 = tpu.memref_slice %arg13[%mul3A_203, %dma_start3A_209] : memref<10240x128xf32, #tpu.memory_space<vmem_shared>> -> memref<640x128xf32, #tpu.memory_space<vmem_shared>>
      tpu.enqueue_dma source(%dma_start3A_210 : memref<640x128xf32, #tpu.memory_space<vmem_shared>>) target(%dma_start3A_208 : memref<640x128xf32, #tpu.memory_space<hbm>>) target_semaphore(%run_scoped3A : memref<!tpu.dma_semaphore, #tpu.memory_space<semaphore_mem>>)
      %dma_wait3A_211 = arith.constant 0 : i32
      %dma_wait3A_212 = tpu.memref_slice %arg6[%arg0, %mul3A_205, %dma_wait3A_211] : memref<2x10240x128xf32, #tpu.memory_space<hbm>> -> memref<1x640x128xf32, #tpu.memory_space<hbm>>
      %dma_wait3A_213 = tpu.memref_squeeze %dma_wait3A_212 : memref<1x640x128xf32, #tpu.memory_space<hbm>> -> memref<640x128xf32, #tpu.memory_space<hbm>>
      %dma_wait3A_214 = arith.constant 0 : i32
      %dma_wait3A_215 = tpu.memref_slice %arg13[%mul3A_203, %dma_wait3A_214] : memref<10240x128xf32, #tpu.memory_space<vmem_shared>> -> memref<640x128xf32, #tpu.memory_space<vmem_shared>>
      tpu.wait_dma2 semaphore(%run_scoped3A : memref<!tpu.dma_semaphore, #tpu.memory_space<semaphore_mem>>) src(%dma_wait3A_215 : memref<640x128xf32, #tpu.memory_space<vmem_shared>>) dst(%dma_wait3A_213 : memref<640x128xf32, #tpu.memory_space<hbm>>)
      tpu.yield
    }) : () -> ()
    "tpu.region"() ({
      %run_scoped3A = tpu.sem_alloc : memref<!tpu.dma_semaphore, #tpu.memory_space<semaphore_mem>>
      %dma_start3A_206 = arith.constant 0 : i32
      %dma_start3A_207 = tpu.memref_slice %arg7[%add3A, %dma_start3A_206] : memref<32x10240xf32, #tpu.memory_space<hbm>> -> memref<1x10240xf32, #tpu.memory_space<hbm>>
      %dma_start3A_208 = tpu.memref_squeeze %dma_start3A_207 : memref<1x10240xf32, #tpu.memory_space<hbm>> -> memref<10240xf32, #tpu.memory_space<hbm>>
      %dma_start3A_209 = arith.constant 0 : i32
      %dma_start3A_210 = tpu.memref_slice %arg7[%add3A, %dma_start3A_209] : memref<32x10240xf32, #tpu.memory_space<hbm>> -> memref<1x10240xf32, #tpu.memory_space<hbm>>
      %dma_start3A_211 = tpu.memref_squeeze %dma_start3A_210 : memref<1x10240xf32, #tpu.memory_space<hbm>> -> memref<10240xf32, #tpu.memory_space<hbm>>
      tpu.enqueue_dma source(%arg12 : memref<10240xf32, #tpu.memory_space<vmem>>) target(%dma_start3A_211 : memref<10240xf32, #tpu.memory_space<hbm>>) target_semaphore(%run_scoped3A : memref<!tpu.dma_semaphore, #tpu.memory_space<semaphore_mem>>)
      %dma_wait3A_212 = arith.constant 0 : i32
      %dma_wait3A_213 = tpu.memref_slice %arg7[%add3A, %dma_wait3A_212] : memref<32x10240xf32, #tpu.memory_space<hbm>> -> memref<1x10240xf32, #tpu.memory_space<hbm>>
      %dma_wait3A_214 = tpu.memref_squeeze %dma_wait3A_213 : memref<1x10240xf32, #tpu.memory_space<hbm>> -> memref<10240xf32, #tpu.memory_space<hbm>>
      %dma_wait3A_215 = arith.constant 0 : i32
      %dma_wait3A_216 = tpu.memref_slice %arg7[%add3A, %dma_wait3A_215] : memref<32x10240xf32, #tpu.memory_space<hbm>> -> memref<1x10240xf32, #tpu.memory_space<hbm>>
      %dma_wait3A_217 = tpu.memref_squeeze %dma_wait3A_216 : memref<1x10240xf32, #tpu.memory_space<hbm>> -> memref<10240xf32, #tpu.memory_space<hbm>>
      tpu.wait_dma2 semaphore(%run_scoped3A : memref<!tpu.dma_semaphore, #tpu.memory_space<semaphore_mem>>) src(%arg12 : memref<10240xf32, #tpu.memory_space<vmem>>) dst(%dma_wait3A_217 : memref<10240xf32, #tpu.memory_space<hbm>>)
      tpu.yield
    }) : () -> ()
    return
  }
}

module attributes {stable_mosaic.version = 14 : i64} {
  func.func @_dense_body(%arg0: i32, %arg1: memref<400x128xf32, #tpu.memory_space<vmem>>, %arg2: memref<2x400x128xf32, #tpu.memory_space<vmem>>, %arg3: memref<400x32xf32, #tpu.memory_space<vmem>>, %arg4: memref<128x128xf32, #tpu.memory_space<vmem>>, %arg5: memref<128x128xf32, #tpu.memory_space<vmem>>, %arg6: memref<8x128xf32, #tpu.memory_space<vmem>>, %arg7: memref<400x128xf32, #tpu.memory_space<vmem>>) attributes {dimension_semantics = [#tpu.dimension_semantics<arbitrary>], iteration_bounds = array<i64: 25>, scalar_prefetch = 0 : i64, scratch_operands = 0 : i64, tpu.core_type = #tpu.core_type<tc>, window_params = [{transform_indices = @transform_0, window_bounds = array<i64: 400, 128>}, {transform_indices = @transform_1, window_bounds = array<i64: 2, 400, 128>}, {transform_indices = @transform_2, window_bounds = array<i64: 400, 32>}, {pipeline_mode = #tpu.pipeline_mode<synchronous>, transform_indices = @transform_3, window_bounds = array<i64: 128, 128>}, {pipeline_mode = #tpu.pipeline_mode<synchronous>, transform_indices = @transform_4, window_bounds = array<i64: 128, 128>}, {pipeline_mode = #tpu.pipeline_mode<synchronous>, transform_indices = @transform_5, window_bounds = array<i64: 8, 128>}, {transform_indices = @transform_6, window_bounds = array<i64: 400, 128>}]} {
    %get3A = arith.constant 0 : index
    %get3A_0 = arith.constant 0 : index
    %get3A_1 = arith.constant 0 : index
    %get3A_2 = vector.load %arg2[%get3A, %get3A_0, %get3A_1] : memref<2x400x128xf32, #tpu.memory_space<vmem>>, vector<1x400x128xf32>
    %get3A_3 = vector.shape_cast %get3A_2 : vector<1x400x128xf32> to vector<400x128xf32>
    %get3A_4 = arith.constant 1 : index
    %get3A_5 = arith.constant 0 : index
    %get3A_6 = arith.constant 0 : index
    %get3A_7 = vector.load %arg2[%get3A_4, %get3A_5, %get3A_6] : memref<2x400x128xf32, #tpu.memory_space<vmem>>, vector<1x400x128xf32>
    %get3A_8 = vector.shape_cast %get3A_7 : vector<1x400x128xf32> to vector<400x128xf32>
    %add3A = arith.addf %get3A_3, %get3A_8 : vector<400x128xf32>
    %get3A_9 = arith.constant 0 : index
    %get3A_10 = arith.constant 0 : index
    %get3A_11 = vector.load %arg3[%get3A_9, %get3A_10] : memref<400x32xf32, #tpu.memory_space<vmem>>, vector<400x32xf32>
    %reduce_sum3A = arith.constant dense<0.000000e+00> : vector<400xf32>
    %reduce_sum3A_12 = vector.multi_reduction <add>, %get3A_11, %reduce_sum3A [1] : vector<400x32xf32> to vector<400xf32>
    %max3A = arith.constant 1.000000e+00 : f32
    %max3A_13 = vector.broadcast %max3A : f32 to vector<400xf32>
    %max3A_14 = arith.maximumf %reduce_sum3A_12, %max3A_13 : vector<400xf32>
    %div3A = arith.constant 1.000000e+00 : f32
    %div3A_15 = vector.broadcast %div3A : f32 to vector<400xf32>
    %div3A_16 = arith.divf %div3A_15, %max3A_14 : vector<400xf32>
    %broadcast_in_dim3A = vector.shape_cast %div3A_16 : vector<400xf32> to vector<400x1xf32>
    %mul3A = vector.broadcast %broadcast_in_dim3A : vector<400x1xf32> to vector<400x128xf32>
    %mul3A_17 = arith.mulf %add3A, %mul3A : vector<400x128xf32>
    %get3A_18 = arith.constant 0 : index
    %get3A_19 = arith.constant 0 : index
    %get3A_20 = vector.load %arg1[%get3A_18, %get3A_19] : memref<400x128xf32, #tpu.memory_space<vmem>>, vector<400x128xf32>
    %get3A_21 = arith.constant 0 : index
    %get3A_22 = arith.constant 0 : index
    %get3A_23 = vector.load %arg4[%get3A_21, %get3A_22] : memref<128x128xf32, #tpu.memory_space<vmem>>, vector<128x128xf32>
    %dot_general3A = arith.constant dense<0.000000e+00> : vector<400x128xf32>
    %dot_general3A_24 = tpu.matmul %get3A_20, %get3A_23, %dot_general3A {dimension_numbers = #tpu.dot_dimension_numbers<[1], [0], [0], [1], [0, 0, 1, 1], [], []>, transpose_lhs_hint = false} : vector<400x128xf32>, vector<128x128xf32>, vector<400x128xf32> -> vector<400x128xf32>
    %get3A_25 = arith.constant 0 : index
    %get3A_26 = arith.constant 0 : index
    %get3A_27 = vector.load %arg5[%get3A_25, %get3A_26] : memref<128x128xf32, #tpu.memory_space<vmem>>, vector<128x128xf32>
    %dot_general3A_28 = arith.constant dense<0.000000e+00> : vector<400x128xf32>
    %dot_general3A_29 = tpu.matmul %mul3A_17, %get3A_27, %dot_general3A_28 {dimension_numbers = #tpu.dot_dimension_numbers<[1], [0], [0], [1], [0, 0, 1, 1], [], []>, transpose_lhs_hint = false} : vector<400x128xf32>, vector<128x128xf32>, vector<400x128xf32> -> vector<400x128xf32>
    %add3A_30 = arith.addf %dot_general3A_24, %dot_general3A_29 : vector<400x128xf32>
    %get3A_31 = arith.constant 0 : index
    %get3A_32 = arith.constant 0 : index
    %get3A_33 = vector.load %arg6[%get3A_31, %get3A_32] : memref<8x128xf32, #tpu.memory_space<vmem>>, vector<1x128xf32>
    %add3A_34 = vector.broadcast %get3A_33 : vector<1x128xf32> to vector<400x128xf32>
    %add3A_35 = arith.addf %add3A_30, %add3A_34 : vector<400x128xf32>
    %max3A_36 = arith.constant 0.000000e+00 : f32
    %max3A_37 = vector.broadcast %max3A_36 : f32 to vector<400x128xf32>
    %max3A_38 = arith.maximumf %add3A_35, %max3A_37 : vector<400x128xf32>
    %swap3A = arith.constant 0 : index
    %swap3A_39 = arith.constant 0 : index
    %swap3A_40 = vector.load %arg7[%swap3A, %swap3A_39] : memref<400x128xf32, #tpu.memory_space<vmem>>, vector<400x128xf32>
    tpu.vector_store %arg7[%swap3A, %swap3A_39], %max3A_38 {strides = array<i32>} : memref<400x128xf32, #tpu.memory_space<vmem>>, vector<400x128xf32>,
    return
  }
  func.func @transform_0(%arg0: i32) -> (i32, i32) {
    %c0_i32 = arith.constant 0 : i32
    %c0_i32_0 = arith.constant 0 : i32
    return %arg0, %c0_i32 : i32, i32
  }
  func.func @transform_1(%arg0: i32) -> (i32, i32, i32) {
    %c0_i32 = arith.constant 0 : i32
    %c0_i32_0 = arith.constant 0 : i32
    %c0_i32_1 = arith.constant 0 : i32
    return %c0_i32, %arg0, %c0_i32_0 : i32, i32, i32
  }
  func.func @transform_2(%arg0: i32) -> (i32, i32) {
    %c0_i32 = arith.constant 0 : i32
    %c0_i32_0 = arith.constant 0 : i32
    return %arg0, %c0_i32 : i32, i32
  }
  func.func @transform_3(%arg0: i32) -> (i32, i32) {
    %c0_i32 = arith.constant 0 : i32
    %c0_i32_0 = arith.constant 0 : i32
    %c0_i32_1 = arith.constant 0 : i32
    return %c0_i32, %c0_i32_0 : i32, i32
  }
  func.func @transform_4(%arg0: i32) -> (i32, i32) {
    %c0_i32 = arith.constant 0 : i32
    %c0_i32_0 = arith.constant 0 : i32
    %c0_i32_1 = arith.constant 0 : i32
    return %c0_i32, %c0_i32_0 : i32, i32
  }
  func.func @transform_5(%arg0: i32) -> (i32, i32) {
    %c0_i32 = arith.constant 0 : i32
    %c0_i32_0 = arith.constant 0 : i32
    %c0_i32_1 = arith.constant 0 : i32
    return %c0_i32, %c0_i32_0 : i32, i32
  }
  func.func @transform_6(%arg0: i32) -> (i32, i32) {
    %c0_i32 = arith.constant 0 : i32
    %c0_i32_0 = arith.constant 0 : i32
    return %arg0, %c0_i32 : i32, i32
  }
}

module attributes {stable_mosaic.version = 14 : i64} {
  func.func @_dense_body(%arg0: i32, %arg1: memref<400x128xf32, #tpu.memory_space<vmem>>, %arg2: memref<2x400x128xf32, #tpu.memory_space<vmem>>, %arg3: memref<400x32xf32, #tpu.memory_space<vmem>>, %arg4: memref<128x128xf32, #tpu.memory_space<vmem>>, %arg5: memref<128x128xf32, #tpu.memory_space<vmem>>, %arg6: memref<8x128xf32, #tpu.memory_space<vmem>>, %arg7: memref<400x128xf32, #tpu.memory_space<vmem>>) attributes {dimension_semantics = [#tpu.dimension_semantics<arbitrary>], iteration_bounds = array<i64: 25>, scalar_prefetch = 0 : i64, scratch_operands = 0 : i64, tpu.core_type = #tpu.core_type<tc>, window_params = [{transform_indices = @transform_0, window_bounds = array<i64: 400, 128>}, {transform_indices = @transform_1, window_bounds = array<i64: 2, 400, 128>}, {transform_indices = @transform_2, window_bounds = array<i64: 400, 32>}, {pipeline_mode = #tpu.pipeline_mode<synchronous>, transform_indices = @transform_3, window_bounds = array<i64: 128, 128>}, {pipeline_mode = #tpu.pipeline_mode<synchronous>, transform_indices = @transform_4, window_bounds = array<i64: 128, 128>}, {pipeline_mode = #tpu.pipeline_mode<synchronous>, transform_indices = @transform_5, window_bounds = array<i64: 8, 128>}, {transform_indices = @transform_6, window_bounds = array<i64: 400, 128>}]} {
    %get3A = arith.constant 0 : index
    %get3A_0 = arith.constant 0 : index
    %get3A_1 = arith.constant 0 : index
    %get3A_2 = vector.load %arg2[%get3A, %get3A_0, %get3A_1] : memref<2x400x128xf32, #tpu.memory_space<vmem>>, vector<1x400x128xf32>
    %get3A_3 = vector.shape_cast %get3A_2 : vector<1x400x128xf32> to vector<400x128xf32>
    %get3A_4 = arith.constant 1 : index
    %get3A_5 = arith.constant 0 : index
    %get3A_6 = arith.constant 0 : index
    %get3A_7 = vector.load %arg2[%get3A_4, %get3A_5, %get3A_6] : memref<2x400x128xf32, #tpu.memory_space<vmem>>, vector<1x400x128xf32>
    %get3A_8 = vector.shape_cast %get3A_7 : vector<1x400x128xf32> to vector<400x128xf32>
    %add3A = arith.addf %get3A_3, %get3A_8 : vector<400x128xf32>
    %get3A_9 = arith.constant 0 : index
    %get3A_10 = arith.constant 0 : index
    %get3A_11 = vector.load %arg3[%get3A_9, %get3A_10] : memref<400x32xf32, #tpu.memory_space<vmem>>, vector<400x32xf32>
    %reduce_sum3A = arith.constant dense<0.000000e+00> : vector<400xf32>
    %reduce_sum3A_12 = vector.multi_reduction <add>, %get3A_11, %reduce_sum3A [1] : vector<400x32xf32> to vector<400xf32>
    %max3A = arith.constant 1.000000e+00 : f32
    %max3A_13 = vector.broadcast %max3A : f32 to vector<400xf32>
    %max3A_14 = arith.maximumf %reduce_sum3A_12, %max3A_13 : vector<400xf32>
    %div3A = arith.constant 1.000000e+00 : f32
    %div3A_15 = vector.broadcast %div3A : f32 to vector<400xf32>
    %div3A_16 = arith.divf %div3A_15, %max3A_14 : vector<400xf32>
    %broadcast_in_dim3A = vector.shape_cast %div3A_16 : vector<400xf32> to vector<400x1xf32>
    %mul3A = vector.broadcast %broadcast_in_dim3A : vector<400x1xf32> to vector<400x128xf32>
    %mul3A_17 = arith.mulf %add3A, %mul3A : vector<400x128xf32>
    %get3A_18 = arith.constant 0 : index
    %get3A_19 = arith.constant 0 : index
    %get3A_20 = vector.load %arg1[%get3A_18, %get3A_19] : memref<400x128xf32, #tpu.memory_space<vmem>>, vector<400x128xf32>
    %get3A_21 = arith.constant 0 : index
    %get3A_22 = arith.constant 0 : index
    %get3A_23 = vector.load %arg4[%get3A_21, %get3A_22] : memref<128x128xf32, #tpu.memory_space<vmem>>, vector<128x128xf32>
    %dot_general3A = arith.constant dense<0.000000e+00> : vector<400x128xf32>
    %dot_general3A_24 = tpu.matmul %get3A_20, %get3A_23, %dot_general3A {dimension_numbers = #tpu.dot_dimension_numbers<[1], [0], [0], [1], [0, 0, 1, 1], [], []>, transpose_lhs_hint = false} : vector<400x128xf32>, vector<128x128xf32>, vector<400x128xf32> -> vector<400x128xf32>
    %get3A_25 = arith.constant 0 : index
    %get3A_26 = arith.constant 0 : index
    %get3A_27 = vector.load %arg5[%get3A_25, %get3A_26] : memref<128x128xf32, #tpu.memory_space<vmem>>, vector<128x128xf32>
    %dot_general3A_28 = arith.constant dense<0.000000e+00> : vector<400x128xf32>
    %dot_general3A_29 = tpu.matmul %mul3A_17, %get3A_27, %dot_general3A_28 {dimension_numbers = #tpu.dot_dimension_numbers<[1], [0], [0], [1], [0, 0, 1, 1], [], []>, transpose_lhs_hint = false} : vector<400x128xf32>, vector<128x128xf32>, vector<400x128xf32> -> vector<400x128xf32>
    %add3A_30 = arith.addf %dot_general3A_24, %dot_general3A_29 : vector<400x128xf32>
    %get3A_31 = arith.constant 0 : index
    %get3A_32 = arith.constant 0 : index
    %get3A_33 = vector.load %arg6[%get3A_31, %get3A_32] : memref<8x128xf32, #tpu.memory_space<vmem>>, vector<1x128xf32>
    %add3A_34 = vector.broadcast %get3A_33 : vector<1x128xf32> to vector<400x128xf32>
    %add3A_35 = arith.addf %add3A_30, %add3A_34 : vector<400x128xf32>
    %max3A_36 = arith.constant 0.000000e+00 : f32
    %max3A_37 = vector.broadcast %max3A_36 : f32 to vector<400x128xf32>
    %max3A_38 = arith.maximumf %add3A_35, %max3A_37 : vector<400x128xf32>
    %swap3A = arith.constant 0 : index
    %swap3A_39 = arith.constant 0 : index
    %swap3A_40 = vector.load %arg7[%swap3A, %swap3A_39] : memref<400x128xf32, #tpu.memory_space<vmem>>, vector<400x128xf32>
    tpu.vector_store %arg7[%swap3A, %swap3A_39], %max3A_38 {strides = array<i32>} : memref<400x128xf32, #tpu.memory_space<vmem>>, vector<400x128xf32>,
    return
  }
  func.func @transform_0(%arg0: i32) -> (i32, i32) {
    %c0_i32 = arith.constant 0 : i32
    %c0_i32_0 = arith.constant 0 : i32
    return %arg0, %c0_i32 : i32, i32
  }
  func.func @transform_1(%arg0: i32) -> (i32, i32, i32) {
    %c0_i32 = arith.constant 0 : i32
    %c0_i32_0 = arith.constant 0 : i32
    %c0_i32_1 = arith.constant 0 : i32
    return %c0_i32, %arg0, %c0_i32_0 : i32, i32, i32
  }
  func.func @transform_2(%arg0: i32) -> (i32, i32) {
    %c0_i32 = arith.constant 0 : i32
    %c0_i32_0 = arith.constant 0 : i32
    return %arg0, %c0_i32 : i32, i32
  }
  func.func @transform_3(%arg0: i32) -> (i32, i32) {
    %c0_i32 = arith.constant 0 : i32
    %c0_i32_0 = arith.constant 0 : i32
    %c0_i32_1 = arith.constant 0 : i32
    return %c0_i32, %c0_i32_0 : i32, i32
  }
  func.func @transform_4(%arg0: i32) -> (i32, i32) {
    %c0_i32 = arith.constant 0 : i32
    %c0_i32_0 = arith.constant 0 : i32
    %c0_i32_1 = arith.constant 0 : i32
    return %c0_i32, %c0_i32_0 : i32, i32
  }
  func.func @transform_5(%arg0: i32) -> (i32, i32) {
    %c0_i32 = arith.constant 0 : i32
    %c0_i32_0 = arith.constant 0 : i32
    %c0_i32_1 = arith.constant 0 : i32
    return %c0_i32, %c0_i32_0 : i32, i32
  }
  func.func @transform_6(%arg0: i32) -> (i32, i32) {
    %c0_i32 = arith.constant 0 : i32
    %c0_i32_0 = arith.constant 0 : i32
    return %arg0, %c0_i32 : i32, i32
  }
}

</mosaic_0001>

<sc_bundles>
// kernel: kernel.6.cloned.1.call-start
scs
__scs_entry_jumppad:
0x0: {  	(pc) =	sbr.rel $0x88, $3  }
0x1: {  	(tag) =	ssettag $0x0;
	lr =	simm.s32 $0x1  }
0x2: {  	[smem:$0x3F99] =	sst lr;
	_ =	strace $0xD0000000  }
0x3: {  	_ = 	snop  }
0x4: {  	_ = 	snop  }
0x5: {  	_ = 	snop  }
0x6: {  	_ = 	snop  }
0x7: {  	_ = 	snop  }
__scs_overlays_trampoline_lowered:
0x8: {  	[smem:$0x3FA8] =	sst s0  }
0x9: {  	[smem:$0x3FA9] =	sst s1  }
0xa: {  	[smem:$0x3FAA] =	sst s2  }
0xb: {  	[smem:$0x3FAB] =	sst s3  }
0xc: {  	[smem:$0x3FAC] =	sst s4  }
0xd: {  	[smem:$0x3FAD] =	sst s5  }
0xe: {  	[smem:$0x3FAE] =	sst s6  }
0xf: {  	[smem:$0x3FAF] =	sst s7  }
0x10: {  	[smem:$0x3FB0] =	sst s8  }
0x11: {  	[smem:$0x3FB1] =	sst s9;
	s0 =	simm.s32 @!p0 $0x0  }
0x12: {  	s1 =	sld [smem:$0x3F97];
	s0 =	simm.s32 @p0 $0x1  }
0x13: {  	[smem:$0x3FB2] =	sst s0;
	s0 =	simm.s32 @!p1 $0x0  }
0x14: {  	s2 =	sld [smem:$0x3F96];
	s0 =	simm.s32 @p1 $0x1  }
0x15: {  	[smem:$0x3FB3] =	sst s0;
	s0 =	simm.s32 @!p2 $0x0  }
0x16: {  	s3 =	sld [smem:$0x3FDB];
	s0 =	simm.s32 @p2 $0x1  }
0x17: {  	s4 =	simm.s32 $0x1BF5;
	[smem:$0x3FB5] =	sst s0  }
0x18: {  	s0 =	sld [smem:$0x3F98];
	_ =	swait.ge [sflag:s4], $0x0  }
0x19: {  	s7 =	sld [smem:$0x3F99]  }
0x1a: {  	s8 =	sadd.s32 $0xFFFFE003, lr  }
0x1b: {  	s9 =	sadd.s32 $0xFFFFFEF7, lr;
	s5 =	simm.s32 $0xFFFFFFFF;
	p2 =	slt.u32 s8, $0xFFFFF086  }
0x1c: {  	p1 =	slt.u32 s9, $0xF7A;
	s5 =	simm.s32 @!p2 $0x0  }
0x1d: {  	s5 =	simm.s32 @p1 $0x1;
	p0 =	seq.s32 s7, s2  }
0x1e: {  	s7 =	smul.u32 @!p0 $0xF7A, s2;
	p2 =	seq.s32 @!p0 s5, $0x0  }
0x1f: {  	s9 =	smul.u32 $0xF7A, s1;
	s8 =	simm.s32 @!p0 $0x1BF5;
	p2 =	por !p2, p0  }
0x20: {  	[sflag:s8] =	ssyncset.s32 @!p0 $0xFFFFF086;
	s6 =	sadd.s32 @!p0 s3, s7;
	s7 =	simm.s32 @!p0 $0x108  }
0x21: {  	s3 =	sadd.s32 s3, s9;
	s6 =	sadd.s32 @!p0 $0x88, s6;
	s7 =	simm.s32 @p2 $0x1082  }
0x22: {  	[simem:s7], [sflag:s8] =	dma.local @!p0 [hbm:s6], $0xF7A  }
0x23: {  	s9 =	sor.u32 $0xD0000000, s2;
	s6 =	simm.s32 $0x108;
	_ =	swait.ge @!p0 [sflag:s8], $0x0  }
0x24: {  	s3 =	sadd.s32 $0x88, s3;
	s6 =	simm.s32 @!p1 $0x1082;
	[sflag:s4] =	ssyncset.s32 $0xFFFFF086  }
0x25: {  	[simem:s6], [sflag:s4] =	dma.local [hbm:s3], $0xF7A  }
0x26: {  	[smem:$0x3F99] =	sst s1;
	(tag) =	ssettag s2;
	_ =	strace s9  }
0x27: {  	s1 =	sld [smem:$0x3FA9]  }
0x28: {  	s2 =	sld [smem:$0x3FAA]  }
0x29: {  	s4 =	sld [smem:$0x3FAC]  }
0x2a: {  	p0 =	seq.s32 s5, $0x0;
	s5 =	sld [smem:$0x3FAD]  }
0x2b: {  	s6 =	sld [smem:$0x3FAE]  }
0x2c: {  	s7 =	sld [smem:$0x3FAF]  }
0x2d: {  	s3 =	simm.s32 $0x108;
	s8 =	sld [smem:$0x3FB0]  }
0x2e: {  	s3 =	simm.s32 @!p0 $0x1082;
	s9 =	sld [smem:$0x3FB1]  }
0x2f: {  	lr =	sadd.s32 s0, s3;
	s0 =	sld [smem:$0x3FA8]  }
0x30: {  	s3 =	sld [smem:$0x3FAB]  }
0x31: {  	[smem:$0x3FB4] =	sst s10  }
0x32: {  	s10 =	sld [smem:$0x3FB2];
	_ =	sdelay $0x3  }
0x33: {  	p0 =	seq.s32 s10, $0x1;
	s10 =	sld [smem:$0x3FB4];
	_ =	sdelay $0x3  }
0x34: {  	[smem:$0x3FB4] =	sst s10  }
0x35: {  	s10 =	sld [smem:$0x3FB3];
	_ =	sdelay $0x3  }
0x36: {  	p1 =	seq.s32 s10, $0x1;
	s10 =	sld [smem:$0x3FB4];
	_ =	sdelay $0x3  }
0x37: {  	[smem:$0x3FB4] =	sst s10  }
0x38: {  	s10 =	sld [smem:$0x3FB5]  }
0x39: {  	_ = 	snop;
	(pc) =	sbr.ind lr, $3  }
0x3a: {  	_ = 	snop  }
0x3b: {  	_ = 	snop  }
0x3c: {  	p2 =	seq.s32 s10, $0x1;
	s10 =	sld [smem:$0x3FB4]  }
0x3d: {  	_ =	shalt  }
0x3e: {  	_ =	shalt  }
0x3f: {  	_ =	shalt  }
0x40: {  	_ =	shalt  }
0x41: {  	_ =	shalt  }
0x42: {  	_ =	shalt  }
0x43: {  	_ =	shalt  }
0x44: {  	_ =	shalt  }
0x45: {  	_ =	shalt  }
0x46: {  	_ =	shalt  }
0x47: {  	_ =	shalt  }
0x48: {  	_ =	shalt  }
0x49: {  	_ =	shalt  }
0x4a: {  	_ =	shalt  }
0x4b: {  	_ =	shalt  }
0x4c: {  	_ =	shalt  }
0x4d: {  	_ =	shalt  }
0x4e: {  	_ =	shalt  }
0x4f: {  	_ =	shalt  }
0x50: {  	_ =	shalt  }
0x51: {  	_ =	shalt  }
0x52: {  	_ =	shalt  }
0x53: {  	_ =	shalt  }
0x54: {  	_ =	shalt  }
0x55: {  	_ =	shalt  }
0x56: {  	_ =	shalt  }
0x57: {  	_ =	shalt  }
0x58: {  	_ =	shalt  }
0x59: {  	_ =	shalt  }
0x5a: {  	_ =	shalt  }
0x5b: {  	_ =	shalt  }
0x5c: {  	_ =	shalt  }
0x5d: {  	_ =	shalt  }
0x5e: {  	_ =	shalt  }
0x5f: {  	_ =	shalt  }
0x60: {  	_ =	shalt  }
0x61: {  	_ =	shalt  }
0x62: {  	_ =	shalt  }
0x63: {  	_ =	shalt  }
0x64: {  	_ =	shalt  }
0x65: {  	_ =	shalt  }
0x66: {  	_ =	shalt  }
0x67: {  	_ =	shalt  }
0x68: {  	_ =	shalt  }
0x69: {  	_ =	shalt  }
0x6a: {  	_ =	shalt  }
0x6b: {  	_ =	shalt  }
0x6c: {  	_ =	shalt  }
0x6d: {  	_ =	shalt  }
0x6e: {  	_ =	shalt  }
0x6f: {  	_ =	shalt  }
0x70: {  	_ =	shalt  }
0x71: {  	_ =	shalt  }
0x72: {  	_ =	shalt  }
0x73: {  	_ =	shalt  }
0x74: {  	_ =	shalt  }
0x75: {  	_ =	shalt  }
0x76: {  	_ =	shalt  }
0x77: {  	_ =	shalt  }
0x78: {  	_ =	shalt  }
0x79: {  	_ =	shalt  }
0x7a: {  	_ =	shalt  }
0x7b: {  	_ =	shalt  }
0x7c: {  	_ =	shalt  }
0x7d: {  	_ =	shalt  }
0x7e: {  	_ =	shalt  }
0x7f: {  	_ =	shalt  }
0x80: {  	_ =	shalt  }
0x81: {  	_ =	shalt  }
0x82: {  	_ =	shalt  }
0x83: {  	_ =	shalt  }
0x84: {  	_ =	shalt  }
0x85: {  	_ =	shalt  }
0x86: {  	_ =	shalt  }
0x87: {  	_ =	shalt  }
.Lfunc_end0:
.L_simem_size_0:
called_computation_lowered:
.L_overlay_start_0:
0x88: {  	s2 =	sld [smem:$0x3FD9]  }
0x89: {  	s3 =	sld [smem:$0x3FFE];
	_ =	sdelay $0x1  }
0x8a: {  	s1 =	srdreg.scid  }
0x8b: {  	s0 =	sand.u32 $0x1, s1  }
0x8c: {  	s17 =	sshll.u32 s0, $0xA;
	s2 =	sadd.s32 s3, s2  }
0x8d: {  	s2 =	sadd.s32 s2, s17  }
0x8e: {  	[smem:$0x3FC0] =	sst s2  }
0x8f: {  	_ = 	snop  }
0x90: {  	s2 =	sld [smem:$0x3FC8]  }
0x91: {  	s18 =	sld [smem:$0x3FD0];
	(tm) =	ssettm $0x1  }
0x92: {  	s4 =	sld [smem:$0x3FFB];
	_ =	sdelay $0x3  }
0x93: {  	_ =	strace s4  }
0x94: {  	s4 =	sld [smem:$0x3FFC];
	_ =	sdelay $0x3  }
0x95: {  	_ =	strace s4  }
0x96: {  	s4 =	sld [smem:$0x3FFD];
	_ =	sdelay $0x3  }
0x97: {  	_ =	strace s4  }
0x98: {  	_ =	strace $0x8FFFFFFF  }
0x99: {  	s19 =	sld [smem:$0x3FDB];
	_ =	sdelay $0x1  }
0x9a: {  	s5 =	simm.s32 $_scs_section_size  }
0x9b: {  	s6 =	simm.s32 $_size__tile_overlayer_lowered;
	s7 =	simm.s32 $_tile_overlayer_lowered  }
0x9c: {  	s22 =	simm.s32 $0x1BFF;
	s21 =	sshll.u32 s7, $0x1;
	s4 =	sadd.s32 s5, s19  }
0x9d: {  	s8 =	simm.s32 $0x0;
	s20 =	sshll.u32 s6, $0x1;
	s6 =	sadd.s32 s21, s4  }
0x9e: {  	[timem:s8], [sflag:s22] =	dma.local [hbm:s6], s20  }
0x9f: {  	_ =	swait.ge [sflag:s22], s20  }
0xa0: {  	s5 =	ssub.s32 $0x0, s20;
	[sflag:s22] =	ssyncset.done $0x0  }
0xa1: {  	[sflag:s22] =	ssyncadd.s32 s5;
	_ =	sdelay $0x1  }
0xa2: {  	s23 =	simm.s32 $0x1B8B  }
0xa3: {  	_ =	swait.ge [sflag:s23], $0x1  }
0xa4: {  	[sflag:s23] =	ssyncset.done $0x0  }
0xa5: {  	s25 =	simm.s32 $0x1B8E;
	s24 =	sld [smem:$0x3FFE];
	[sflag:s23] =	ssyncadd.s32 $0xFFFFFFFF  }
0xa6: {  	s26 =	simm.s32 $execute0_lowered;
	[smem:$0x3FD2] =	sst s25  }
0xa7: {  	s6 =	sshll.u32 s26, $0x1;
	_ =	strace $0x80000046;
	[dreg:$0x1] =	wrdreg $0xFFFFFFFF  }
0xa8: {  	s28 =	simm.s32 $_size_execute0_lowered;
	s4 =	sadd.s32 s4, s6;
	[dreg:$0x0] =	wrdreg $0x0  }
0xa9: {  	s6 =	sshll.u32 s28, $0x1;
	[dreg:$0x2] =	wrdreg s4  }
0xaa: {  	[dreg:$0x3] =	wrdreg s6  }
0xab: {  	[dreg:$0x4] =	wrdreg $0xC0  }
0xac: {  	_ =	task [dreg:s8], $0x5FFFF  }
0xad: {  	[dreg:$0x1] =	wrdreg $0xFFFFFFFF  }
0xae: {  	[dreg:$0x0] =	wrdreg $0x60  }
0xaf: {  	[dreg:$0x2] =	wrdreg s24  }
0xb0: {  	[dreg:$0x3] =	wrdreg s2  }
0xb1: {  	[dreg:$0x4] =	wrdreg s18  }
0xb2: {  	[dreg:$0x5] =	wrdreg $0xB8000  }
0xb3: {  	[dreg:$0x6] =	wrdreg $0x9  }
0xb4: {  	_ =	task.clear_ibuf [dreg:s8], $0x7FFFF;
	_ =	strace $0x90000046  }
0xb5: {  	s29 =	simm.s32 $0x9;
	_ =	strace $0x80000048  }
0xb6: {  	_ =	swait.ge [sflag:s29], $0x1  }
0xb7: {  	[sflag:s29] =	ssyncadd.s32 $0xFFFFFFFF  }
0xb8: {  	_ =	strace $0x90000048  }
0xb9: {  	_ =	sfence  }
0xba: {  	s30 =	sld [smem:$0x0];
	_ =	sdelay $0x2  }
0xbb: {  	s31 =	sshll.u32 s1, $0xD;
	s1 =	sshrl.u32 s1, $0x2  }
0xbc: {  	s3 =	sand.u32 $0x4000, s31;
	s1 =	sadd.s32 s1, s30  }
0xbd: {  	s0 =	sor.u32 s3, s0;
	s1 =	sshll.u32 s1, $0x11  }
0xbe: {  	s0 =	sor.u32 s1, s0  }
0xbf: {  	s0 =	sadd.s32 $0x8F2B, s0  }
0xc0: {  	[sflag:s0] =	ssyncadd.remote.s32 $0x1  }
0xc1: {  	_ =	sfence.sel $0xFFFF  }
0xc2: {  	[dreg:$0x0] =	wrdreg $0xFFFFFFFF;
	(pc) =	sbr.abs _section_cstart, $3  }
0xc3: {  	[dreg:$0x1] =	wrdreg $0xFFFFFFFF  }
0xc4: {  	_ =	task.clear_ibuf [dreg:s8], $0x2FFFF;
	_ =	strace $0x9FFFFFFF  }
0xc5: {  	(tm) =	ssettm $0x7FFFFFFF  }
tec
execute0_lowered:
.L_overlay_start_1:
0x0: {  	(tag) =	ssettag $0x1  }
0x1: {  	s0 =	rddreg [dreg:$0x0]  }
0x2: {  	s1 =	rddreg [dreg:$0x1]  }
0x3: {  	s3 =	rddreg [dreg:$0x2]  }
0x4: {  	s2 =	rddreg [dreg:$0x3];
	s5 =	srdreg.scid  }
0x5: {  	s4 =	simm.s32 $0x0;
	s13 =	stileid.u32;
	s28 =	simm.s32 $0x80  }
0x6: {  	s29 =	simm.s32 $0x5000;
	s30 =	simm.s32 $0x1000;
	s31 =	simm.s32 $0x4  }
0x7: {  	s6 =	sand.u32 $0x1, s5;
	[smem:$0x7FF] =	sst s4;
	s8 =	smul.u32 $0x14000, s13  }
0x8: {  	s11 =	sadd.s32 $0x16E00, s0;
	s16 =	sadd.s32 $0x16800, s0;
	s12 =	smul.u32 $0x50000, s13  }
0x9: {  	s23 =	sshll.u32 s13, $0x7;
	_ =	strace $0x80000047;
	[dreg:$0x6] =	wrdreg s11  }
0xa: {  	s7 =	smul.u32 $0x140000, s6;
	s5 =	sshll.u32 s6, $0x4;
	[dreg:$0x7] =	wrdreg s16  }
0xb: {  	s6 =	ssub.s32 $0x2, s6;
	s9 =	sor.u32 s13, s5;
	s5 =	sadd.s32 $0x2800, s0  }
0xc: {  	s18 =	sshrl.u32 s6, $0x1;
	s21 =	sshrl.u32 s12, $0x2;
	s10 =	smul.u32 $0x2800, s9  }
0xd: {  	s7 =	sadd.s32 s8, s7;
	s6 =	ssub.s32 s6, s18;
	s9 =	sshrl.u32 s9, $0x3  }
0xe: {  	s11 =	sadd.s32 s21, s2;
	s21 =	simm.s32 $0x400;
	s7 =	sshrl.u32 s7, $0x3  }
0xf: {  	s22 =	smul.u32 $0x14000, s9;
	s25 =	sadd.s32 $0x4000, s11;
	s9 =	sand.u32 $0x380, s23  }
0x10: {  	s14 =	sadd.s32 $0x8000, s11;
	s15 =	sadd.s32 $0xC000, s11;
	s16 =	sadd.s32 $0x10000, s11  }
0x11: {  	s23 =	simm.s32 $0x9000;
	s17 =	sshrl.u32 s10, $0x3;
	s0 =	sadd.s32 s7, s0  }
0x12: {  	[dreg:$0xb] =	wrdreg s25;
	s26 =	sadd.s32 $0x800, s10;
	s25 =	simm.s32 $0x1  }
0x13: {  	s8 =	sadd.s32 s5, s17;
	s7 =	sor.u32 s9, s22;
	[dreg:$0x5] =	wrdreg s26  }
0x14: {  	s17 =	sadd.s32 $0x17600, s0;
	s26 =	simm.s32 $0x2;
	s19 =	sadd.s32 $0xA000, s8  }
0x15: {  	s0 =	simm.s32 $0x5;
	s20 =	sadd.s32 $0x80, s8;
	[dreg:$0x8] =	wrdreg s19  }
0x16: {  	s24 =	sadd.s32 $0xA080, s8;
	s7 =	sshrl.u32 s7, $0x3;
	[dreg:$0x9] =	wrdreg s20  }
0x17: {  	s22 =	simm.s32 $0x0;
	[dreg:$0xa] =	wrdreg s24;
	s18 =	sadd.s32 s3, s7  }
0x18: {  	v0 =	vimm.f32 $1.000000000e+00;
	s19 =	smax.u32 s6, $0x1;
	s24 =	simm.s32 $0x6;
	s20 =	simm.s32 $0x3  }
.LBB2_1:
0x19: {  	[tilespmem:s4], [sflag:$0x2] =	stream.linear.gather [hbm4b:s8+s4], $0x400, $0x38;
	[tilespmem:$0x1F800] =	vst v63  }
0x1a: {  	s3 =	rddreg [dreg:$0x8];
	s6 =	simm.s32 $0x800  }
0x1b: {  	[tilespmem:s6], [sflag:$0x2] =	stream.linear.gather [hbm4b:s3+s4], $0x400, $0x38;
	[tilespmem:$0x1F800] =	vst v63  }
0x1c: {  	s6 =	rddreg [dreg:$0x9]  }
0x1d: {  	[tilespmem:s21], [sflag:$0x3] =	stream.linear.gather [hbm4b:s6+s4], $0x400, $0x38;
	[tilespmem:$0x1F800] =	vst v63  }
0x1e: {  	s7 =	rddreg [dreg:$0xa];
	s9 =	simm.s32 $0xC00  }
0x1f: {  	[tilespmem:s9], [sflag:$0x3] =	stream.linear.gather [hbm4b:s7+s4], $0x400, $0x38;
	[tilespmem:$0x1F800] =	vst v63  }
0x20: {  	s10 =	rddreg [dreg:$0x7]  }
0x21: {  	[tilespmem:s23], [sflag:$0x1] =	stream.linear.gather [hbm4b:s10+s4], $0x2800, $0x38;
	[tilespmem:$0x1F800] =	vst v63  }
0x22: {  	s12 =	rddreg [dreg:$0x6]  }
0x23: {  	[tilespmem:s30], [sflag:$0x6] =	stream.linear.gather [hbm4b:s12+s4], $0x4000, $0x38;
	[tilespmem:$0x1F800] =	vst v63  }
0x24: {  	_ =	swait.ge [sflag:s24], $0x4000  }
0x25: {  	[sflag:s24] =	ssyncset.done $0x0  }
0x26: {  	[sflag:s24] =	ssyncadd.s32 $0xFFFFC000  }
0x27: {  	[spmem:s11] =	stream.linear.scatter [tilespmem:s30], [sflag:$0x6], $0x4000, $0x38;
	[tilespmem:$0x1F800] =	vst v63  }
0x28: {  	_ =	swait.ge [sflag:s24], $0x4000  }
0x29: {  	[sflag:s24] =	ssyncset.done $0x0  }
0x2a: {  	s13 =	rddreg [dreg:$0xb];
	[sflag:s24] =	ssyncadd.s32 $0xFFFFC000  }
0x2b: {  	[spmem:s13] =	stream.linear.scatter [tilespmem:s30], [sflag:$0x6], $0x4000, $0x38;
	[tilespmem:$0x1F800] =	vst v63  }
0x2c: {  	_ =	swait.ge [sflag:s24], $0x4000  }
0x2d: {  	[sflag:s24] =	ssyncset.done $0x0  }
0x2e: {  	[sflag:s24] =	ssyncadd.s32 $0xFFFFC000  }
0x2f: {  	[spmem:s14] =	stream.linear.scatter [tilespmem:s30], [sflag:$0x6], $0x4000, $0x38;
	[tilespmem:$0x1F800] =	vst v63  }
0x30: {  	_ =	swait.ge [sflag:s24], $0x4000  }
0x31: {  	[sflag:s24] =	ssyncset.done $0x0  }
0x32: {  	[sflag:s24] =	ssyncadd.s32 $0xFFFFC000  }
0x33: {  	[spmem:s15] =	stream.linear.scatter [tilespmem:s30], [sflag:$0x6], $0x4000, $0x38;
	[tilespmem:$0x1F800] =	vst v63  }
0x34: {  	_ =	swait.ge [sflag:s24], $0x4000  }
0x35: {  	[sflag:s24] =	ssyncset.done $0x0  }
0x36: {  	[sflag:s24] =	ssyncadd.s32 $0xFFFFC000  }
0x37: {  	[spmem:s16] =	stream.linear.scatter [tilespmem:s30], [sflag:$0x6], $0x4000, $0x38;
	[tilespmem:$0x1F800] =	vst v63  }
0x38: {  	_ =	swait.ge [sflag:s24], $0x4000  }
0x39: {  	[sflag:s24] =	ssyncset.done $0x0  }
0x3a: {  	[sflag:s24] =	ssyncadd.s32 $0xFFFFC000  }
0x3b: {  	_ =	swait.ge [sflag:s25], $0x2800  }
0x3c: {  	[sflag:s25] =	ssyncset.done $0x0  }
0x3d: {  	[sflag:s25] =	ssyncadd.s32 $0xFFFFD800  }
0x3e: {  	_ =	swait.ge [sflag:s26], $0x400  }
0x3f: {  	[sflag:s26] =	ssyncset.done $0x0  }
0x40: {  	[sflag:s26] =	ssyncadd.s32 $0xFFFFFC00  }
0x41: {  	_ =	swait.ge [sflag:s26], $0x400  }
0x42: {  	[sflag:s26] =	ssyncset.done $0x0  }
0x43: {  	s3 =	simm.s32 $0x1000;
	[sflag:s26] =	ssyncadd.s32 $0xFFFFFC00  }
0x44: {  	s6 =	simm.s32 $0x0;
	s7 =	simm.s32 $0x0;
	[bflag:$0x0] =	sbarrier.arrive $0xFFFF  }
0x45: {  	[tilespmem:s30], [sflag:$0x1] =	stream.indirect.gather [hbm4b:s1+s28], $0x80, s4, s28, $0xb8;
	[tilespmem:$0x1F800] =	vst v63  }
.LBB2_2:
0x46: {  	_ =	swait.ge [sflag:s25], $0x4000  }
0x47: {  	p0 =	seq.s32 s6, $0x0;
	[sflag:s25] =	ssyncset.done $0x0  }
0x48: {  	s10 =	simm.s32 @!p0 $0x5;
	[sflag:s25] =	ssyncadd.s32 $0xFFFFC000  }
0x49: {  	_ =	swait.ge @!p0 [sflag:s10], $0x4000  }
0x4a: {  	s9 =	sand.u32 $0x400, s6;
	[sflag:s10] =	ssyncset.done @!p0 $0x0  }
0x4b: {  	s12 =	sor.u32 $0x80, s9;
	[sflag:s10] =	ssyncadd.s32 @!p0 $0xFFFFC000  }
0x4c: {  	[tilespmem:s29], [sflag:$0x2] =	stream.indirect.gather [hbm4b:s1+s28], $0x80, s12, s28, $0xb8;
	[tilespmem:$0x1F800] =	vst v63  }
0x4d: {  	s10 =	sor.u32 $0x800, s9  }
0x4e: {  	[spmem:s2] =	stream.indirect.scatter.add.f32 [tilespmem:s30], [sflag:$0x4], $0x80, s10, s28, $0xb8;
	[tilespmem:$0x1F800] =	vst v63  }
0x4f: {  	v1 =	vld [tilespmem:s9+$0x800];
	_ =	sdelay $0x7  }
0x50: {  	[tilespmem:v1+s23+$0x0] =	vst.idx.add.f32.msk $0xffff, v0  }
0x51: {  	v1 =	vld [tilespmem:s9+$0x810];
	_ =	sdelay $0x7  }
0x52: {  	[tilespmem:v1+s23+$0x0] =	vst.idx.add.f32.msk $0xffff, v0  }
0x53: {  	v1 =	vld [tilespmem:s9+$0x820];
	_ =	sdelay $0x7  }
0x54: {  	[tilespmem:v1+s23+$0x0] =	vst.idx.add.f32.msk $0xffff, v0  }
0x55: {  	v1 =	vld [tilespmem:s9+$0x830];
	_ =	sdelay $0x7  }
0x56: {  	[tilespmem:v1+s23+$0x0] =	vst.idx.add.f32.msk $0xffff, v0  }
0x57: {  	v1 =	vld [tilespmem:s9+$0x840];
	_ =	sdelay $0x7  }
0x58: {  	[tilespmem:v1+s23+$0x0] =	vst.idx.add.f32.msk $0xffff, v0  }
0x59: {  	v1 =	vld [tilespmem:s9+$0x850];
	_ =	sdelay $0x7  }
0x5a: {  	[tilespmem:v1+s23+$0x0] =	vst.idx.add.f32.msk $0xffff, v0  }
0x5b: {  	v1 =	vld [tilespmem:s9+$0x860];
	_ =	sdelay $0x7  }
0x5c: {  	[tilespmem:v1+s23+$0x0] =	vst.idx.add.f32.msk $0xffff, v0  }
0x5d: {  	v1 =	vld [tilespmem:s9+$0x870];
	_ =	sdelay $0x7  }
0x5e: {  	[tilespmem:v1+s23+$0x0] =	vst.idx.add.f32.msk $0xffff, v0  }
0x5f: {  	_ =	swait.ge [sflag:s26], $0x4000  }
0x60: {  	[sflag:s26] =	ssyncset.done $0x0  }
0x61: {  	[sflag:s26] =	ssyncadd.s32 $0xFFFFC000  }
0x62: {  	_ =	swait.ge [sflag:s31], $0x4000  }
0x63: {  	[sflag:s31] =	ssyncset.done $0x0  }
0x64: {  	s12 =	sor.u32 $0x100, s9;
	[sflag:s31] =	ssyncadd.s32 $0xFFFFC000  }
0x65: {  	[tilespmem:s30], [sflag:$0x1] =	stream.indirect.gather [hbm4b:s1+s28], $0x80, s12, s28, $0xb8;
	[tilespmem:$0x1F800] =	vst v63  }
0x66: {  	s13 =	sor.u32 $0x880, s9  }
0x67: {  	[spmem:s2] =	stream.indirect.scatter.add.f32 [tilespmem:s29], [sflag:$0x5], $0x80, s13, s28, $0xb8;
	[tilespmem:$0x1F800] =	vst v63  }
0x68: {  	v1 =	vld [tilespmem:s9+$0x880];
	_ =	sdelay $0x7  }
0x69: {  	[tilespmem:v1+s23+$0x0] =	vst.idx.add.f32.msk $0xffff, v0  }
0x6a: {  	v1 =	vld [tilespmem:s9+$0x890];
	_ =	sdelay $0x7  }
0x6b: {  	[tilespmem:v1+s23+$0x0] =	vst.idx.add.f32.msk $0xffff, v0  }
0x6c: {  	v1 =	vld [tilespmem:s9+$0x8A0];
	_ =	sdelay $0x7  }
0x6d: {  	[tilespmem:v1+s23+$0x0] =	vst.idx.add.f32.msk $0xffff, v0  }
0x6e: {  	v1 =	vld [tilespmem:s9+$0x8B0];
	_ =	sdelay $0x7  }
0x6f: {  	[tilespmem:v1+s23+$0x0] =	vst.idx.add.f32.msk $0xffff, v0  }
0x70: {  	v1 =	vld [tilespmem:s9+$0x8C0];
	_ =	sdelay $0x7  }
0x71: {  	[tilespmem:v1+s23+$0x0] =	vst.idx.add.f32.msk $0xffff, v0  }
0x72: {  	v1 =	vld [tilespmem:s9+$0x8D0];
	_ =	sdelay $0x7  }
0x73: {  	[tilespmem:v1+s23+$0x0] =	vst.idx.add.f32.msk $0xffff, v0  }
0x74: {  	v1 =	vld [tilespmem:s9+$0x8E0];
	_ =	sdelay $0x7  }
0x75: {  	[tilespmem:v1+s23+$0x0] =	vst.idx.add.f32.msk $0xffff, v0  }
0x76: {  	v1 =	vld [tilespmem:s9+$0x8F0];
	_ =	sdelay $0x7  }
0x77: {  	[tilespmem:v1+s23+$0x0] =	vst.idx.add.f32.msk $0xffff, v0  }
0x78: {  	_ =	swait.ge [sflag:s25], $0x4000  }
0x79: {  	[sflag:s25] =	ssyncset.done $0x0  }
0x7a: {  	[sflag:s25] =	ssyncadd.s32 $0xFFFFC000  }
0x7b: {  	_ =	swait.ge [sflag:s0], $0x4000  }
0x7c: {  	[sflag:s0] =	ssyncset.done $0x0  }
0x7d: {  	s13 =	sor.u32 $0x180, s9;
	[sflag:s0] =	ssyncadd.s32 $0xFFFFC000  }
0x7e: {  	[tilespmem:s29], [sflag:$0x2] =	stream.indirect.gather [hbm4b:s1+s28], $0x80, s13, s28, $0xb8;
	[tilespmem:$0x1F800] =	vst v63  }
0x7f: {  	s13 =	sor.u32 $0x900, s9  }
0x80: {  	[spmem:s2] =	stream.indirect.scatter.add.f32 [tilespmem:s30], [sflag:$0x4], $0x80, s13, s28, $0xb8;
	[tilespmem:$0x1F800] =	vst v63  }
0x81: {  	v1 =	vld [tilespmem:s9+$0x900];
	_ =	sdelay $0x7  }
0x82: {  	[tilespmem:v1+s23+$0x0] =	vst.idx.add.f32.msk $0xffff, v0  }
0x83: {  	v1 =	vld [tilespmem:s9+$0x910];
	_ =	sdelay $0x7  }
0x84: {  	[tilespmem:v1+s23+$0x0] =	vst.idx.add.f32.msk $0xffff, v0  }
0x85: {  	v1 =	vld [tilespmem:s9+$0x920];
	_ =	sdelay $0x7  }
0x86: {  	[tilespmem:v1+s23+$0x0] =	vst.idx.add.f32.msk $0xffff, v0  }
0x87: {  	v1 =	vld [tilespmem:s9+$0x930];
	_ =	sdelay $0x7  }
0x88: {  	[tilespmem:v1+s23+$0x0] =	vst.idx.add.f32.msk $0xffff, v0  }
0x89: {  	v1 =	vld [tilespmem:s9+$0x940];
	_ =	sdelay $0x7  }
0x8a: {  	[tilespmem:v1+s23+$0x0] =	vst.idx.add.f32.msk $0xffff, v0  }
0x8b: {  	v1 =	vld [tilespmem:s9+$0x950];
	_ =	sdelay $0x7  }
0x8c: {  	[tilespmem:v1+s23+$0x0] =	vst.idx.add.f32.msk $0xffff, v0  }
0x8d: {  	v1 =	vld [tilespmem:s9+$0x960];
	_ =	sdelay $0x7  }
0x8e: {  	[tilespmem:v1+s23+$0x0] =	vst.idx.add.f32.msk $0xffff, v0  }
0x8f: {  	v1 =	vld [tilespmem:s9+$0x970];
	_ =	sdelay $0x7  }
0x90: {  	[tilespmem:v1+s23+$0x0] =	vst.idx.add.f32.msk $0xffff, v0  }
0x91: {  	_ =	swait.ge [sflag:s26], $0x4000  }
0x92: {  	[sflag:s26] =	ssyncset.done $0x0  }
0x93: {  	[sflag:s26] =	ssyncadd.s32 $0xFFFFC000  }
0x94: {  	_ =	swait.ge [sflag:s31], $0x4000  }
0x95: {  	[sflag:s31] =	ssyncset.done $0x0  }
0x96: {  	s13 =	sor.u32 $0x200, s9;
	[sflag:s31] =	ssyncadd.s32 $0xFFFFC000  }
0x97: {  	[tilespmem:s30], [sflag:$0x1] =	stream.indirect.gather [hbm4b:s1+s28], $0x80, s13, s28, $0xb8;
	[tilespmem:$0x1F800] =	vst v63  }
0x98: {  	s13 =	sor.u32 $0x980, s9  }
0x99: {  	[spmem:s2] =	stream.indirect.scatter.add.f32 [tilespmem:s29], [sflag:$0x5], $0x80, s13, s28, $0xb8;
	[tilespmem:$0x1F800] =	vst v63  }
0x9a: {  	v1 =	vld [tilespmem:s9+$0x980];
	_ =	sdelay $0x7  }
0x9b: {  	[tilespmem:v1+s23+$0x0] =	vst.idx.add.f32.msk $0xffff, v0  }
0x9c: {  	v1 =	vld [tilespmem:s9+$0x990];
	_ =	sdelay $0x7  }
0x9d: {  	[tilespmem:v1+s23+$0x0] =	vst.idx.add.f32.msk $0xffff, v0  }
0x9e: {  	v1 =	vld [tilespmem:s9+$0x9A0];
	_ =	sdelay $0x7  }
0x9f: {  	[tilespmem:v1+s23+$0x0] =	vst.idx.add.f32.msk $0xffff, v0  }
0xa0: {  	v1 =	vld [tilespmem:s9+$0x9B0];
	_ =	sdelay $0x7  }
0xa1: {  	[tilespmem:v1+s23+$0x0] =	vst.idx.add.f32.msk $0xffff, v0  }
0xa2: {  	v1 =	vld [tilespmem:s9+$0x9C0];
	_ =	sdelay $0x7  }
0xa3: {  	[tilespmem:v1+s23+$0x0] =	vst.idx.add.f32.msk $0xffff, v0  }
0xa4: {  	v1 =	vld [tilespmem:s9+$0x9D0];
	_ =	sdelay $0x7  }
0xa5: {  	[tilespmem:v1+s23+$0x0] =	vst.idx.add.f32.msk $0xffff, v0  }
0xa6: {  	v1 =	vld [tilespmem:s9+$0x9E0];
	_ =	sdelay $0x7  }
0xa7: {  	[tilespmem:v1+s23+$0x0] =	vst.idx.add.f32.msk $0xffff, v0  }
0xa8: {  	v1 =	vld [tilespmem:s9+$0x9F0];
	_ =	sdelay $0x7  }
0xa9: {  	[tilespmem:v1+s23+$0x0] =	vst.idx.add.f32.msk $0xffff, v0  }
0xaa: {  	_ =	swait.ge [sflag:s25], $0x4000  }
0xab: {  	[sflag:s25] =	ssyncset.done $0x0  }
0xac: {  	[sflag:s25] =	ssyncadd.s32 $0xFFFFC000  }
0xad: {  	_ =	swait.ge [sflag:s0], $0x4000  }
0xae: {  	[sflag:s0] =	ssyncset.done $0x0  }
0xaf: {  	s13 =	sor.u32 $0x280, s9;
	[sflag:s0] =	ssyncadd.s32 $0xFFFFC000  }
0xb0: {  	[tilespmem:s29], [sflag:$0x2] =	stream.indirect.gather [hbm4b:s1+s28], $0x80, s13, s28, $0xb8;
	[tilespmem:$0x1F800] =	vst v63  }
0xb1: {  	s13 =	sor.u32 $0xA00, s9  }
0xb2: {  	[spmem:s2] =	stream.indirect.scatter.add.f32 [tilespmem:s30], [sflag:$0x4], $0x80, s13, s28, $0xb8;
	[tilespmem:$0x1F800] =	vst v63  }
0xb3: {  	v1 =	vld [tilespmem:s9+$0xA00];
	_ =	sdelay $0x7  }
0xb4: {  	[tilespmem:v1+s23+$0x0] =	vst.idx.add.f32.msk $0xffff, v0  }
0xb5: {  	v1 =	vld [tilespmem:s9+$0xA10];
	_ =	sdelay $0x7  }
0xb6: {  	[tilespmem:v1+s23+$0x0] =	vst.idx.add.f32.msk $0xffff, v0  }
0xb7: {  	v1 =	vld [tilespmem:s9+$0xA20];
	_ =	sdelay $0x7  }
0xb8: {  	[tilespmem:v1+s23+$0x0] =	vst.idx.add.f32.msk $0xffff, v0  }
0xb9: {  	v1 =	vld [tilespmem:s9+$0xA30];
	_ =	sdelay $0x7  }
0xba: {  	[tilespmem:v1+s23+$0x0] =	vst.idx.add.f32.msk $0xffff, v0  }
0xbb: {  	v1 =	vld [tilespmem:s9+$0xA40];
	_ =	sdelay $0x7  }
0xbc: {  	[tilespmem:v1+s23+$0x0] =	vst.idx.add.f32.msk $0xffff, v0  }
0xbd: {  	v1 =	vld [tilespmem:s9+$0xA50];
	_ =	sdelay $0x7  }
0xbe: {  	[tilespmem:v1+s23+$0x0] =	vst.idx.add.f32.msk $0xffff, v0  }
0xbf: {  	v1 =	vld [tilespmem:s9+$0xA60];
	_ =	sdelay $0x7  }
0xc0: {  	[tilespmem:v1+s23+$0x0] =	vst.idx.add.f32.msk $0xffff, v0  }
0xc1: {  	v1 =	vld [tilespmem:s9+$0xA70];
	_ =	sdelay $0x7  }
0xc2: {  	[tilespmem:v1+s23+$0x0] =	vst.idx.add.f32.msk $0xffff, v0  }
0xc3: {  	_ =	swait.ge [sflag:s26], $0x4000  }
0xc4: {  	[sflag:s26] =	ssyncset.done $0x0  }
0xc5: {  	[sflag:s26] =	ssyncadd.s32 $0xFFFFC000  }
0xc6: {  	_ =	swait.ge [sflag:s31], $0x4000  }
0xc7: {  	[sflag:s31] =	ssyncset.done $0x0  }
0xc8: {  	s13 =	sor.u32 $0x300, s9;
	[sflag:s31] =	ssyncadd.s32 $0xFFFFC000  }
0xc9: {  	[tilespmem:s30], [sflag:$0x1] =	stream.indirect.gather [hbm4b:s1+s28], $0x80, s13, s28, $0xb8;
	[tilespmem:$0x1F800] =	vst v63  }
0xca: {  	s13 =	sor.u32 $0xA80, s9  }
0xcb: {  	[spmem:s2] =	stream.indirect.scatter.add.f32 [tilespmem:s29], [sflag:$0x5], $0x80, s13, s28, $0xb8;
	[tilespmem:$0x1F800] =	vst v63  }
0xcc: {  	v1 =	vld [tilespmem:s9+$0xA80];
	_ =	sdelay $0x7  }
0xcd: {  	[tilespmem:v1+s23+$0x0] =	vst.idx.add.f32.msk $0xffff, v0  }
0xce: {  	v1 =	vld [tilespmem:s9+$0xA90];
	_ =	sdelay $0x7  }
0xcf: {  	[tilespmem:v1+s23+$0x0] =	vst.idx.add.f32.msk $0xffff, v0  }
0xd0: {  	v1 =	vld [tilespmem:s9+$0xAA0];
	_ =	sdelay $0x7  }
0xd1: {  	[tilespmem:v1+s23+$0x0] =	vst.idx.add.f32.msk $0xffff, v0  }
0xd2: {  	v1 =	vld [tilespmem:s9+$0xAB0];
	_ =	sdelay $0x7  }
0xd3: {  	[tilespmem:v1+s23+$0x0] =	vst.idx.add.f32.msk $0xffff, v0  }
0xd4: {  	v1 =	vld [tilespmem:s9+$0xAC0];
	_ =	sdelay $0x7  }
0xd5: {  	[tilespmem:v1+s23+$0x0] =	vst.idx.add.f32.msk $0xffff, v0  }
0xd6: {  	v1 =	vld [tilespmem:s9+$0xAD0];
	_ =	sdelay $0x7  }
0xd7: {  	[tilespmem:v1+s23+$0x0] =	vst.idx.add.f32.msk $0xffff, v0  }
0xd8: {  	v1 =	vld [tilespmem:s9+$0xAE0];
	_ =	sdelay $0x7  }
0xd9: {  	[tilespmem:v1+s23+$0x0] =	vst.idx.add.f32.msk $0xffff, v0  }
0xda: {  	v1 =	vld [tilespmem:s9+$0xAF0];
	_ =	sdelay $0x7  }
0xdb: {  	[tilespmem:v1+s23+$0x0] =	vst.idx.add.f32.msk $0xffff, v0  }
0xdc: {  	_ =	swait.ge [sflag:s20], $0x400  }
0xdd: {  	[sflag:s20] =	ssyncset.done $0x0  }
0xde: {  	[sflag:s20] =	ssyncadd.s32 $0xFFFFFC00  }
0xdf: {  	_ =	swait.ge [sflag:s20], $0x400  }
0xe0: {  	[sflag:s20] =	ssyncset.done $0x0  }
0xe1: {  	[sflag:s20] =	ssyncadd.s32 $0xFFFFFC00  }
0xe2: {  	_ =	swait.ge [sflag:s25], $0x4000  }
0xe3: {  	[sflag:s25] =	ssyncset.done $0x0  }
0xe4: {  	[sflag:s25] =	ssyncadd.s32 $0xFFFFC000  }
0xe5: {  	_ =	swait.ge [sflag:s0], $0x4000  }
0xe6: {  	[sflag:s0] =	ssyncset.done $0x0  }
0xe7: {  	s13 =	sor.u32 $0x380, s9;
	[sflag:s0] =	ssyncadd.s32 $0xFFFFC000  }
0xe8: {  	[tilespmem:s29], [sflag:$0x2] =	stream.indirect.gather [hbm4b:s1+s28], $0x80, s13, s28, $0xb8;
	[tilespmem:$0x1F800] =	vst v63  }
0xe9: {  	s13 =	sor.u32 $0xB00, s9  }
0xea: {  	[spmem:s2] =	stream.indirect.scatter.add.f32 [tilespmem:s30], [sflag:$0x4], $0x80, s13, s28, $0xb8;
	[tilespmem:$0x1F800] =	vst v63  }
0xeb: {  	v1 =	vld [tilespmem:s9+$0xB00];
	_ =	sdelay $0x7  }
0xec: {  	[tilespmem:v1+s23+$0x0] =	vst.idx.add.f32.msk $0xffff, v0  }
0xed: {  	v1 =	vld [tilespmem:s9+$0xB10];
	_ =	sdelay $0x7  }
0xee: {  	[tilespmem:v1+s23+$0x0] =	vst.idx.add.f32.msk $0xffff, v0  }
0xef: {  	v1 =	vld [tilespmem:s9+$0xB20];
	_ =	sdelay $0x7  }
0xf0: {  	[tilespmem:v1+s23+$0x0] =	vst.idx.add.f32.msk $0xffff, v0  }
0xf1: {  	v1 =	vld [tilespmem:s9+$0xB30];
	_ =	sdelay $0x7  }
0xf2: {  	[tilespmem:v1+s23+$0x0] =	vst.idx.add.f32.msk $0xffff, v0  }
0xf3: {  	v1 =	vld [tilespmem:s9+$0xB40];
	_ =	sdelay $0x7  }
0xf4: {  	[tilespmem:v1+s23+$0x0] =	vst.idx.add.f32.msk $0xffff, v0  }
0xf5: {  	v1 =	vld [tilespmem:s9+$0xB50];
	_ =	sdelay $0x7  }
0xf6: {  	[tilespmem:v1+s23+$0x0] =	vst.idx.add.f32.msk $0xffff, v0  }
0xf7: {  	v1 =	vld [tilespmem:s9+$0xB60];
	_ =	sdelay $0x7  }
0xf8: {  	[tilespmem:v1+s23+$0x0] =	vst.idx.add.f32.msk $0xffff, v0  }
0xf9: {  	v1 =	vld [tilespmem:s9+$0xB70];
	_ =	sdelay $0x7  }
0xfa: {  	[tilespmem:v1+s23+$0x0] =	vst.idx.add.f32.msk $0xffff, v0  }
0xfb: {  	_ =	swait.ge [sflag:s26], $0x4000  }
0xfc: {  	[sflag:s26] =	ssyncset.done $0x0  }
0xfd: {  	[sflag:s26] =	ssyncadd.s32 $0xFFFFC000  }
0xfe: {  	_ =	swait.ge [sflag:s31], $0x4000  }
0xff: {  	s13 =	sand.u32 $0x1000, s3;
	[sflag:s31] =	ssyncset.done $0x0  }
0x100: {  	s12 =	sshrl.u32 s13, $0x2;
	[sflag:s31] =	ssyncadd.s32 $0xFFFFC000  }
0x101: {  	[tilespmem:s30], [sflag:$0x1] =	stream.indirect.gather [hbm4b:s1+s28], $0x80, s12, s28, $0xb8;
	[tilespmem:$0x1F800] =	vst v63  }
0x102: {  	s13 =	sor.u32 $0xB80, s9  }
0x103: {  	[spmem:s2] =	stream.indirect.scatter.add.f32 [tilespmem:s29], [sflag:$0x5], $0x80, s13, s28, $0xb8;
	[tilespmem:$0x1F800] =	vst v63  }
0x104: {  	v1 =	vld [tilespmem:s9+$0xB80];
	_ =	sdelay $0x7  }
0x105: {  	[tilespmem:v1+s23+$0x0] =	vst.idx.add.f32.msk $0xffff, v0  }
0x106: {  	v1 =	vld [tilespmem:s9+$0xB90];
	_ =	sdelay $0x7  }
0x107: {  	[tilespmem:v1+s23+$0x0] =	vst.idx.add.f32.msk $0xffff, v0  }
0x108: {  	v1 =	vld [tilespmem:s9+$0xBA0];
	_ =	sdelay $0x7  }
0x109: {  	[tilespmem:v1+s23+$0x0] =	vst.idx.add.f32.msk $0xffff, v0  }
0x10a: {  	v1 =	vld [tilespmem:s9+$0xBB0];
	_ =	sdelay $0x7  }
0x10b: {  	[tilespmem:v1+s23+$0x0] =	vst.idx.add.f32.msk $0xffff, v0  }
0x10c: {  	v1 =	vld [tilespmem:s9+$0xBC0];
	_ =	sdelay $0x7  }
0x10d: {  	[tilespmem:v1+s23+$0x0] =	vst.idx.add.f32.msk $0xffff, v0  }
0x10e: {  	v1 =	vld [tilespmem:s9+$0xBD0];
	_ =	sdelay $0x7  }
0x10f: {  	[tilespmem:v1+s23+$0x0] =	vst.idx.add.f32.msk $0xffff, v0  }
0x110: {  	v1 =	vld [tilespmem:s9+$0xBE0];
	_ =	sdelay $0x7  }
0x111: {  	[tilespmem:v1+s23+$0x0] =	vst.idx.add.f32.msk $0xffff, v0  }
0x112: {  	v1 =	vld [tilespmem:s9+$0xBF0];
	_ =	sdelay $0x3  }
0x113: {  	s13 =	smin.u32 s7, $0x7  }
0x114: {  	s6 =	sadd.s32 $0x400, s6;
	s12 =	rddreg [dreg:$0x5];
	s13 =	sshll.u32 s13, $0xA  }
0x115: {  	p0 =	sne.s32 s6, $0x2800;
	s12 =	sadd.s32 s13, s12  }
.Ltmp0:
0x116: {  	s12 =	sshrl.u32 s12, $0x3;
	(pc) =	sbr.rel @p0 .LBB2_2-.Ltmp0, $4  }
0x117: {  	s12 =	sadd.s32 s5, s12;
	[tilespmem:v1+s23+$0x0] =	vst.idx.add.f32.msk $0xffff, v0  }
0x118: {  	[tilespmem:s9], [sflag:$0x3] =	stream.linear.gather [hbm4b:s12+s4], $0x400, $0x38;
	[tilespmem:$0x1F800] =	vst v63  }
0x119: {  	s3 =	sadd.s32 $0x1000, s3;
	s7 =	sadd.s32 $0x1, s7;
	s13 =	sadd.s32 $0xA000, s12  }
0x11a: {  	[tilespmem:s10], [sflag:$0x3] =	stream.linear.gather [hbm4b:s13+s4], $0x400, $0x38;
	[tilespmem:$0x1F800] =	vst v63  }
0x11b: {  	_ =	swait.ge [sflag:s0], $0x4000  }
0x11c: {  	[sflag:s0] =	ssyncset.done $0x0  }
0x11d: {  	[sflag:s0] =	ssyncadd.s32 $0xFFFFC000  }
0x11e: {  	_ =	swait.ge [sflag:s20], $0x400  }
0x11f: {  	[sflag:s20] =	ssyncset.done $0x0  }
0x120: {  	[sflag:s20] =	ssyncadd.s32 $0xFFFFFC00  }
0x121: {  	_ =	swait.ge [sflag:s20], $0x400  }
0x122: {  	[sflag:s20] =	ssyncset.done $0x0  }
0x123: {  	[sflag:s20] =	ssyncadd.s32 $0xFFFFFC00  }
0x124: {  	_ =	swait.ge [sflag:s25], $0x4000  }
0x125: {  	s3 =	stileid.u32;
	[sflag:s25] =	ssyncset.done $0x0  }
0x126: {  	s3 =	sshll.u32 s3, $0x6;
	[sflag:s25] =	ssyncadd.s32 $0xFFFFC000  }
0x127: {  	s6 =	sshrl.u32 s11, $0x3;
	s3 =	sor.u32 $0x1C06, s3;
	[bflag:$0x0] =	sbarrier.arrive $0xFFFF  }
0x128: {  	[hbm:s17], [sflag:s3] =	dma.local [spmem:s6], $0x2800  }
0x129: {  	s22 =	sadd.s32 $0x1, s22;
	_ =	swait.ge [sflag:s24], $0x2800  }
0x12a: {  	p0 =	sne.s32 s22, s19;
	[sflag:s24] =	ssyncset.done $0x0  }
.Ltmp1:
0x12b: {  	[sflag:s24] =	ssyncadd.s32 $0xFFFFD800;
	(pc) =	sbr.rel @p0 .LBB2_1-.Ltmp1, $4  }
0x12c: {  	[hbm4b:s18+s28] =	stream.strided.scatter [tilespmem:s23], [sflag:$0x6], $0x2800, s21, s28, $0x38;
	[tilespmem:$0x1F800] =	vst v63  }
0x12d: {  	_ =	swait.ge [sflag:s24], $0x2800  }
0x12e: {  	[sflag:s24] =	ssyncset.done $0x0  }
0x12f: {  	[sflag:s24] =	ssyncadd.s32 $0xFFFFD800  }
0x130: {  	_ =	sfence.sel $0x180000  }
0x131: {  	[bflag:$0x0] =	sbarrier.arrive $0xFFFF  }
0x132: {  	_ =	strace $0x90000047  }
0x133: {  	s0 =	stileid.u32;
	[bflag:$0x2] =	sbarrier.arrive $0xFFFF  }
0x134: {  	p0 =	sne.s32 s0, $0x0;
	s0 =	rddreg [dreg:$0x4]  }
0x135: {  	s0 =	sadd.s32 @!p0 $0x100000, s0  }
0x136: {  	[sflag:s0] =	ssyncadd.tile.s32 @!p0 $0x1;
	_ =	shalt  }
.Lfunc_end2:
_tile_overlayer_lowered:
.L_overlay_start_2:
0x137: {  	(tag) =	ssettag $0x2  }
0x138: {  	s0 =	rddreg [dreg:$0x0];
	s2 =	stileid.u32  }
0x139: {  	s1 =	rddreg [dreg:$0x1];
	p0 =	sne.s32 s2, $0x0  }
0x13a: {  	s3 =	rddreg [dreg:$0x2];
	[bflag:$0x3] =	sbarrier.arrive $0xFFFF;
	s2 =	simm.s32 @!p0 $0x1C06  }
0x13b: {  	[timem:s3], [sflag:s2] =	dma.local @!p0 [hbm:s0], s1  }
0x13c: {  	s0 =	simm.s32 @!p0 $0x6  }
0x13d: {  	_ =	swait.ge @!p0 [sflag:s0], s1  }
0x13e: {  	s1 =	ssub.s32 @!p0 $0x0, s1;
	[sflag:s0] =	ssyncset.done @!p0 $0x0  }
0x13f: {  	[sflag:s0] =	ssyncadd.s32 @!p0 s1  }
0x140: {  	[bflag:$0x3] =	sbarrier.arrive $0xFFFF  }
0x141: {  	_ =	shalt  }

// kernel: kernel.9.cloned.1.call-start
scs
__scs_entry_jumppad:
0x0: {  	(pc) =	sbr.rel $0x88, $3  }
0x1: {  	(tag) =	ssettag $0x0;
	lr =	simm.s32 $0x1  }
0x2: {  	[smem:$0x3F99] =	sst lr;
	_ =	strace $0xD0000000  }
0x3: {  	_ = 	snop  }
0x4: {  	_ = 	snop  }
0x5: {  	_ = 	snop  }
0x6: {  	_ = 	snop  }
0x7: {  	_ = 	snop  }
__scs_overlays_trampoline_lowered:
0x8: {  	[smem:$0x3FA8] =	sst s0  }
0x9: {  	[smem:$0x3FA9] =	sst s1  }
0xa: {  	[smem:$0x3FAA] =	sst s2  }
0xb: {  	[smem:$0x3FAB] =	sst s3  }
0xc: {  	[smem:$0x3FAC] =	sst s4  }
0xd: {  	[smem:$0x3FAD] =	sst s5  }
0xe: {  	[smem:$0x3FAE] =	sst s6  }
0xf: {  	[smem:$0x3FAF] =	sst s7  }
0x10: {  	[smem:$0x3FB0] =	sst s8  }
0x11: {  	[smem:$0x3FB1] =	sst s9;
	s0 =	simm.s32 @!p0 $0x0  }
0x12: {  	s1 =	sld [smem:$0x3F97];
	s0 =	simm.s32 @p0 $0x1  }
0x13: {  	[smem:$0x3FB2] =	sst s0;
	s0 =	simm.s32 @!p1 $0x0  }
0x14: {  	s2 =	sld [smem:$0x3F96];
	s0 =	simm.s32 @p1 $0x1  }
0x15: {  	[smem:$0x3FB3] =	sst s0;
	s0 =	simm.s32 @!p2 $0x0  }
0x16: {  	s3 =	sld [smem:$0x3FDB];
	s0 =	simm.s32 @p2 $0x1  }
0x17: {  	s4 =	simm.s32 $0x1BF5;
	[smem:$0x3FB5] =	sst s0  }
0x18: {  	s0 =	sld [smem:$0x3F98];
	_ =	swait.ge [sflag:s4], $0x0  }
0x19: {  	s7 =	sld [smem:$0x3F99]  }
0x1a: {  	s8 =	sadd.s32 $0xFFFFE003, lr  }
0x1b: {  	s9 =	sadd.s32 $0xFFFFFEF7, lr;
	s5 =	simm.s32 $0xFFFFFFFF;
	p2 =	slt.u32 s8, $0xFFFFF086  }
0x1c: {  	p1 =	slt.u32 s9, $0xF7A;
	s5 =	simm.s32 @!p2 $0x0  }
0x1d: {  	s5 =	simm.s32 @p1 $0x1;
	p0 =	seq.s32 s7, s2  }
0x1e: {  	s7 =	smul.u32 @!p0 $0xF7A, s2;
	p2 =	seq.s32 @!p0 s5, $0x0  }
0x1f: {  	s9 =	smul.u32 $0xF7A, s1;
	s8 =	simm.s32 @!p0 $0x1BF5;
	p2 =	por !p2, p0  }
0x20: {  	[sflag:s8] =	ssyncset.s32 @!p0 $0xFFFFF086;
	s6 =	sadd.s32 @!p0 s3, s7;
	s7 =	simm.s32 @!p0 $0x108  }
0x21: {  	s3 =	sadd.s32 s3, s9;
	s6 =	sadd.s32 @!p0 $0x88, s6;
	s7 =	simm.s32 @p2 $0x1082  }
0x22: {  	[simem:s7], [sflag:s8] =	dma.local @!p0 [hbm:s6], $0xF7A  }
0x23: {  	s9 =	sor.u32 $0xD0000000, s2;
	s6 =	simm.s32 $0x108;
	_ =	swait.ge @!p0 [sflag:s8], $0x0  }
0x24: {  	s3 =	sadd.s32 $0x88, s3;
	s6 =	simm.s32 @!p1 $0x1082;
	[sflag:s4] =	ssyncset.s32 $0xFFFFF086  }
0x25: {  	[simem:s6], [sflag:s4] =	dma.local [hbm:s3], $0xF7A  }
0x26: {  	[smem:$0x3F99] =	sst s1;
	(tag) =	ssettag s2;
	_ =	strace s9  }
0x27: {  	s1 =	sld [smem:$0x3FA9]  }
0x28: {  	s2 =	sld [smem:$0x3FAA]  }
0x29: {  	s4 =	sld [smem:$0x3FAC]  }
0x2a: {  	p0 =	seq.s32 s5, $0x0;
	s5 =	sld [smem:$0x3FAD]  }
0x2b: {  	s6 =	sld [smem:$0x3FAE]  }
0x2c: {  	s7 =	sld [smem:$0x3FAF]  }
0x2d: {  	s3 =	simm.s32 $0x108;
	s8 =	sld [smem:$0x3FB0]  }
0x2e: {  	s3 =	simm.s32 @!p0 $0x1082;
	s9 =	sld [smem:$0x3FB1]  }
0x2f: {  	lr =	sadd.s32 s0, s3;
	s0 =	sld [smem:$0x3FA8]  }
0x30: {  	s3 =	sld [smem:$0x3FAB]  }
0x31: {  	[smem:$0x3FB4] =	sst s10  }
0x32: {  	s10 =	sld [smem:$0x3FB2];
	_ =	sdelay $0x3  }
0x33: {  	p0 =	seq.s32 s10, $0x1;
	s10 =	sld [smem:$0x3FB4];
	_ =	sdelay $0x3  }
0x34: {  	[smem:$0x3FB4] =	sst s10  }
0x35: {  	s10 =	sld [smem:$0x3FB3];
	_ =	sdelay $0x3  }
0x36: {  	p1 =	seq.s32 s10, $0x1;
	s10 =	sld [smem:$0x3FB4];
	_ =	sdelay $0x3  }
0x37: {  	[smem:$0x3FB4] =	sst s10  }
0x38: {  	s10 =	sld [smem:$0x3FB5]  }
0x39: {  	_ = 	snop;
	(pc) =	sbr.ind lr, $3  }
0x3a: {  	_ = 	snop  }
0x3b: {  	_ = 	snop  }
0x3c: {  	p2 =	seq.s32 s10, $0x1;
	s10 =	sld [smem:$0x3FB4]  }
0x3d: {  	_ =	shalt  }
0x3e: {  	_ =	shalt  }
0x3f: {  	_ =	shalt  }
0x40: {  	_ =	shalt  }
0x41: {  	_ =	shalt  }
0x42: {  	_ =	shalt  }
0x43: {  	_ =	shalt  }
0x44: {  	_ =	shalt  }
0x45: {  	_ =	shalt  }
0x46: {  	_ =	shalt  }
0x47: {  	_ =	shalt  }
0x48: {  	_ =	shalt  }
0x49: {  	_ =	shalt  }
0x4a: {  	_ =	shalt  }
0x4b: {  	_ =	shalt  }
0x4c: {  	_ =	shalt  }
0x4d: {  	_ =	shalt  }
0x4e: {  	_ =	shalt  }
0x4f: {  	_ =	shalt  }
0x50: {  	_ =	shalt  }
0x51: {  	_ =	shalt  }
0x52: {  	_ =	shalt  }
0x53: {  	_ =	shalt  }
0x54: {  	_ =	shalt  }
0x55: {  	_ =	shalt  }
0x56: {  	_ =	shalt  }
0x57: {  	_ =	shalt  }
0x58: {  	_ =	shalt  }
0x59: {  	_ =	shalt  }
0x5a: {  	_ =	shalt  }
0x5b: {  	_ =	shalt  }
0x5c: {  	_ =	shalt  }
0x5d: {  	_ =	shalt  }
0x5e: {  	_ =	shalt  }
0x5f: {  	_ =	shalt  }
0x60: {  	_ =	shalt  }
0x61: {  	_ =	shalt  }
0x62: {  	_ =	shalt  }
0x63: {  	_ =	shalt  }
0x64: {  	_ =	shalt  }
0x65: {  	_ =	shalt  }
0x66: {  	_ =	shalt  }
0x67: {  	_ =	shalt  }
0x68: {  	_ =	shalt  }
0x69: {  	_ =	shalt  }
0x6a: {  	_ =	shalt  }
0x6b: {  	_ =	shalt  }
0x6c: {  	_ =	shalt  }
0x6d: {  	_ =	shalt  }
0x6e: {  	_ =	shalt  }
0x6f: {  	_ =	shalt  }
0x70: {  	_ =	shalt  }
0x71: {  	_ =	shalt  }
0x72: {  	_ =	shalt  }
0x73: {  	_ =	shalt  }
0x74: {  	_ =	shalt  }
0x75: {  	_ =	shalt  }
0x76: {  	_ =	shalt  }
0x77: {  	_ =	shalt  }
0x78: {  	_ =	shalt  }
0x79: {  	_ =	shalt  }
0x7a: {  	_ =	shalt  }
0x7b: {  	_ =	shalt  }
0x7c: {  	_ =	shalt  }
0x7d: {  	_ =	shalt  }
0x7e: {  	_ =	shalt  }
0x7f: {  	_ =	shalt  }
0x80: {  	_ =	shalt  }
0x81: {  	_ =	shalt  }
0x82: {  	_ =	shalt  }
0x83: {  	_ =	shalt  }
0x84: {  	_ =	shalt  }
0x85: {  	_ =	shalt  }
0x86: {  	_ =	shalt  }
0x87: {  	_ =	shalt  }
.Lfunc_end0:
.L_simem_size_0:
called_computation.1_lowered:
.L_overlay_start_0:
0x88: {  	s2 =	sld [smem:$0x3FD9]  }
0x89: {  	s3 =	sld [smem:$0x3FFE];
	_ =	sdelay $0x1  }
0x8a: {  	s1 =	srdreg.scid  }
0x8b: {  	s0 =	sand.u32 $0x1, s1  }
0x8c: {  	s17 =	sshll.u32 s0, $0xA;
	s2 =	sadd.s32 s3, s2  }
0x8d: {  	s2 =	sadd.s32 s2, s17  }
0x8e: {  	[smem:$0x3FC0] =	sst s2  }
0x8f: {  	_ = 	snop  }
0x90: {  	s2 =	sld [smem:$0x3FD0];
	(tm) =	ssettm $0x1  }
0x91: {  	s18 =	sld [smem:$0x3FFB];
	_ =	sdelay $0x3  }
0x92: {  	_ =	strace s18  }
0x93: {  	s3 =	sld [smem:$0x3FFC];
	_ =	sdelay $0x3  }
0x94: {  	_ =	strace s3  }
0x95: {  	s3 =	sld [smem:$0x3FFD];
	_ =	sdelay $0x3  }
0x96: {  	_ =	strace s3  }
0x97: {  	_ =	strace $0x8FFFFFFF  }
0x98: {  	s19 =	sld [smem:$0x3FDB];
	_ =	sdelay $0x1  }
0x99: {  	s4 =	simm.s32 $_scs_section_size  }
0x9a: {  	s5 =	simm.s32 $_size__tile_overlayer_lowered;
	s6 =	simm.s32 $_tile_overlayer_lowered  }
0x9b: {  	s22 =	simm.s32 $0x1BFF;
	s21 =	sshll.u32 s6, $0x1;
	s3 =	sadd.s32 s4, s19  }
0x9c: {  	s7 =	simm.s32 $0x0;
	s20 =	sshll.u32 s5, $0x1;
	s5 =	sadd.s32 s21, s3  }
0x9d: {  	[timem:s7], [sflag:s22] =	dma.local [hbm:s5], s20  }
0x9e: {  	_ =	swait.ge [sflag:s22], s20  }
0x9f: {  	s4 =	ssub.s32 $0x0, s20;
	[sflag:s22] =	ssyncset.done $0x0  }
0xa0: {  	[sflag:s22] =	ssyncadd.s32 s4;
	_ =	sdelay $0x1  }
0xa1: {  	s23 =	simm.s32 $0x1B8B  }
0xa2: {  	_ =	swait.ge [sflag:s23], $0x1  }
0xa3: {  	[sflag:s23] =	ssyncset.done $0x0  }
0xa4: {  	s25 =	simm.s32 $0x1B8E;
	s24 =	sld [smem:$0x3FFE];
	[sflag:s23] =	ssyncadd.s32 $0xFFFFFFFF  }
0xa5: {  	s26 =	simm.s32 $execute0_lowered;
	[smem:$0x3FD2] =	sst s25  }
0xa6: {  	s5 =	sshll.u32 s26, $0x1;
	_ =	strace $0x80000049;
	[dreg:$0x1] =	wrdreg $0xFFFFFFFF  }
0xa7: {  	s28 =	simm.s32 $_size_execute0_lowered;
	s3 =	sadd.s32 s3, s5;
	[dreg:$0x0] =	wrdreg $0x0  }
0xa8: {  	s5 =	sshll.u32 s28, $0x1;
	[dreg:$0x2] =	wrdreg s3  }
0xa9: {  	[dreg:$0x3] =	wrdreg s5  }
0xaa: {  	[dreg:$0x4] =	wrdreg $0xC0  }
0xab: {  	_ =	task [dreg:s7], $0x5FFFF  }
0xac: {  	[dreg:$0x1] =	wrdreg $0xFFFFFFFF  }
0xad: {  	[dreg:$0x0] =	wrdreg $0x60  }
0xae: {  	[dreg:$0x2] =	wrdreg s24  }
0xaf: {  	[dreg:$0x3] =	wrdreg s2  }
0xb0: {  	[dreg:$0x4] =	wrdreg $0x90000  }
0xb1: {  	[dreg:$0x5] =	wrdreg $0x9  }
0xb2: {  	_ =	task.clear_ibuf [dreg:s7], $0x6FFFF;
	_ =	strace $0x90000049  }
0xb3: {  	s29 =	simm.s32 $0x9;
	_ =	strace $0x8000004B  }
0xb4: {  	_ =	swait.ge [sflag:s29], $0x1  }
0xb5: {  	[sflag:s29] =	ssyncadd.s32 $0xFFFFFFFF  }
0xb6: {  	_ =	strace $0x9000004B  }
0xb7: {  	_ =	sfence  }
0xb8: {  	s30 =	sld [smem:$0x0];
	_ =	sdelay $0x2  }
0xb9: {  	s31 =	sshll.u32 s1, $0xD;
	s1 =	sshrl.u32 s1, $0x2  }
0xba: {  	s3 =	sand.u32 $0x4000, s31;
	s1 =	sadd.s32 s1, s30  }
0xbb: {  	s0 =	sor.u32 s3, s0;
	s1 =	sshll.u32 s1, $0x11  }
0xbc: {  	s0 =	sor.u32 s1, s0  }
0xbd: {  	s0 =	sadd.s32 $0x8F2B, s0  }
0xbe: {  	[sflag:s0] =	ssyncadd.remote.s32 $0x1  }
0xbf: {  	_ =	sfence.sel $0xFFFF  }
0xc0: {  	[dreg:$0x0] =	wrdreg $0xFFFFFFFF;
	(pc) =	sbr.abs _section_cstart, $3  }
0xc1: {  	[dreg:$0x1] =	wrdreg $0xFFFFFFFF  }
0xc2: {  	_ =	task.clear_ibuf [dreg:s7], $0x2FFFF;
	_ =	strace $0x9FFFFFFF  }
0xc3: {  	(tm) =	ssettm $0x7FFFFFFF  }
tec
execute0_lowered:
.L_overlay_start_1:
0x0: {  	(tag) =	ssettag $0x1  }
0x1: {  	s0 =	rddreg [dreg:$0x0]  }
0x2: {  	s1 =	rddreg [dreg:$0x1]  }
0x3: {  	s3 =	rddreg [dreg:$0x2];
	s2 =	srdreg.scid  }
0x4: {  	s8 =	stileid.u32;
	s4 =	simm.s32 $0x0;
	s28 =	simm.s32 $0x4  }
0x5: {  	s29 =	simm.s32 $0x5;
	s30 =	simm.s32 $0x3;
	s6 =	smul.u32 $0x14000, s8  }
0x6: {  	s31 =	simm.s32 $0x0;
	s2 =	sand.u32 $0x1, s2;
	s9 =	smul.u32 $0x50000, s8  }
0x7: {  	[smem:$0x7FF] =	sst s4;
	s19 =	sadd.s32 $0x16E00, s0;
	s5 =	smul.u32 $0x140000, s2  }
0x8: {  	s7 =	sshll.u32 s2, $0x4;
	_ =	strace $0x8000004A;
	s2 =	ssub.s32 $0x2, s2  }
0x9: {  	[dreg:$0x5] =	wrdreg s19;
	s7 =	sor.u32 s8, s7;
	s21 =	sshrl.u32 s2, $0x1  }
0xa: {  	s23 =	sshrl.u32 s9, $0x2;
	s6 =	sadd.s32 s6, s5;
	s14 =	smul.u32 $0x2800, s7  }
0xb: {  	s5 =	sadd.s32 $0x2800, s0;
	s2 =	ssub.s32 s2, s21;
	s11 =	sadd.s32 s23, s3  }
0xc: {  	s21 =	simm.s32 $0x6;
	s23 =	simm.s32 $0x80;
	s6 =	sshrl.u32 s6, $0x3  }
0xd: {  	s12 =	sadd.s32 $0x4000, s11;
	s13 =	sadd.s32 $0x8000, s11;
	s20 =	sshrl.u32 s14, $0x3  }
0xe: {  	s15 =	sadd.s32 $0x10000, s11;
	s26 =	sadd.s32 $0x800, s14;
	s7 =	sadd.s32 s5, s20  }
0xf: {  	s17 =	smax.u32 s2, $0x1;
	[dreg:$0x4] =	wrdreg s26;
	s22 =	sadd.s32 $0xA000, s7  }
0x10: {  	s0 =	sadd.s32 s6, s0;
	s24 =	sadd.s32 $0x80, s7;
	[dreg:$0x6] =	wrdreg s22  }
0x11: {  	s14 =	sadd.s32 $0xC000, s11;
	s25 =	sadd.s32 $0xA080, s7;
	[dreg:$0x7] =	wrdreg s24  }
0x12: {  	s16 =	sadd.s32 $0x17600, s0;
	s26 =	simm.s32 $0x1000;
	[dreg:$0x8] =	wrdreg s25  }
0x13: {  	s22 =	simm.s32 $0x2;
	s24 =	simm.s32 $0x1;
	s25 =	simm.s32 $0x5000  }
.LBB2_1:
0x14: {  	[tilespmem:s4], [sflag:$0x2] =	stream.linear.gather [hbm4b:s7+s4], $0x400, $0x38;
	[tilespmem:$0x1D000] =	vst v63  }
0x15: {  	s0 =	rddreg [dreg:$0x6];
	s2 =	simm.s32 $0x800  }
0x16: {  	[tilespmem:s2], [sflag:$0x2] =	stream.linear.gather [hbm4b:s0+s4], $0x400, $0x38;
	[tilespmem:$0x1D000] =	vst v63  }
0x17: {  	s19 =	rddreg [dreg:$0x7];
	s20 =	simm.s32 $0x400  }
0x18: {  	[tilespmem:s20], [sflag:$0x3] =	stream.linear.gather [hbm4b:s19+s4], $0x400, $0x38;
	[tilespmem:$0x1D000] =	vst v63  }
0x19: {  	s6 =	simm.s32 $0xC00;
	s2 =	rddreg [dreg:$0x8]  }
0x1a: {  	[tilespmem:s6], [sflag:$0x3] =	stream.linear.gather [hbm4b:s2+s4], $0x400, $0x38;
	[tilespmem:$0x1D000] =	vst v63  }
0x1b: {  	s8 =	rddreg [dreg:$0x5]  }
0x1c: {  	[tilespmem:s26], [sflag:$0x6] =	stream.linear.gather [hbm4b:s8+s4], $0x4000, $0x38;
	[tilespmem:$0x1D000] =	vst v63  }
0x1d: {  	_ =	swait.ge [sflag:s21], $0x4000  }
0x1e: {  	[sflag:s21] =	ssyncset.done $0x0  }
0x1f: {  	[sflag:s21] =	ssyncadd.s32 $0xFFFFC000  }
0x20: {  	[spmem:s11] =	stream.linear.scatter [tilespmem:s26], [sflag:$0x6], $0x4000, $0x38;
	[tilespmem:$0x1D000] =	vst v63  }
0x21: {  	_ =	swait.ge [sflag:s21], $0x4000  }
0x22: {  	[sflag:s21] =	ssyncset.done $0x0  }
0x23: {  	[sflag:s21] =	ssyncadd.s32 $0xFFFFC000  }
0x24: {  	[spmem:s12] =	stream.linear.scatter [tilespmem:s26], [sflag:$0x6], $0x4000, $0x38;
	[tilespmem:$0x1D000] =	vst v63  }
0x25: {  	_ =	swait.ge [sflag:s21], $0x4000  }
0x26: {  	[sflag:s21] =	ssyncset.done $0x0  }
0x27: {  	[sflag:s21] =	ssyncadd.s32 $0xFFFFC000  }
0x28: {  	[spmem:s13] =	stream.linear.scatter [tilespmem:s26], [sflag:$0x6], $0x4000, $0x38;
	[tilespmem:$0x1D000] =	vst v63  }
0x29: {  	_ =	swait.ge [sflag:s21], $0x4000  }
0x2a: {  	[sflag:s21] =	ssyncset.done $0x0  }
0x2b: {  	[sflag:s21] =	ssyncadd.s32 $0xFFFFC000  }
0x2c: {  	[spmem:s14] =	stream.linear.scatter [tilespmem:s26], [sflag:$0x6], $0x4000, $0x38;
	[tilespmem:$0x1D000] =	vst v63  }
0x2d: {  	_ =	swait.ge [sflag:s21], $0x4000  }
0x2e: {  	[sflag:s21] =	ssyncset.done $0x0  }
0x2f: {  	[sflag:s21] =	ssyncadd.s32 $0xFFFFC000  }
0x30: {  	[spmem:s15] =	stream.linear.scatter [tilespmem:s26], [sflag:$0x6], $0x4000, $0x38;
	[tilespmem:$0x1D000] =	vst v63  }
0x31: {  	_ =	swait.ge [sflag:s21], $0x4000  }
0x32: {  	[sflag:s21] =	ssyncset.done $0x0  }
0x33: {  	[sflag:s21] =	ssyncadd.s32 $0xFFFFC000  }
0x34: {  	_ =	swait.ge [sflag:s22], $0x400  }
0x35: {  	[sflag:s22] =	ssyncset.done $0x0  }
0x36: {  	[sflag:s22] =	ssyncadd.s32 $0xFFFFFC00  }
0x37: {  	_ =	swait.ge [sflag:s22], $0x400  }
0x38: {  	[sflag:s22] =	ssyncset.done $0x0  }
0x39: {  	[sflag:s22] =	ssyncadd.s32 $0xFFFFFC00  }
0x3a: {  	[bflag:$0x0] =	sbarrier.arrive $0xFFFF  }
0x3b: {  	[tilespmem:s26], [sflag:$0x1] =	stream.indirect.gather [hbm4b:s1+s23], $0x80, s4, s23, $0xb8;
	[tilespmem:$0x1D000] =	vst v63  }
0x3c: {  	_ =	swait.ge [sflag:s24], $0x4000  }
0x3d: {  	p0 =	por $0x1, $0x1;
	[sflag:s24] =	ssyncset.done $0x0  }
0x3e: {  	s2 =	simm.s32 @!p0 $0x5;
	[sflag:s24] =	ssyncadd.s32 $0xFFFFC000  }
0x3f: {  	_ =	swait.ge @!p0 [sflag:s2], $0x4000  }
0x40: {  	s0 =	sand.u32 $0x400, s4;
	[sflag:s2] =	ssyncset.done @!p0 $0x0  }
0x41: {  	s6 =	sor.u32 $0x80, s0;
	[sflag:s2] =	ssyncadd.s32 @!p0 $0xFFFFC000  }
0x42: {  	[tilespmem:s25], [sflag:$0x2] =	stream.indirect.gather [hbm4b:s1+s23], $0x80, s6, s23, $0xb8;
	[tilespmem:$0x1D000] =	vst v63  }
0x43: {  	s18 =	sor.u32 $0x800, s0  }
0x44: {  	[spmem:s3] =	stream.indirect.scatter.add.f32 [tilespmem:s26], [sflag:$0x4], $0x80, s18, s23, $0xb8;
	[tilespmem:$0x1D000] =	vst v63  }
0x45: {  	_ =	swait.ge [sflag:s22], $0x4000  }
0x46: {  	[sflag:s22] =	ssyncset.done $0x0  }
0x47: {  	[sflag:s22] =	ssyncadd.s32 $0xFFFFC000  }
0x48: {  	_ =	swait.ge [sflag:s28], $0x4000  }
0x49: {  	[sflag:s28] =	ssyncset.done $0x0  }
0x4a: {  	s9 =	sor.u32 $0x100, s0;
	[sflag:s28] =	ssyncadd.s32 $0xFFFFC000  }
0x4b: {  	[tilespmem:s26], [sflag:$0x1] =	stream.indirect.gather [hbm4b:s1+s23], $0x80, s9, s23, $0xb8;
	[tilespmem:$0x1D000] =	vst v63  }
0x4c: {  	s10 =	sor.u32 $0x880, s0  }
0x4d: {  	[spmem:s3] =	stream.indirect.scatter.add.f32 [tilespmem:s25], [sflag:$0x5], $0x80, s10, s23, $0xb8;
	[tilespmem:$0x1D000] =	vst v63  }
0x4e: {  	_ =	swait.ge [sflag:s24], $0x4000  }
0x4f: {  	[sflag:s24] =	ssyncset.done $0x0  }
0x50: {  	[sflag:s24] =	ssyncadd.s32 $0xFFFFC000  }
0x51: {  	_ =	swait.ge [sflag:s29], $0x4000  }
0x52: {  	[sflag:s29] =	ssyncset.done $0x0  }
0x53: {  	s19 =	sor.u32 $0x180, s0;
	[sflag:s29] =	ssyncadd.s32 $0xFFFFC000  }
0x54: {  	[tilespmem:s25], [sflag:$0x2] =	stream.indirect.gather [hbm4b:s1+s23], $0x80, s19, s23, $0xb8;
	[tilespmem:$0x1D000] =	vst v63  }
0x55: {  	s20 =	sor.u32 $0x900, s0  }
0x56: {  	[spmem:s3] =	stream.indirect.scatter.add.f32 [tilespmem:s26], [sflag:$0x4], $0x80, s20, s23, $0xb8;
	[tilespmem:$0x1D000] =	vst v63  }
0x57: {  	_ =	swait.ge [sflag:s22], $0x4000  }
0x58: {  	[sflag:s22] =	ssyncset.done $0x0  }
0x59: {  	[sflag:s22] =	ssyncadd.s32 $0xFFFFC000  }
0x5a: {  	_ =	swait.ge [sflag:s28], $0x4000  }
0x5b: {  	[sflag:s28] =	ssyncset.done $0x0  }
0x5c: {  	s6 =	sor.u32 $0x200, s0;
	[sflag:s28] =	ssyncadd.s32 $0xFFFFC000  }
0x5d: {  	[tilespmem:s26], [sflag:$0x1] =	stream.indirect.gather [hbm4b:s1+s23], $0x80, s6, s23, $0xb8;
	[tilespmem:$0x1D000] =	vst v63  }
0x5e: {  	s8 =	sor.u32 $0x980, s0  }
0x5f: {  	[spmem:s3] =	stream.indirect.scatter.add.f32 [tilespmem:s25], [sflag:$0x5], $0x80, s8, s23, $0xb8;
	[tilespmem:$0x1D000] =	vst v63  }
0x60: {  	_ =	swait.ge [sflag:s24], $0x4000  }
0x61: {  	[sflag:s24] =	ssyncset.done $0x0  }
0x62: {  	[sflag:s24] =	ssyncadd.s32 $0xFFFFC000  }
0x63: {  	_ =	swait.ge [sflag:s29], $0x4000  }
0x64: {  	[sflag:s29] =	ssyncset.done $0x0  }
0x65: {  	s9 =	sor.u32 $0x280, s0;
	[sflag:s29] =	ssyncadd.s32 $0xFFFFC000  }
0x66: {  	[tilespmem:s25], [sflag:$0x2] =	stream.indirect.gather [hbm4b:s1+s23], $0x80, s9, s23, $0xb8;
	[tilespmem:$0x1D000] =	vst v63  }
0x67: {  	s10 =	sor.u32 $0xA00, s0  }
0x68: {  	[spmem:s3] =	stream.indirect.scatter.add.f32 [tilespmem:s26], [sflag:$0x4], $0x80, s10, s23, $0xb8;
	[tilespmem:$0x1D000] =	vst v63  }
0x69: {  	_ =	swait.ge [sflag:s22], $0x4000  }
0x6a: {  	[sflag:s22] =	ssyncset.done $0x0  }
0x6b: {  	[sflag:s22] =	ssyncadd.s32 $0xFFFFC000  }
0x6c: {  	_ =	swait.ge [sflag:s28], $0x4000  }
0x6d: {  	[sflag:s28] =	ssyncset.done $0x0  }
0x6e: {  	s19 =	sor.u32 $0x300, s0;
	[sflag:s28] =	ssyncadd.s32 $0xFFFFC000  }
0x6f: {  	[tilespmem:s26], [sflag:$0x1] =	stream.indirect.gather [hbm4b:s1+s23], $0x80, s19, s23, $0xb8;
	[tilespmem:$0x1D000] =	vst v63  }
0x70: {  	s20 =	sor.u32 $0xA80, s0  }
0x71: {  	[spmem:s3] =	stream.indirect.scatter.add.f32 [tilespmem:s25], [sflag:$0x5], $0x80, s20, s23, $0xb8;
	[tilespmem:$0x1D000] =	vst v63  }
0x72: {  	_ =	swait.ge [sflag:s30], $0x400  }
0x73: {  	[sflag:s30] =	ssyncset.done $0x0  }
0x74: {  	[sflag:s30] =	ssyncadd.s32 $0xFFFFFC00  }
0x75: {  	_ =	swait.ge [sflag:s30], $0x400  }
0x76: {  	[sflag:s30] =	ssyncset.done $0x0  }
0x77: {  	[sflag:s30] =	ssyncadd.s32 $0xFFFFFC00  }
0x78: {  	_ =	swait.ge [sflag:s24], $0x4000  }
0x79: {  	[sflag:s24] =	ssyncset.done $0x0  }
0x7a: {  	[sflag:s24] =	ssyncadd.s32 $0xFFFFC000  }
0x7b: {  	_ =	swait.ge [sflag:s29], $0x4000  }
0x7c: {  	[sflag:s29] =	ssyncset.done $0x0  }
0x7d: {  	s6 =	sor.u32 $0x380, s0;
	[sflag:s29] =	ssyncadd.s32 $0xFFFFC000  }
0x7e: {  	[tilespmem:s25], [sflag:$0x2] =	stream.indirect.gather [hbm4b:s1+s23], $0x80, s6, s23, $0xb8;
	[tilespmem:$0x1D000] =	vst v63  }
0x7f: {  	s8 =	sor.u32 $0xB00, s0  }
0x80: {  	[spmem:s3] =	stream.indirect.scatter.add.f32 [tilespmem:s26], [sflag:$0x4], $0x80, s8, s23, $0xb8;
	[tilespmem:$0x1D000] =	vst v63  }
0x81: {  	_ =	swait.ge [sflag:s22], $0x4000  }
0x82: {  	[sflag:s22] =	ssyncset.done $0x0  }
0x83: {  	[sflag:s22] =	ssyncadd.s32 $0xFFFFC000  }
0x84: {  	s9 =	sand.u32 $0x1000, s26;
	s10 =	smin.u32 s4, $0x7;
	_ =	swait.ge [sflag:s28], $0x4000  }
0x85: {  	s6 =	sshll.u32 s10, $0xA;
	[sflag:s28] =	ssyncset.done $0x0;
	s20 =	rddreg [dreg:$0x4]  }
0x86: {  	s2 =	sshrl.u32 s9, $0x2;
	[sflag:s28] =	ssyncadd.s32 $0xFFFFC000;
	s20 =	sadd.s32 s6, s20  }
0x87: {  	[tilespmem:s26], [sflag:$0x1] =	stream.indirect.gather [hbm4b:s1+s23], $0x80, s2, s23, $0xb8;
	[tilespmem:$0x1D000] =	vst v63  }
0x88: {  	s19 =	sor.u32 $0xB80, s0;
	s6 =	sshrl.u32 s20, $0x3  }
0x89: {  	[spmem:s3] =	stream.indirect.scatter.add.f32 [tilespmem:s25], [sflag:$0x5], $0x80, s19, s23, $0xb8;
	[tilespmem:$0x1D000] =	vst v63  }
0x8a: {  	s20 =	simm.s32 $0x1;
	s2 =	simm.s32 $0x1000;
	s19 =	simm.s32 $0x400  }
.LBB2_2:
0x8b: {  	s6 =	sadd.s32 s5, s6  }
0x8c: {  	[tilespmem:s0], [sflag:$0x3] =	stream.linear.gather [hbm4b:s6+s4], $0x400, $0x38;
	[tilespmem:$0x1D000] =	vst v63  }
0x8d: {  	s6 =	sadd.s32 $0xA000, s6  }
0x8e: {  	[tilespmem:s18], [sflag:$0x3] =	stream.linear.gather [hbm4b:s6+s4], $0x400, $0x38;
	[tilespmem:$0x1D000] =	vst v63  }
0x8f: {  	s8 =	smov.u32 s19;
	_ =	swait.ge [sflag:s24], $0x4000  }
0x90: {  	p1 =	seq.s32 s8, $0x0;
	[sflag:s24] =	ssyncset.done $0x0  }
0x91: {  	s6 =	simm.s32 @!p1 $0x5;
	[sflag:s24] =	ssyncadd.s32 $0xFFFFC000  }
0x92: {  	_ =	swait.ge @!p1 [sflag:s6], $0x4000  }
0x93: {  	s0 =	sand.u32 $0x400, s8;
	[sflag:s6] =	ssyncset.done @!p1 $0x0  }
0x94: {  	s8 =	sor.u32 $0x80, s0;
	[sflag:s6] =	ssyncadd.s32 @!p1 $0xFFFFC000  }
0x95: {  	[tilespmem:s25], [sflag:$0x2] =	stream.indirect.gather [hbm4b:s1+s23], $0x80, s8, s23, $0xb8;
	[tilespmem:$0x1D000] =	vst v63  }
0x96: {  	s18 =	sor.u32 $0x800, s0  }
0x97: {  	[spmem:s3] =	stream.indirect.scatter.add.f32 [tilespmem:s26], [sflag:$0x4], $0x80, s18, s23, $0xb8;
	[tilespmem:$0x1D000] =	vst v63  }
0x98: {  	_ =	swait.ge [sflag:s22], $0x4000  }
0x99: {  	[sflag:s22] =	ssyncset.done $0x0  }
0x9a: {  	[sflag:s22] =	ssyncadd.s32 $0xFFFFC000  }
0x9b: {  	_ =	swait.ge [sflag:s28], $0x4000  }
0x9c: {  	[sflag:s28] =	ssyncset.done $0x0  }
0x9d: {  	s8 =	sor.u32 $0x100, s0;
	[sflag:s28] =	ssyncadd.s32 $0xFFFFC000  }
0x9e: {  	[tilespmem:s26], [sflag:$0x1] =	stream.indirect.gather [hbm4b:s1+s23], $0x80, s8, s23, $0xb8;
	[tilespmem:$0x1D000] =	vst v63  }
0x9f: {  	s9 =	sor.u32 $0x880, s0  }
0xa0: {  	[spmem:s3] =	stream.indirect.scatter.add.f32 [tilespmem:s25], [sflag:$0x5], $0x80, s9, s23, $0xb8;
	[tilespmem:$0x1D000] =	vst v63  }
0xa1: {  	_ =	swait.ge [sflag:s24], $0x4000  }
0xa2: {  	[sflag:s24] =	ssyncset.done $0x0  }
0xa3: {  	[sflag:s24] =	ssyncadd.s32 $0xFFFFC000  }
0xa4: {  	_ =	swait.ge [sflag:s29], $0x4000  }
0xa5: {  	[sflag:s29] =	ssyncset.done $0x0  }
0xa6: {  	s10 =	sor.u32 $0x180, s0;
	[sflag:s29] =	ssyncadd.s32 $0xFFFFC000  }
0xa7: {  	[tilespmem:s25], [sflag:$0x2] =	stream.indirect.gather [hbm4b:s1+s23], $0x80, s10, s23, $0xb8;
	[tilespmem:$0x1D000] =	vst v63  }
0xa8: {  	s8 =	sor.u32 $0x900, s0  }
0xa9: {  	[spmem:s3] =	stream.indirect.scatter.add.f32 [tilespmem:s26], [sflag:$0x4], $0x80, s8, s23, $0xb8;
	[tilespmem:$0x1D000] =	vst v63  }
0xaa: {  	_ =	swait.ge [sflag:s22], $0x4000  }
0xab: {  	[sflag:s22] =	ssyncset.done $0x0  }
0xac: {  	[sflag:s22] =	ssyncadd.s32 $0xFFFFC000  }
0xad: {  	_ =	swait.ge [sflag:s28], $0x4000  }
0xae: {  	[sflag:s28] =	ssyncset.done $0x0  }
0xaf: {  	s9 =	sor.u32 $0x200, s0;
	[sflag:s28] =	ssyncadd.s32 $0xFFFFC000  }
0xb0: {  	[tilespmem:s26], [sflag:$0x1] =	stream.indirect.gather [hbm4b:s1+s23], $0x80, s9, s23, $0xb8;
	[tilespmem:$0x1D000] =	vst v63  }
0xb1: {  	s10 =	sor.u32 $0x980, s0  }
0xb2: {  	[spmem:s3] =	stream.indirect.scatter.add.f32 [tilespmem:s25], [sflag:$0x5], $0x80, s10, s23, $0xb8;
	[tilespmem:$0x1D000] =	vst v63  }
0xb3: {  	_ =	swait.ge [sflag:s24], $0x4000  }
0xb4: {  	[sflag:s24] =	ssyncset.done $0x0  }
0xb5: {  	[sflag:s24] =	ssyncadd.s32 $0xFFFFC000  }
0xb6: {  	_ =	swait.ge [sflag:s29], $0x4000  }
0xb7: {  	[sflag:s29] =	ssyncset.done $0x0  }
0xb8: {  	s8 =	sor.u32 $0x280, s0;
	[sflag:s29] =	ssyncadd.s32 $0xFFFFC000  }
0xb9: {  	[tilespmem:s25], [sflag:$0x2] =	stream.indirect.gather [hbm4b:s1+s23], $0x80, s8, s23, $0xb8;
	[tilespmem:$0x1D000] =	vst v63  }
0xba: {  	s9 =	sor.u32 $0xA00, s0  }
0xbb: {  	[spmem:s3] =	stream.indirect.scatter.add.f32 [tilespmem:s26], [sflag:$0x4], $0x80, s9, s23, $0xb8;
	[tilespmem:$0x1D000] =	vst v63  }
0xbc: {  	_ =	swait.ge [sflag:s22], $0x4000  }
0xbd: {  	[sflag:s22] =	ssyncset.done $0x0  }
0xbe: {  	[sflag:s22] =	ssyncadd.s32 $0xFFFFC000  }
0xbf: {  	_ =	swait.ge [sflag:s28], $0x4000  }
0xc0: {  	[sflag:s28] =	ssyncset.done $0x0  }
0xc1: {  	s10 =	sor.u32 $0x300, s0;
	[sflag:s28] =	ssyncadd.s32 $0xFFFFC000  }
0xc2: {  	[tilespmem:s26], [sflag:$0x1] =	stream.indirect.gather [hbm4b:s1+s23], $0x80, s10, s23, $0xb8;
	[tilespmem:$0x1D000] =	vst v63  }
0xc3: {  	s8 =	sor.u32 $0xA80, s0  }
0xc4: {  	[spmem:s3] =	stream.indirect.scatter.add.f32 [tilespmem:s25], [sflag:$0x5], $0x80, s8, s23, $0xb8;
	[tilespmem:$0x1D000] =	vst v63  }
0xc5: {  	_ =	swait.ge [sflag:s30], $0x400  }
0xc6: {  	[sflag:s30] =	ssyncset.done $0x0  }
0xc7: {  	[sflag:s30] =	ssyncadd.s32 $0xFFFFFC00  }
0xc8: {  	_ =	swait.ge [sflag:s30], $0x400  }
0xc9: {  	[sflag:s30] =	ssyncset.done $0x0  }
0xca: {  	[sflag:s30] =	ssyncadd.s32 $0xFFFFFC00  }
0xcb: {  	_ =	swait.ge [sflag:s24], $0x4000  }
0xcc: {  	[sflag:s24] =	ssyncset.done $0x0  }
0xcd: {  	[sflag:s24] =	ssyncadd.s32 $0xFFFFC000  }
0xce: {  	_ =	swait.ge [sflag:s29], $0x4000  }
0xcf: {  	[sflag:s29] =	ssyncset.done $0x0  }
0xd0: {  	s9 =	sor.u32 $0x380, s0;
	[sflag:s29] =	ssyncadd.s32 $0xFFFFC000  }
0xd1: {  	[tilespmem:s25], [sflag:$0x2] =	stream.indirect.gather [hbm4b:s1+s23], $0x80, s9, s23, $0xb8;
	[tilespmem:$0x1D000] =	vst v63  }
0xd2: {  	s10 =	sor.u32 $0xB00, s0  }
0xd3: {  	[spmem:s3] =	stream.indirect.scatter.add.f32 [tilespmem:s26], [sflag:$0x4], $0x80, s10, s23, $0xb8;
	[tilespmem:$0x1D000] =	vst v63  }
0xd4: {  	s2 =	sadd.s32 $0x1000, s2;
	_ =	swait.ge [sflag:s22], $0x4000  }
0xd5: {  	s19 =	sadd.s32 $0x400, s19;
	s8 =	sand.u32 $0x1000, s2;
	[sflag:s22] =	ssyncset.done $0x0  }
0xd6: {  	s6 =	sshrl.u32 s8, $0x2;
	s8 =	smin.u32 s20, $0x7;
	[sflag:s22] =	ssyncadd.s32 $0xFFFFC000  }
0xd7: {  	p0 =	sne.s32 s19, $0x2800;
	s8 =	sshll.u32 s8, $0xA;
	_ =	swait.ge [sflag:s28], $0x4000  }
.Ltmp0:
0xd8: {  	[sflag:s28] =	ssyncset.done $0x0;
	s9 =	rddreg [dreg:$0x4];
	(pc) =	sbr.rel @p0 .LBB2_2-.Ltmp0, $4  }
0xd9: {  	[sflag:s28] =	ssyncadd.s32 $0xFFFFC000;
	s9 =	sadd.s32 s8, s9  }
0xda: {  	[tilespmem:s26], [sflag:$0x1] =	stream.indirect.gather [hbm4b:s1+s23], $0x80, s6, s23, $0xb8;
	[tilespmem:$0x1D000] =	vst v63  }
0xdb: {  	s20 =	sadd.s32 $0x1, s20;
	s10 =	sor.u32 $0xB80, s0;
	s6 =	sshrl.u32 s9, $0x3  }
0xdc: {  	[spmem:s3] =	stream.indirect.scatter.add.f32 [tilespmem:s25], [sflag:$0x5], $0x80, s10, s23, $0xb8;
	[tilespmem:$0x1D000] =	vst v63  }
0xdd: {  	s2 =	sadd.s32 s5, s6  }
0xde: {  	[tilespmem:s0], [sflag:$0x3] =	stream.linear.gather [hbm4b:s2+s4], $0x400, $0x38;
	[tilespmem:$0x1D000] =	vst v63  }
0xdf: {  	s10 =	sadd.s32 $0xA000, s2  }
0xe0: {  	[tilespmem:s18], [sflag:$0x3] =	stream.linear.gather [hbm4b:s10+s4], $0x400, $0x38;
	[tilespmem:$0x1D000] =	vst v63  }
0xe1: {  	_ =	swait.ge [sflag:s29], $0x4000  }
0xe2: {  	[sflag:s29] =	ssyncset.done $0x0  }
0xe3: {  	[sflag:s29] =	ssyncadd.s32 $0xFFFFC000  }
0xe4: {  	_ =	swait.ge [sflag:s30], $0x400  }
0xe5: {  	[sflag:s30] =	ssyncset.done $0x0  }
0xe6: {  	[sflag:s30] =	ssyncadd.s32 $0xFFFFFC00  }
0xe7: {  	_ =	swait.ge [sflag:s30], $0x400  }
0xe8: {  	[sflag:s30] =	ssyncset.done $0x0  }
0xe9: {  	[sflag:s30] =	ssyncadd.s32 $0xFFFFFC00  }
0xea: {  	s19 =	stileid.u32;
	_ =	swait.ge [sflag:s24], $0x4000  }
0xeb: {  	s20 =	sshrl.u32 s11, $0x3;
	s31 =	sadd.s32 $0x1, s31;
	[sflag:s24] =	ssyncset.done $0x0  }
0xec: {  	s0 =	sshll.u32 s19, $0x6;
	p0 =	sne.s32 s31, s17;
	[sflag:s24] =	ssyncadd.s32 $0xFFFFC000  }
.Ltmp1:
0xed: {  	s0 =	sor.u32 $0x1C06, s0;
	[bflag:$0x0] =	sbarrier.arrive $0xFFFF;
	(pc) =	sbr.rel @p0 .LBB2_1-.Ltmp1, $4  }
0xee: {  	[hbm:s16], [sflag:s0] =	dma.local [spmem:s20], $0x2800  }
0xef: {  	_ =	swait.ge [sflag:s21], $0x2800  }
0xf0: {  	[sflag:s21] =	ssyncset.done $0x0  }
0xf1: {  	[sflag:s21] =	ssyncadd.s32 $0xFFFFD800  }
0xf2: {  	_ =	sfence.sel $0x180000  }
0xf3: {  	[bflag:$0x0] =	sbarrier.arrive $0xFFFF  }
0xf4: {  	_ =	strace $0x9000004A  }
0xf5: {  	s0 =	stileid.u32;
	[bflag:$0x2] =	sbarrier.arrive $0xFFFF  }
0xf6: {  	p0 =	sne.s32 s0, $0x0;
	s0 =	rddreg [dreg:$0x3]  }
0xf7: {  	s0 =	sadd.s32 @!p0 $0x100000, s0  }
0xf8: {  	[sflag:s0] =	ssyncadd.tile.s32 @!p0 $0x1;
	_ =	shalt  }
.Lfunc_end2:
_tile_overlayer_lowered:
.L_overlay_start_2:
0xf9: {  	(tag) =	ssettag $0x2  }
0xfa: {  	s0 =	rddreg [dreg:$0x0];
	s2 =	stileid.u32  }
0xfb: {  	s1 =	rddreg [dreg:$0x1];
	p0 =	sne.s32 s2, $0x0  }
0xfc: {  	s3 =	rddreg [dreg:$0x2];
	[bflag:$0x3] =	sbarrier.arrive $0xFFFF;
	s2 =	simm.s32 @!p0 $0x1C06  }
0xfd: {  	[timem:s3], [sflag:s2] =	dma.local @!p0 [hbm:s0], s1  }
0xfe: {  	s0 =	simm.s32 @!p0 $0x6  }
0xff: {  	_ =	swait.ge @!p0 [sflag:s0], s1  }
0x100: {  	s1 =	ssub.s32 @!p0 $0x0, s1;
	[sflag:s0] =	ssyncset.done @!p0 $0x0  }
0x101: {  	[sflag:s0] =	ssyncadd.s32 @!p0 s1  }
0x102: {  	[bflag:$0x3] =	sbarrier.arrive $0xFFFF  }
0x103: {  	_ =	shalt  }

</sc_bundles>
